<compile_context>
chip_gen: v7x
topology: tpu7x:2x2x1
jax: 0.10.2.dev20260603
libtpu: 0.0.44.dev20260713+nightly
codegen_flags: <defaults>
</compile_context>

<pallas_src>
import functools

import jax
import jax.numpy as jnp
from jax import lax
from jax.experimental import pallas as pl
from jax.experimental.pallas import tpu as pltpu
from jax.experimental.pallas import tpu_sc as plsc

NC = 2
NS = 16
LANES = 16


@functools.lru_cache(maxsize=None)
def _build_sc_scatter(N, D, E, CH):
    NW = NC * NS
    E_W = E // NW
    NCHUNK = E_W // CH
    TAIL = E_W - NCHUNK * CH
    ROWS_W = N // NS
    ZR = 125
    mesh = plsc.VectorSubcoreMesh(
        core_axis_name="c", subcore_axis_name="s",
        num_cores=NC, num_subcores=NS)

    @functools.partial(
        pl.kernel,
        out_type=jax.ShapeDtypeStruct((NC, N, D), jnp.float32),
        mesh=mesh,
        scratch_types=[
            pltpu.VMEM_SHARED((N + 8, D), jnp.float32),
            pltpu.VMEM((CH, D), jnp.float32),
            pltpu.VMEM((CH,), jnp.int32),
            pltpu.VMEM((CH,), jnp.int32),
            pltpu.VMEM((CH,), jnp.float32),
            pltpu.SemaphoreType.DMA,
        ],
        compiler_params=pltpu.CompilerParams(use_tc_tiling_on_sc=False,
                                              needs_layout_passes=False),
    )
    def sc_scatter(src_hbm, dst_hbm, w_hbm, x_hbm, out_hbm,
                   acc, rows, sidx, didx, wbuf, sem):
        c = lax.axis_index("c")
        s = lax.axis_index("s")
        wid = s * NC + c

        with jax.named_scope("acc_zero"):
            def zero_body(r, carry):
                for f in range(D // LANES):
                    rows[r, pl.ds(f * LANES, LANES)] = jnp.zeros((LANES,), jnp.float32)
                return carry
            lax.fori_loop(0, ZR, zero_body, 0)
            slab = s * ROWS_W
            for k in range(ROWS_W // ZR):
                pltpu.sync_copy(rows.at[pl.ds(0, ZR)],
                                acc.at[pl.ds(slab + k * ZR, ZR)])
            plsc.subcore_barrier()

        def scale_rows():
            def group_body(g, gcarry):
                gbase = g * LANES
                for j in range(LANES):
                    e = gbase + j
                    w16 = plsc.load_gather(
                        wbuf, [jnp.full((LANES,), e, jnp.int32)])
                    for f in range(D // LANES):
                        sl = pl.ds(f * LANES, LANES)
                        rows[e, sl] = rows[e, sl] * w16
                return gcarry
            lax.fori_loop(0, CH // LANES, group_body, 0)

        def chunk_body(k, carry):
            base = wid * E_W + k * CH
            with jax.named_scope("idx_fetch"):
                pltpu.sync_copy(src_hbm.at[pl.ds(base, CH)], sidx)
                pltpu.sync_copy(dst_hbm.at[pl.ds(base, CH)], didx)
                pltpu.sync_copy(w_hbm.at[pl.ds(base, CH)], wbuf)
            with jax.named_scope("row_gather"):
                pltpu.async_copy(x_hbm.at[sidx], rows, sem).wait()
            with jax.named_scope("scale"):
                scale_rows()
            with jax.named_scope("scatter_add"):
                pltpu.sync_copy(rows, acc.at[didx], add=True)
            return carry
        lax.fori_loop(0, NCHUNK, chunk_body, 0)

        if TAIL:
            tbase = wid * E_W + NCHUNK * CH
            pltpu.sync_copy(src_hbm.at[pl.ds(tbase, TAIL)],
                            sidx.at[pl.ds(0, TAIL)])
            pltpu.sync_copy(dst_hbm.at[pl.ds(tbase, TAIL)],
                            didx.at[pl.ds(0, TAIL)])
            pltpu.sync_copy(w_hbm.at[pl.ds(tbase, TAIL)],
                            wbuf.at[pl.ds(0, TAIL)])
            for off in range(TAIL, CH, LANES):
                didx[pl.ds(off, LANES)] = jnp.full((LANES,), N, jnp.int32)
                wbuf[pl.ds(off, LANES)] = jnp.zeros((LANES,), jnp.float32)
            pltpu.async_copy(x_hbm.at[sidx], rows, sem).wait()
            scale_rows()
            pltpu.sync_copy(rows, acc.at[didx], add=True)
        plsc.subcore_barrier()

        pltpu.sync_copy(acc.at[pl.ds(slab, ROWS_W)],
                        out_hbm.at[c, pl.ds(slab, ROWS_W)])

    return sc_scatter


@functools.lru_cache(maxsize=None)
def _build_tc_matmul(N, D, DO, BLK):
    def tc_body(p_ref, w_ref, o_ref):
        p = p_ref[0] + p_ref[1]
        o_ref[...] = jnp.maximum(
            jnp.dot(p, w_ref[...], preferred_element_type=jnp.float32), 0.0)

    return pl.pallas_call(
        tc_body,
        grid=(N // BLK,),
        in_specs=[
            pl.BlockSpec((2, BLK, D), lambda i: (0, i, 0)),
            pl.BlockSpec((D, DO), lambda i: (0, 0)),
        ],
        out_specs=pl.BlockSpec((BLK, DO), lambda i: (i, 0)),
        out_shape=jax.ShapeDtypeStruct((N, DO), jnp.float32),
    )


def kernel(x, edge_index, edge_weight, W):
    N, D = x.shape
    DO = W.shape[1]
    E = edge_weight.shape[0]
    src = edge_index[1]
    dst = edge_index[0]
    partial = _build_sc_scatter(N, D, E, 192)(src, dst, edge_weight, x)
    return _build_tc_matmul(N, D, DO, 1000)(partial, W)

# --- scband reference (transcript-rebuilt; emitter-appended) ---
"""Pipeline reference for scband-convolution-sparse-layer-17437567222235 (READ-ONLY COPY).

The authoritative reference and input builder live on the scoring server;
editing this copy changes nothing except your own understanding.
"""

import jax, jax.numpy as jnp
import numpy as np

N = 10000
E = 320000
D_IN = 128
D_OUT = 128

def setup_inputs(seed: int = 0) -> dict:
    key = jax.random.key(seed)
    k1, k2, k3, k4 = jax.random.split(key, 4)
    # Node features (the original uses a sparse feature tensor; the sparse-dense
    # matmul x @ W is mathematically identical with a dense x).
    x = jax.random.normal(k1, (N, D_IN), dtype=jnp.float32)
    # Adjacency in COO form: row = dst (output row of spmm), col = src.
    # int64 requested; jax canonicalizes to int32 without x64 enabled, which is fine.
    edge_index = jax.random.randint(k2, (2, E), 0, N, dtype=jnp.int32)
    edge_weight = jax.random.uniform(k3, (E,), dtype=jnp.float32)
    # Glorot-uniform kernel per add_weight(shape=(input_dim, output_dim)).
    limit = np.sqrt(6.0 / (D_IN + D_OUT)).astype(np.float32)
    W = jax.random.uniform(k4, (D_IN, D_OUT), dtype=jnp.float32, minval=-limit, maxval=limit)
    return {"x": x, "edge_index": edge_index, "edge_weight": edge_weight, "W": W}

def reference(x, edge_index, edge_weight, W):
    # x = tf.sparse.sparse_dense_matmul(x, kernel)
    h = x @ W
    # x = tf.sparse.sparse_dense_matmul(adj, x) -- COO spmm as gather + scatter-add.
    # (tf.sparse.reorder only canonicalizes index order; segment_sum over dst rows
    # with duplicate accumulation is the exact same math.)
    src = edge_index[1]
    dst = edge_index[0]
    msgs = h[src] * edge_weight[:, None]
    out = jax.ops.segment_sum(msgs, dst, num_segments=N)
    # activation('relu')
    return jax.nn.relu(out)

if __name__ == "__main__":
    import jax
    _d = setup_inputs()
    print(jax.jit(kernel)(*tuple(_d.values())))

</pallas_src>

<mosaic_0001>
#map = affine_map<(d0, d1) -> (0)>
#map1 = affine_map<(d0, d1) -> (0, 0)>
#map2 = affine_map<(d0, d1) -> (0, 0, 0)>
module attributes {stable_mosaic.version = 14 : i64} {
  func.func @sc_scatter(%arg0: i32, %arg1: i32, %arg2: memref<320000xi32, #tpu.memory_space<hbm>>, %arg3: memref<320000xi32, #tpu.memory_space<hbm>>, %arg4: memref<320000xf32, #tpu.memory_space<hbm>>, %arg5: memref<10000x128xf32, #tpu.memory_space<hbm>>, %arg6: memref<2x10000x128xf32, #tpu.memory_space<hbm>>, %arg7: memref<10008x128xf32, #tpu.memory_space<vmem_shared>>, %arg8: memref<192x128xf32, #tpu.memory_space<vmem>>, %arg9: memref<192xi32, #tpu.memory_space<vmem>>, %arg10: memref<192xi32, #tpu.memory_space<vmem>>, %arg11: memref<192xf32, #tpu.memory_space<vmem>>, %arg12: memref<!tpu.dma_semaphore, #tpu.memory_space<semaphore_mem>>) attributes {dimension_semantics = [#tpu.dimension_semantics<core_parallel>, #tpu.dimension_semantics<subcore_parallel>], iteration_bounds = array<i64: 2, 16>, scalar_prefetch = 0 : i64, scratch_operands = 6 : i64, tpu.core_type = #tpu.core_type<sc_vector_subcore>, window_params = [{transform_indices = #map}, {transform_indices = #map}, {transform_indices = #map}, {transform_indices = #map1}, {transform_indices = #map2}]} {
    %mul3A = arith.constant 2 : i32
    %mul3A_0 = arith.muli %arg1, %mul3A : i32
    %add3A = arith.addi %mul3A_0, %arg0 : i32
    "tpu.trace_start"() <{level = 10 : i32, message = "acc_zero"}> : () -> ()
    %scan3A = arith.constant 0 : i32
    %scan3A_1 = arith.constant 0 : i32
    %scan3A_2 = arith.constant 125 : i32
    %scan3A_3 = arith.addi %scan3A_1, %scan3A_2 : i32
    %scan3A_4 = arith.constant 1 : i32
    scf.for %scan3A_125 = %scan3A_1 to %scan3A_3 step %scan3A_4  : i32 {
      %broadcast_in_dim3A_126 = arith.constant 0.000000e+00 : f32
      %broadcast_in_dim3A_127 = vector.broadcast %broadcast_in_dim3A_126 : f32 to vector<16xf32>
      %swap3A_128 = arith.index_cast %scan3A_125 : i32 to index
      %swap3A_129 = arith.constant 0 : index
      %swap3A_130 = tpu.vector_load %arg8[%swap3A_128, %swap3A_129] {strides = array<i32>} : memref<192x128xf32, #tpu.memory_space<vmem>>, vector<16xf32>,
      tpu.vector_store %arg8[%swap3A_128, %swap3A_129], %broadcast_in_dim3A_127 {strides = array<i32>} : memref<192x128xf32, #tpu.memory_space<vmem>>, vector<16xf32>,
      %broadcast_in_dim3A_131 = arith.constant 0.000000e+00 : f32
      %broadcast_in_dim3A_132 = vector.broadcast %broadcast_in_dim3A_131 : f32 to vector<16xf32>
      %swap3A_133 = arith.index_cast %scan3A_125 : i32 to index
      %swap3A_134 = arith.constant 16 : index
      %swap3A_135 = tpu.vector_load %arg8[%swap3A_133, %swap3A_134] {strides = array<i32>} : memref<192x128xf32, #tpu.memory_space<vmem>>, vector<16xf32>,
      tpu.vector_store %arg8[%swap3A_133, %swap3A_134], %broadcast_in_dim3A_132 {strides = array<i32>} : memref<192x128xf32, #tpu.memory_space<vmem>>, vector<16xf32>,
      %broadcast_in_dim3A_136 = arith.constant 0.000000e+00 : f32
      %broadcast_in_dim3A_137 = vector.broadcast %broadcast_in_dim3A_136 : f32 to vector<16xf32>
      %swap3A_138 = arith.index_cast %scan3A_125 : i32 to index
      %swap3A_139 = arith.constant 32 : index
      %swap3A_140 = tpu.vector_load %arg8[%swap3A_138, %swap3A_139] {strides = array<i32>} : memref<192x128xf32, #tpu.memory_space<vmem>>, vector<16xf32>,
      tpu.vector_store %arg8[%swap3A_138, %swap3A_139], %broadcast_in_dim3A_137 {strides = array<i32>} : memref<192x128xf32, #tpu.memory_space<vmem>>, vector<16xf32>,
      %broadcast_in_dim3A_141 = arith.constant 0.000000e+00 : f32
      %broadcast_in_dim3A_142 = vector.broadcast %broadcast_in_dim3A_141 : f32 to vector<16xf32>
      %swap3A_143 = arith.index_cast %scan3A_125 : i32 to index
      %swap3A_144 = arith.constant 48 : index
      %swap3A_145 = tpu.vector_load %arg8[%swap3A_143, %swap3A_144] {strides = array<i32>} : memref<192x128xf32, #tpu.memory_space<vmem>>, vector<16xf32>,
      tpu.vector_store %arg8[%swap3A_143, %swap3A_144], %broadcast_in_dim3A_142 {strides = array<i32>} : memref<192x128xf32, #tpu.memory_space<vmem>>, vector<16xf32>,
      %broadcast_in_dim3A_146 = arith.constant 0.000000e+00 : f32
      %broadcast_in_dim3A_147 = vector.broadcast %broadcast_in_dim3A_146 : f32 to vector<16xf32>
      %swap3A_148 = arith.index_cast %scan3A_125 : i32 to index
      %swap3A_149 = arith.constant 64 : index
      %swap3A_150 = tpu.vector_load %arg8[%swap3A_148, %swap3A_149] {strides = array<i32>} : memref<192x128xf32, #tpu.memory_space<vmem>>, vector<16xf32>,
      tpu.vector_store %arg8[%swap3A_148, %swap3A_149], %broadcast_in_dim3A_147 {strides = array<i32>} : memref<192x128xf32, #tpu.memory_space<vmem>>, vector<16xf32>,
      %broadcast_in_dim3A_151 = arith.constant 0.000000e+00 : f32
      %broadcast_in_dim3A_152 = vector.broadcast %broadcast_in_dim3A_151 : f32 to vector<16xf32>
      %swap3A_153 = arith.index_cast %scan3A_125 : i32 to index
      %swap3A_154 = arith.constant 80 : index
      %swap3A_155 = tpu.vector_load %arg8[%swap3A_153, %swap3A_154] {strides = array<i32>} : memref<192x128xf32, #tpu.memory_space<vmem>>, vector<16xf32>,
      tpu.vector_store %arg8[%swap3A_153, %swap3A_154], %broadcast_in_dim3A_152 {strides = array<i32>} : memref<192x128xf32, #tpu.memory_space<vmem>>, vector<16xf32>,
      %broadcast_in_dim3A_156 = arith.constant 0.000000e+00 : f32
      %broadcast_in_dim3A_157 = vector.broadcast %broadcast_in_dim3A_156 : f32 to vector<16xf32>
      %swap3A_158 = arith.index_cast %scan3A_125 : i32 to index
      %swap3A_159 = arith.constant 96 : index
      %swap3A_160 = tpu.vector_load %arg8[%swap3A_158, %swap3A_159] {strides = array<i32>} : memref<192x128xf32, #tpu.memory_space<vmem>>, vector<16xf32>,
      tpu.vector_store %arg8[%swap3A_158, %swap3A_159], %broadcast_in_dim3A_157 {strides = array<i32>} : memref<192x128xf32, #tpu.memory_space<vmem>>, vector<16xf32>,
      %broadcast_in_dim3A_161 = arith.constant 0.000000e+00 : f32
      %broadcast_in_dim3A_162 = vector.broadcast %broadcast_in_dim3A_161 : f32 to vector<16xf32>
      %swap3A_163 = arith.index_cast %scan3A_125 : i32 to index
      %swap3A_164 = arith.constant 112 : index
      %swap3A_165 = tpu.vector_load %arg8[%swap3A_163, %swap3A_164] {strides = array<i32>} : memref<192x128xf32, #tpu.memory_space<vmem>>, vector<16xf32>,
      tpu.vector_store %arg8[%swap3A_163, %swap3A_164], %broadcast_in_dim3A_162 {strides = array<i32>} : memref<192x128xf32, #tpu.memory_space<vmem>>, vector<16xf32>,
    }
    %scan3A_5 = arith.constant 125 : i32
    %mul3A_6 = arith.constant 625 : i32
    %mul3A_7 = arith.muli %arg1, %mul3A_6 : i32
    %add3A_8 = arith.constant 0 : i32
    %add3A_9 = arith.addi %mul3A_7, %add3A_8 : i32
    "tpu.region"() ({
      %run_scoped3A = tpu.sem_alloc : memref<!tpu.dma_semaphore, #tpu.memory_space<semaphore_mem>>
      %dma_start3A_125 = arith.constant 0 : i32
      %dma_start3A_126 = arith.constant 0 : i32
      %dma_start3A_127 = tpu.memref_slice %arg8[%dma_start3A_125, %dma_start3A_126] : memref<192x128xf32, #tpu.memory_space<vmem>> -> memref<125x128xf32, #tpu.memory_space<vmem>>
      %dma_start3A_128 = arith.constant 0 : i32
      %dma_start3A_129 = tpu.memref_slice %arg7[%add3A_9, %dma_start3A_128] : memref<10008x128xf32, #tpu.memory_space<vmem_shared>> -> memref<125x128xf32, #tpu.memory_space<vmem_shared>>
      %dma_start3A_130 = arith.constant 0 : i32
      %dma_start3A_131 = tpu.memref_slice %arg7[%add3A_9, %dma_start3A_130] : memref<10008x128xf32, #tpu.memory_space<vmem_shared>> -> memref<125x128xf32, #tpu.memory_space<vmem_shared>>
      %dma_start3A_132 = arith.constant 0 : i32
      %dma_start3A_133 = arith.constant 0 : i32
      %dma_start3A_134 = tpu.memref_slice %arg8[%dma_start3A_132, %dma_start3A_133] : memref<192x128xf32, #tpu.memory_space<vmem>> -> memref<125x128xf32, #tpu.memory_space<vmem>>
      tpu.enqueue_dma source(%dma_start3A_134 : memref<125x128xf32, #tpu.memory_space<vmem>>) target(%dma_start3A_131 : memref<125x128xf32, #tpu.memory_space<vmem_shared>>) target_semaphore(%run_scoped3A : memref<!tpu.dma_semaphore, #tpu.memory_space<semaphore_mem>>)
      %dma_wait3A_135 = arith.constant 0 : i32
      %dma_wait3A_136 = arith.constant 0 : i32
      %dma_wait3A_137 = tpu.memref_slice %arg8[%dma_wait3A_135, %dma_wait3A_136] : memref<192x128xf32, #tpu.memory_space<vmem>> -> memref<125x128xf32, #tpu.memory_space<vmem>>
      %dma_wait3A_138 = arith.constant 0 : i32
      %dma_wait3A_139 = tpu.memref_slice %arg7[%add3A_9, %dma_wait3A_138] : memref<10008x128xf32, #tpu.memory_space<vmem_shared>> -> memref<125x128xf32, #tpu.memory_space<vmem_shared>>
      %dma_wait3A_140 = arith.constant 0 : i32
      %dma_wait3A_141 = tpu.memref_slice %arg7[%add3A_9, %dma_wait3A_140] : memref<10008x128xf32, #tpu.memory_space<vmem_shared>> -> memref<125x128xf32, #tpu.memory_space<vmem_shared>>
      %dma_wait3A_142 = arith.constant 0 : i32
      %dma_wait3A_143 = arith.constant 0 : i32
      %dma_wait3A_144 = tpu.memref_slice %arg8[%dma_wait3A_142, %dma_wait3A_143] : memref<192x128xf32, #tpu.memory_space<vmem>> -> memref<125x128xf32, #tpu.memory_space<vmem>>
      tpu.wait_dma2 semaphore(%run_scoped3A : memref<!tpu.dma_semaphore, #tpu.memory_space<semaphore_mem>>) src(%dma_wait3A_144 : memref<125x128xf32, #tpu.memory_space<vmem>>) dst(%dma_wait3A_141 : memref<125x128xf32, #tpu.memory_space<vmem_shared>>)
      tpu.yield
    }) : () -> ()
    %add3A_10 = arith.constant 125 : i32
    %add3A_11 = arith.addi %mul3A_7, %add3A_10 : i32
    "tpu.region"() ({
      %run_scoped3A = tpu.sem_alloc : memref<!tpu.dma_semaphore, #tpu.memory_space<semaphore_mem>>
      %dma_start3A_125 = arith.constant 0 : i32
      %dma_start3A_126 = arith.constant 0 : i32
      %dma_start3A_127 = tpu.memref_slice %arg8[%dma_start3A_125, %dma_start3A_126] : memref<192x128xf32, #tpu.memory_space<vmem>> -> memref<125x128xf32, #tpu.memory_space<vmem>>
      %dma_start3A_128 = arith.constant 0 : i32
      %dma_start3A_129 = tpu.memref_slice %arg7[%add3A_11, %dma_start3A_128] : memref<10008x128xf32, #tpu.memory_space<vmem_shared>> -> memref<125x128xf32, #tpu.memory_space<vmem_shared>>
      %dma_start3A_130 = arith.constant 0 : i32
      %dma_start3A_131 = tpu.memref_slice %arg7[%add3A_11, %dma_start3A_130] : memref<10008x128xf32, #tpu.memory_space<vmem_shared>> -> memref<125x128xf32, #tpu.memory_space<vmem_shared>>
      %dma_start3A_132 = arith.constant 0 : i32
      %dma_start3A_133 = arith.constant 0 : i32
      %dma_start3A_134 = tpu.memref_slice %arg8[%dma_start3A_132, %dma_start3A_133] : memref<192x128xf32, #tpu.memory_space<vmem>> -> memref<125x128xf32, #tpu.memory_space<vmem>>
      tpu.enqueue_dma source(%dma_start3A_134 : memref<125x128xf32, #tpu.memory_space<vmem>>) target(%dma_start3A_131 : memref<125x128xf32, #tpu.memory_space<vmem_shared>>) target_semaphore(%run_scoped3A : memref<!tpu.dma_semaphore, #tpu.memory_space<semaphore_mem>>)
      %dma_wait3A_135 = arith.constant 0 : i32
      %dma_wait3A_136 = arith.constant 0 : i32
      %dma_wait3A_137 = tpu.memref_slice %arg8[%dma_wait3A_135, %dma_wait3A_136] : memref<192x128xf32, #tpu.memory_space<vmem>> -> memref<125x128xf32, #tpu.memory_space<vmem>>
      %dma_wait3A_138 = arith.constant 0 : i32
      %dma_wait3A_139 = tpu.memref_slice %arg7[%add3A_11, %dma_wait3A_138] : memref<10008x128xf32, #tpu.memory_space<vmem_shared>> -> memref<125x128xf32, #tpu.memory_space<vmem_shared>>
      %dma_wait3A_140 = arith.constant 0 : i32
      %dma_wait3A_141 = tpu.memref_slice %arg7[%add3A_11, %dma_wait3A_140] : memref<10008x128xf32, #tpu.memory_space<vmem_shared>> -> memref<125x128xf32, #tpu.memory_space<vmem_shared>>
      %dma_wait3A_142 = arith.constant 0 : i32
      %dma_wait3A_143 = arith.constant 0 : i32
      %dma_wait3A_144 = tpu.memref_slice %arg8[%dma_wait3A_142, %dma_wait3A_143] : memref<192x128xf32, #tpu.memory_space<vmem>> -> memref<125x128xf32, #tpu.memory_space<vmem>>
      tpu.wait_dma2 semaphore(%run_scoped3A : memref<!tpu.dma_semaphore, #tpu.memory_space<semaphore_mem>>) src(%dma_wait3A_144 : memref<125x128xf32, #tpu.memory_space<vmem>>) dst(%dma_wait3A_141 : memref<125x128xf32, #tpu.memory_space<vmem_shared>>)
      tpu.yield
    }) : () -> ()
    %add3A_12 = arith.constant 250 : i32
    %add3A_13 = arith.addi %mul3A_7, %add3A_12 : i32
    "tpu.region"() ({
      %run_scoped3A = tpu.sem_alloc : memref<!tpu.dma_semaphore, #tpu.memory_space<semaphore_mem>>
      %dma_start3A_125 = arith.constant 0 : i32
      %dma_start3A_126 = arith.constant 0 : i32
      %dma_start3A_127 = tpu.memref_slice %arg8[%dma_start3A_125, %dma_start3A_126] : memref<192x128xf32, #tpu.memory_space<vmem>> -> memref<125x128xf32, #tpu.memory_space<vmem>>
      %dma_start3A_128 = arith.constant 0 : i32
      %dma_start3A_129 = tpu.memref_slice %arg7[%add3A_13, %dma_start3A_128] : memref<10008x128xf32, #tpu.memory_space<vmem_shared>> -> memref<125x128xf32, #tpu.memory_space<vmem_shared>>
      %dma_start3A_130 = arith.constant 0 : i32
      %dma_start3A_131 = tpu.memref_slice %arg7[%add3A_13, %dma_start3A_130] : memref<10008x128xf32, #tpu.memory_space<vmem_shared>> -> memref<125x128xf32, #tpu.memory_space<vmem_shared>>
      %dma_start3A_132 = arith.constant 0 : i32
      %dma_start3A_133 = arith.constant 0 : i32
      %dma_start3A_134 = tpu.memref_slice %arg8[%dma_start3A_132, %dma_start3A_133] : memref<192x128xf32, #tpu.memory_space<vmem>> -> memref<125x128xf32, #tpu.memory_space<vmem>>
      tpu.enqueue_dma source(%dma_start3A_134 : memref<125x128xf32, #tpu.memory_space<vmem>>) target(%dma_start3A_131 : memref<125x128xf32, #tpu.memory_space<vmem_shared>>) target_semaphore(%run_scoped3A : memref<!tpu.dma_semaphore, #tpu.memory_space<semaphore_mem>>)
      %dma_wait3A_135 = arith.constant 0 : i32
      %dma_wait3A_136 = arith.constant 0 : i32
      %dma_wait3A_137 = tpu.memref_slice %arg8[%dma_wait3A_135, %dma_wait3A_136] : memref<192x128xf32, #tpu.memory_space<vmem>> -> memref<125x128xf32, #tpu.memory_space<vmem>>
      %dma_wait3A_138 = arith.constant 0 : i32
      %dma_wait3A_139 = tpu.memref_slice %arg7[%add3A_13, %dma_wait3A_138] : memref<10008x128xf32, #tpu.memory_space<vmem_shared>> -> memref<125x128xf32, #tpu.memory_space<vmem_shared>>
      %dma_wait3A_140 = arith.constant 0 : i32
      %dma_wait3A_141 = tpu.memref_slice %arg7[%add3A_13, %dma_wait3A_140] : memref<10008x128xf32, #tpu.memory_space<vmem_shared>> -> memref<125x128xf32, #tpu.memory_space<vmem_shared>>
      %dma_wait3A_142 = arith.constant 0 : i32
      %dma_wait3A_143 = arith.constant 0 : i32
      %dma_wait3A_144 = tpu.memref_slice %arg8[%dma_wait3A_142, %dma_wait3A_143] : memref<192x128xf32, #tpu.memory_space<vmem>> -> memref<125x128xf32, #tpu.memory_space<vmem>>
      tpu.wait_dma2 semaphore(%run_scoped3A : memref<!tpu.dma_semaphore, #tpu.memory_space<semaphore_mem>>) src(%dma_wait3A_144 : memref<125x128xf32, #tpu.memory_space<vmem>>) dst(%dma_wait3A_141 : memref<125x128xf32, #tpu.memory_space<vmem_shared>>)
      tpu.yield
    }) : () -> ()
    %add3A_14 = arith.constant 375 : i32
    %add3A_15 = arith.addi %mul3A_7, %add3A_14 : i32
    "tpu.region"() ({
      %run_scoped3A = tpu.sem_alloc : memref<!tpu.dma_semaphore, #tpu.memory_space<semaphore_mem>>
      %dma_start3A_125 = arith.constant 0 : i32
      %dma_start3A_126 = arith.constant 0 : i32
      %dma_start3A_127 = tpu.memref_slice %arg8[%dma_start3A_125, %dma_start3A_126] : memref<192x128xf32, #tpu.memory_space<vmem>> -> memref<125x128xf32, #tpu.memory_space<vmem>>
      %dma_start3A_128 = arith.constant 0 : i32
      %dma_start3A_129 = tpu.memref_slice %arg7[%add3A_15, %dma_start3A_128] : memref<10008x128xf32, #tpu.memory_space<vmem_shared>> -> memref<125x128xf32, #tpu.memory_space<vmem_shared>>
      %dma_start3A_130 = arith.constant 0 : i32
      %dma_start3A_131 = tpu.memref_slice %arg7[%add3A_15, %dma_start3A_130] : memref<10008x128xf32, #tpu.memory_space<vmem_shared>> -> memref<125x128xf32, #tpu.memory_space<vmem_shared>>
      %dma_start3A_132 = arith.constant 0 : i32
      %dma_start3A_133 = arith.constant 0 : i32
      %dma_start3A_134 = tpu.memref_slice %arg8[%dma_start3A_132, %dma_start3A_133] : memref<192x128xf32, #tpu.memory_space<vmem>> -> memref<125x128xf32, #tpu.memory_space<vmem>>
      tpu.enqueue_dma source(%dma_start3A_134 : memref<125x128xf32, #tpu.memory_space<vmem>>) target(%dma_start3A_131 : memref<125x128xf32, #tpu.memory_space<vmem_shared>>) target_semaphore(%run_scoped3A : memref<!tpu.dma_semaphore, #tpu.memory_space<semaphore_mem>>)
      %dma_wait3A_135 = arith.constant 0 : i32
      %dma_wait3A_136 = arith.constant 0 : i32
      %dma_wait3A_137 = tpu.memref_slice %arg8[%dma_wait3A_135, %dma_wait3A_136] : memref<192x128xf32, #tpu.memory_space<vmem>> -> memref<125x128xf32, #tpu.memory_space<vmem>>
      %dma_wait3A_138 = arith.constant 0 : i32
      %dma_wait3A_139 = tpu.memref_slice %arg7[%add3A_15, %dma_wait3A_138] : memref<10008x128xf32, #tpu.memory_space<vmem_shared>> -> memref<125x128xf32, #tpu.memory_space<vmem_shared>>
      %dma_wait3A_140 = arith.constant 0 : i32
      %dma_wait3A_141 = tpu.memref_slice %arg7[%add3A_15, %dma_wait3A_140] : memref<10008x128xf32, #tpu.memory_space<vmem_shared>> -> memref<125x128xf32, #tpu.memory_space<vmem_shared>>
      %dma_wait3A_142 = arith.constant 0 : i32
      %dma_wait3A_143 = arith.constant 0 : i32
      %dma_wait3A_144 = tpu.memref_slice %arg8[%dma_wait3A_142, %dma_wait3A_143] : memref<192x128xf32, #tpu.memory_space<vmem>> -> memref<125x128xf32, #tpu.memory_space<vmem>>
      tpu.wait_dma2 semaphore(%run_scoped3A : memref<!tpu.dma_semaphore, #tpu.memory_space<semaphore_mem>>) src(%dma_wait3A_144 : memref<125x128xf32, #tpu.memory_space<vmem>>) dst(%dma_wait3A_141 : memref<125x128xf32, #tpu.memory_space<vmem_shared>>)
      tpu.yield
    }) : () -> ()
    %add3A_16 = arith.constant 500 : i32
    %add3A_17 = arith.addi %mul3A_7, %add3A_16 : i32
    "tpu.region"() ({
      %run_scoped3A = tpu.sem_alloc : memref<!tpu.dma_semaphore, #tpu.memory_space<semaphore_mem>>
      %dma_start3A_125 = arith.constant 0 : i32
      %dma_start3A_126 = arith.constant 0 : i32
      %dma_start3A_127 = tpu.memref_slice %arg8[%dma_start3A_125, %dma_start3A_126] : memref<192x128xf32, #tpu.memory_space<vmem>> -> memref<125x128xf32, #tpu.memory_space<vmem>>
      %dma_start3A_128 = arith.constant 0 : i32
      %dma_start3A_129 = tpu.memref_slice %arg7[%add3A_17, %dma_start3A_128] : memref<10008x128xf32, #tpu.memory_space<vmem_shared>> -> memref<125x128xf32, #tpu.memory_space<vmem_shared>>
      %dma_start3A_130 = arith.constant 0 : i32
      %dma_start3A_131 = tpu.memref_slice %arg7[%add3A_17, %dma_start3A_130] : memref<10008x128xf32, #tpu.memory_space<vmem_shared>> -> memref<125x128xf32, #tpu.memory_space<vmem_shared>>
      %dma_start3A_132 = arith.constant 0 : i32
      %dma_start3A_133 = arith.constant 0 : i32
      %dma_start3A_134 = tpu.memref_slice %arg8[%dma_start3A_132, %dma_start3A_133] : memref<192x128xf32, #tpu.memory_space<vmem>> -> memref<125x128xf32, #tpu.memory_space<vmem>>
      tpu.enqueue_dma source(%dma_start3A_134 : memref<125x128xf32, #tpu.memory_space<vmem>>) target(%dma_start3A_131 : memref<125x128xf32, #tpu.memory_space<vmem_shared>>) target_semaphore(%run_scoped3A : memref<!tpu.dma_semaphore, #tpu.memory_space<semaphore_mem>>)
      %dma_wait3A_135 = arith.constant 0 : i32
      %dma_wait3A_136 = arith.constant 0 : i32
      %dma_wait3A_137 = tpu.memref_slice %arg8[%dma_wait3A_135, %dma_wait3A_136] : memref<192x128xf32, #tpu.memory_space<vmem>> -> memref<125x128xf32, #tpu.memory_space<vmem>>
      %dma_wait3A_138 = arith.constant 0 : i32
      %dma_wait3A_139 = tpu.memref_slice %arg7[%add3A_17, %dma_wait3A_138] : memref<10008x128xf32, #tpu.memory_space<vmem_shared>> -> memref<125x128xf32, #tpu.memory_space<vmem_shared>>
      %dma_wait3A_140 = arith.constant 0 : i32
      %dma_wait3A_141 = tpu.memref_slice %arg7[%add3A_17, %dma_wait3A_140] : memref<10008x128xf32, #tpu.memory_space<vmem_shared>> -> memref<125x128xf32, #tpu.memory_space<vmem_shared>>
      %dma_wait3A_142 = arith.constant 0 : i32
      %dma_wait3A_143 = arith.constant 0 : i32
      %dma_wait3A_144 = tpu.memref_slice %arg8[%dma_wait3A_142, %dma_wait3A_143] : memref<192x128xf32, #tpu.memory_space<vmem>> -> memref<125x128xf32, #tpu.memory_space<vmem>>
      tpu.wait_dma2 semaphore(%run_scoped3A : memref<!tpu.dma_semaphore, #tpu.memory_space<semaphore_mem>>) src(%dma_wait3A_144 : memref<125x128xf32, #tpu.memory_space<vmem>>) dst(%dma_wait3A_141 : memref<125x128xf32, #tpu.memory_space<vmem_shared>>)
      tpu.yield
    }) : () -> ()
    %barrier3A = arith.constant 0 : index
    tpu.barrier barrier_id(%barrier3A)
    "tpu.trace_stop"() : () -> ()
    %scan3A_18 = arith.constant 0 : i32
    %scan3A_19 = arith.constant 0 : i32
    %scan3A_20 = arith.constant 52 : i32
    %scan3A_21 = arith.addi %scan3A_19, %scan3A_20 : i32
    %scan3A_22 = arith.constant 1 : i32
    scf.for %scan3A_125 = %scan3A_19 to %scan3A_21 step %scan3A_22  : i32 {
      %mul3A_126 = arith.constant 10000 : i32
      %mul3A_127 = arith.muli %add3A, %mul3A_126 : i32
      %mul3A_128 = arith.constant 192 : i32
      %mul3A_129 = arith.muli %scan3A_125, %mul3A_128 : i32
      %add3A_130 = arith.addi %mul3A_127, %mul3A_129 : i32
      "tpu.trace_start"() <{level = 10 : i32, message = "idx_fetch"}> : () -> ()
      "tpu.region"() ({
        %run_scoped3A = tpu.sem_alloc : memref<!tpu.dma_semaphore, #tpu.memory_space<semaphore_mem>>
        %dma_start3A_143 = tpu.memref_slice %arg2[%add3A_130] : memref<320000xi32, #tpu.memory_space<hbm>> -> memref<192xi32, #tpu.memory_space<hbm>>
        %dma_start3A_144 = tpu.memref_slice %arg2[%add3A_130] : memref<320000xi32, #tpu.memory_space<hbm>> -> memref<192xi32, #tpu.memory_space<hbm>>
        tpu.enqueue_dma source(%dma_start3A_144 : memref<192xi32, #tpu.memory_space<hbm>>) target(%arg9 : memref<192xi32, #tpu.memory_space<vmem>>) target_semaphore(%run_scoped3A : memref<!tpu.dma_semaphore, #tpu.memory_space<semaphore_mem>>)
        %dma_wait3A_145 = tpu.memref_slice %arg2[%add3A_130] : memref<320000xi32, #tpu.memory_space<hbm>> -> memref<192xi32, #tpu.memory_space<hbm>>
        %dma_wait3A_146 = tpu.memref_slice %arg2[%add3A_130] : memref<320000xi32, #tpu.memory_space<hbm>> -> memref<192xi32, #tpu.memory_space<hbm>>
        tpu.wait_dma2 semaphore(%run_scoped3A : memref<!tpu.dma_semaphore, #tpu.memory_space<semaphore_mem>>) src(%dma_wait3A_146 : memref<192xi32, #tpu.memory_space<hbm>>) dst(%arg9 : memref<192xi32, #tpu.memory_space<vmem>>)
        tpu.yield
      }) : () -> ()
      "tpu.region"() ({
        %run_scoped3A = tpu.sem_alloc : memref<!tpu.dma_semaphore, #tpu.memory_space<semaphore_mem>>
        %dma_start3A_143 = tpu.memref_slice %arg3[%add3A_130] : memref<320000xi32, #tpu.memory_space<hbm>> -> memref<192xi32, #tpu.memory_space<hbm>>
        %dma_start3A_144 = tpu.memref_slice %arg3[%add3A_130] : memref<320000xi32, #tpu.memory_space<hbm>> -> memref<192xi32, #tpu.memory_space<hbm>>
        tpu.enqueue_dma source(%dma_start3A_144 : memref<192xi32, #tpu.memory_space<hbm>>) target(%arg10 : memref<192xi32, #tpu.memory_space<vmem>>) target_semaphore(%run_scoped3A : memref<!tpu.dma_semaphore, #tpu.memory_space<semaphore_mem>>)
        %dma_wait3A_145 = tpu.memref_slice %arg3[%add3A_130] : memref<320000xi32, #tpu.memory_space<hbm>> -> memref<192xi32, #tpu.memory_space<hbm>>
        %dma_wait3A_146 = tpu.memref_slice %arg3[%add3A_130] : memref<320000xi32, #tpu.memory_space<hbm>> -> memref<192xi32, #tpu.memory_space<hbm>>
        tpu.wait_dma2 semaphore(%run_scoped3A : memref<!tpu.dma_semaphore, #tpu.memory_space<semaphore_mem>>) src(%dma_wait3A_146 : memref<192xi32, #tpu.memory_space<hbm>>) dst(%arg10 : memref<192xi32, #tpu.memory_space<vmem>>)
        tpu.yield
      }) : () -> ()
      "tpu.region"() ({
        %run_scoped3A = tpu.sem_alloc : memref<!tpu.dma_semaphore, #tpu.memory_space<semaphore_mem>>
        %dma_start3A_143 = tpu.memref_slice %arg4[%add3A_130] : memref<320000xf32, #tpu.memory_space<hbm>> -> memref<192xf32, #tpu.memory_space<hbm>>
        %dma_start3A_144 = tpu.memref_slice %arg4[%add3A_130] : memref<320000xf32, #tpu.memory_space<hbm>> -> memref<192xf32, #tpu.memory_space<hbm>>
        tpu.enqueue_dma source(%dma_start3A_144 : memref<192xf32, #tpu.memory_space<hbm>>) target(%arg11 : memref<192xf32, #tpu.memory_space<vmem>>) target_semaphore(%run_scoped3A : memref<!tpu.dma_semaphore, #tpu.memory_space<semaphore_mem>>)
        %dma_wait3A_145 = tpu.memref_slice %arg4[%add3A_130] : memref<320000xf32, #tpu.memory_space<hbm>> -> memref<192xf32, #tpu.memory_space<hbm>>
        %dma_wait3A_146 = tpu.memref_slice %arg4[%add3A_130] : memref<320000xf32, #tpu.memory_space<hbm>> -> memref<192xf32, #tpu.memory_space<hbm>>
        tpu.wait_dma2 semaphore(%run_scoped3A : memref<!tpu.dma_semaphore, #tpu.memory_space<semaphore_mem>>) src(%dma_wait3A_146 : memref<192xf32, #tpu.memory_space<hbm>>) dst(%arg11 : memref<192xf32, #tpu.memory_space<vmem>>)
        tpu.yield
      }) : () -> ()
      "tpu.trace_stop"() : () -> ()
      "tpu.trace_start"() <{level = 10 : i32, message = "row_gather"}> : () -> ()
      %dma_start3A_131 = arith.constant 0 : i32
      %dma_start3A_132 = arith.constant 0 : i32
      %dma_start3A_133 = tpu.memref_slice %arg5[%dma_start3A_131, %dma_start3A_132] : memref<10000x128xf32, #tpu.memory_space<hbm>> -> memref<10000x128xf32, #tpu.memory_space<hbm>>
      tpu.enqueue_indirect_dma source(%dma_start3A_133 : memref<10000x128xf32, #tpu.memory_space<hbm>>) target(%arg8 : memref<192x128xf32, #tpu.memory_space<vmem>>) offsets(%arg9 : memref<192xi32, #tpu.memory_space<vmem>>) semaphore(%arg12 : memref<!tpu.dma_semaphore, #tpu.memory_space<semaphore_mem>>)
      %dma_wait3A_134 = arith.constant 0 : i32
      %dma_wait3A_135 = arith.constant 0 : i32
      %dma_wait3A_136 = tpu.memref_slice %arg5[%dma_wait3A_134, %dma_wait3A_135] : memref<10000x128xf32, #tpu.memory_space<hbm>> -> memref<10000x128xf32, #tpu.memory_space<hbm>>
      tpu.wait_indirect_dma semaphore(%arg12 : memref<!tpu.dma_semaphore, #tpu.memory_space<semaphore_mem>>) src(%dma_wait3A_136 : memref<10000x128xf32, #tpu.memory_space<hbm>>) dst(%arg8 : memref<192x128xf32, #tpu.memory_space<vmem>>)
      "tpu.trace_stop"() : () -> ()
      "tpu.trace_start"() <{level = 10 : i32, message = "scale"}> : () -> ()
      %scan3A_137 = arith.constant 0 : i32
      %scan3A_138 = arith.constant 0 : i32
      %scan3A_139 = arith.constant 12 : i32
      %scan3A_140 = arith.addi %scan3A_138, %scan3A_139 : i32
      %scan3A_141 = arith.constant 1 : i32
      scf.for %scan3A_143 = %scan3A_138 to %scan3A_140 step %scan3A_141  : i32 {
        %mul3A_144 = arith.constant 16 : i32
        %mul3A_145 = arith.muli %scan3A_143, %mul3A_144 : i32
        %add3A_146 = arith.constant 0 : i32
        %add3A_147 = arith.addi %mul3A_145, %add3A_146 : i32
        %broadcast_in_dim3A_148 = vector.broadcast %add3A_147 : i32 to vector<16xi32>
        %gather3A = tpu.vector_load_idx %arg11[%broadcast_in_dim3A_148] : memref<192xf32, #tpu.memory_space<vmem>>[vector<16xi32>], vector<16xf32>,
        %get3A = arith.index_cast %add3A_147 : i32 to index
        %get3A_149 = arith.constant 0 : index
        %get3A_150 = tpu.vector_load %arg8[%get3A, %get3A_149] {strides = array<i32>} : memref<192x128xf32, #tpu.memory_space<vmem>>, vector<16xf32>,
        %mul3A_151 = arith.mulf %get3A_150, %gather3A : vector<16xf32>
        %swap3A_152 = arith.index_cast %add3A_147 : i32 to index
        %swap3A_153 = arith.constant 0 : index
        %swap3A_154 = tpu.vector_load %arg8[%swap3A_152, %swap3A_153] {strides = array<i32>} : memref<192x128xf32, #tpu.memory_space<vmem>>, vector<16xf32>,
        tpu.vector_store %arg8[%swap3A_152, %swap3A_153], %mul3A_151 {strides = array<i32>} : memref<192x128xf32, #tpu.memory_space<vmem>>, vector<16xf32>,
        %get3A_155 = arith.index_cast %add3A_147 : i32 to index
        %get3A_156 = arith.constant 16 : index
        %get3A_157 = tpu.vector_load %arg8[%get3A_155, %get3A_156] {strides = array<i32>} : memref<192x128xf32, #tpu.memory_space<vmem>>, vector<16xf32>,
        %mul3A_158 = arith.mulf %get3A_157, %gather3A : vector<16xf32>
        %swap3A_159 = arith.index_cast %add3A_147 : i32 to index
        %swap3A_160 = arith.constant 16 : index
        %swap3A_161 = tpu.vector_load %arg8[%swap3A_159, %swap3A_160] {strides = array<i32>} : memref<192x128xf32, #tpu.memory_space<vmem>>, vector<16xf32>,
        tpu.vector_store %arg8[%swap3A_159, %swap3A_160], %mul3A_158 {strides = array<i32>} : memref<192x128xf32, #tpu.memory_space<vmem>>, vector<16xf32>,
        %get3A_162 = arith.index_cast %add3A_147 : i32 to index
        %get3A_163 = arith.constant 32 : index
        %get3A_164 = tpu.vector_load %arg8[%get3A_162, %get3A_163] {strides = array<i32>} : memref<192x128xf32, #tpu.memory_space<vmem>>, vector<16xf32>,
        %mul3A_165 = arith.mulf %get3A_164, %gather3A : vector<16xf32>
        %swap3A_166 = arith.index_cast %add3A_147 : i32 to index
        %swap3A_167 = arith.constant 32 : index
        %swap3A_168 = tpu.vector_load %arg8[%swap3A_166, %swap3A_167] {strides = array<i32>} : memref<192x128xf32, #tpu.memory_space<vmem>>, vector<16xf32>,
        tpu.vector_store %arg8[%swap3A_166, %swap3A_167], %mul3A_165 {strides = array<i32>} : memref<192x128xf32, #tpu.memory_space<vmem>>, vector<16xf32>,
        %get3A_169 = arith.index_cast %add3A_147 : i32 to index
        %get3A_170 = arith.constant 48 : index
        %get3A_171 = tpu.vector_load %arg8[%get3A_169, %get3A_170] {strides = array<i32>} : memref<192x128xf32, #tpu.memory_space<vmem>>, vector<16xf32>,
        %mul3A_172 = arith.mulf %get3A_171, %gather3A : vector<16xf32>
        %swap3A_173 = arith.index_cast %add3A_147 : i32 to index
        %swap3A_174 = arith.constant 48 : index
        %swap3A_175 = tpu.vector_load %arg8[%swap3A_173, %swap3A_174] {strides = array<i32>} : memref<192x128xf32, #tpu.memory_space<vmem>>, vector<16xf32>,
        tpu.vector_store %arg8[%swap3A_173, %swap3A_174], %mul3A_172 {strides = array<i32>} : memref<192x128xf32, #tpu.memory_space<vmem>>, vector<16xf32>,
        %get3A_176 = arith.index_cast %add3A_147 : i32 to index
        %get3A_177 = arith.constant 64 : index
        %get3A_178 = tpu.vector_load %arg8[%get3A_176, %get3A_177] {strides = array<i32>} : memref<192x128xf32, #tpu.memory_space<vmem>>, vector<16xf32>,
        %mul3A_179 = arith.mulf %get3A_178, %gather3A : vector<16xf32>
        %swap3A_180 = arith.index_cast %add3A_147 : i32 to index
        %swap3A_181 = arith.constant 64 : index
        %swap3A_182 = tpu.vector_load %arg8[%swap3A_180, %swap3A_181] {strides = array<i32>} : memref<192x128xf32, #tpu.memory_space<vmem>>, vector<16xf32>,
        tpu.vector_store %arg8[%swap3A_180, %swap3A_181], %mul3A_179 {strides = array<i32>} : memref<192x128xf32, #tpu.memory_space<vmem>>, vector<16xf32>,
        %get3A_183 = arith.index_cast %add3A_147 : i32 to index
        %get3A_184 = arith.constant 80 : index
        %get3A_185 = tpu.vector_load %arg8[%get3A_183, %get3A_184] {strides = array<i32>} : memref<192x128xf32, #tpu.memory_space<vmem>>, vector<16xf32>,
        %mul3A_186 = arith.mulf %get3A_185, %gather3A : vector<16xf32>
        %swap3A_187 = arith.index_cast %add3A_147 : i32 to index
        %swap3A_188 = arith.constant 80 : index
        %swap3A_189 = tpu.vector_load %arg8[%swap3A_187, %swap3A_188] {strides = array<i32>} : memref<192x128xf32, #tpu.memory_space<vmem>>, vector<16xf32>,
        tpu.vector_store %arg8[%swap3A_187, %swap3A_188], %mul3A_186 {strides = array<i32>} : memref<192x128xf32, #tpu.memory_space<vmem>>, vector<16xf32>,
        %get3A_190 = arith.index_cast %add3A_147 : i32 to index
        %get3A_191 = arith.constant 96 : index
        %get3A_192 = tpu.vector_load %arg8[%get3A_190, %get3A_191] {strides = array<i32>} : memref<192x128xf32, #tpu.memory_space<vmem>>, vector<16xf32>,
        %mul3A_193 = arith.mulf %get3A_192, %gather3A : vector<16xf32>
        %swap3A_194 = arith.index_cast %add3A_147 : i32 to index
        %swap3A_195 = arith.constant 96 : index
        %swap3A_196 = tpu.vector_load %arg8[%swap3A_194, %swap3A_195] {strides = array<i32>} : memref<192x128xf32, #tpu.memory_space<vmem>>, vector<16xf32>,
        tpu.vector_store %arg8[%swap3A_194, %swap3A_195], %mul3A_193 {strides = array<i32>} : memref<192x128xf32, #tpu.memory_space<vmem>>, vector<16xf32>,
        %get3A_197 = arith.index_cast %add3A_147 : i32 to index
        %get3A_198 = arith.constant 112 : index
        %get3A_199 = tpu.vector_load %arg8[%get3A_197, %get3A_198] {strides = array<i32>} : memref<192x128xf32, #tpu.memory_space<vmem>>, vector<16xf32>,
        %mul3A_200 = arith.mulf %get3A_199, %gather3A : vector<16xf32>
        %swap3A_201 = arith.index_cast %add3A_147 : i32 to index
        %swap3A_202 = arith.constant 112 : index
        %swap3A_203 = tpu.vector_load %arg8[%swap3A_201, %swap3A_202] {strides = array<i32>} : memref<192x128xf32, #tpu.memory_space<vmem>>, vector<16xf32>,
        tpu.vector_store %arg8[%swap3A_201, %swap3A_202], %mul3A_200 {strides = array<i32>} : memref<192x128xf32, #tpu.memory_space<vmem>>, vector<16xf32>,
        %add3A_204 = arith.constant 1 : i32
        %add3A_205 = arith.addi %mul3A_145, %add3A_204 : i32
        %broadcast_in_dim3A_206 = vector.broadcast %add3A_205 : i32 to vector<16xi32>
        %gather3A_207 = tpu.vector_load_idx %arg11[%broadcast_in_dim3A_206] : memref<192xf32, #tpu.memory_space<vmem>>[vector<16xi32>], vector<16xf32>,
        %get3A_208 = arith.index_cast %add3A_205 : i32 to index
        %get3A_209 = arith.constant 0 : index
        %get3A_210 = tpu.vector_load %arg8[%get3A_208, %get3A_209] {strides = array<i32>} : memref<192x128xf32, #tpu.memory_space<vmem>>, vector<16xf32>,
        %mul3A_211 = arith.mulf %get3A_210, %gather3A_207 : vector<16xf32>
        %swap3A_212 = arith.index_cast %add3A_205 : i32 to index
        %swap3A_213 = arith.constant 0 : index
        %swap3A_214 = tpu.vector_load %arg8[%swap3A_212, %swap3A_213] {strides = array<i32>} : memref<192x128xf32, #tpu.memory_space<vmem>>, vector<16xf32>,
        tpu.vector_store %arg8[%swap3A_212, %swap3A_213], %mul3A_211 {strides = array<i32>} : memref<192x128xf32, #tpu.memory_space<vmem>>, vector<16xf32>,
        %get3A_215 = arith.index_cast %add3A_205 : i32 to index
        %get3A_216 = arith.constant 16 : index
        %get3A_217 = tpu.vector_load %arg8[%get3A_215, %get3A_216] {strides = array<i32>} : memref<192x128xf32, #tpu.memory_space<vmem>>, vector<16xf32>,
        %mul3A_218 = arith.mulf %get3A_217, %gather3A_207 : vector<16xf32>
        %swap3A_219 = arith.index_cast %add3A_205 : i32 to index
        %swap3A_220 = arith.constant 16 : index
        %swap3A_221 = tpu.vector_load %arg8[%swap3A_219, %swap3A_220] {strides = array<i32>} : memref<192x128xf32, #tpu.memory_space<vmem>>, vector<16xf32>,
        tpu.vector_store %arg8[%swap3A_219, %swap3A_220], %mul3A_218 {strides = array<i32>} : memref<192x128xf32, #tpu.memory_space<vmem>>, vector<16xf32>,
        %get3A_222 = arith.index_cast %add3A_205 : i32 to index
        %get3A_223 = arith.constant 32 : index
        %get3A_224 = tpu.vector_load %arg8[%get3A_222, %get3A_223] {strides = array<i32>} : memref<192x128xf32, #tpu.memory_space<vmem>>, vector<16xf32>,
        %mul3A_225 = arith.mulf %get3A_224, %gather3A_207 : vector<16xf32>
        %swap3A_226 = arith.index_cast %add3A_205 : i32 to index
        %swap3A_227 = arith.constant 32 : index
        %swap3A_228 = tpu.vector_load %arg8[%swap3A_226, %swap3A_227] {strides = array<i32>} : memref<192x128xf32, #tpu.memory_space<vmem>>, vector<16xf32>,
        tpu.vector_store %arg8[%swap3A_226, %swap3A_227], %mul3A_225 {strides = array<i32>} : memref<192x128xf32, #tpu.memory_space<vmem>>, vector<16xf32>,
        %get3A_229 = arith.index_cast %add3A_205 : i32 to index
        %get3A_230 = arith.constant 48 : index
        %get3A_231 = tpu.vector_load %arg8[%get3A_229, %get3A_230] {strides = array<i32>} : memref<192x128xf32, #tpu.memory_space<vmem>>, vector<16xf32>,
        %mul3A_232 = arith.mulf %get3A_231, %gather3A_207 : vector<16xf32>
        %swap3A_233 = arith.index_cast %add3A_205 : i32 to index
        %swap3A_234 = arith.constant 48 : index
        %swap3A_235 = tpu.vector_load %arg8[%swap3A_233, %swap3A_234] {strides = array<i32>} : memref<192x128xf32, #tpu.memory_space<vmem>>, vector<16xf32>,
        tpu.vector_store %arg8[%swap3A_233, %swap3A_234], %mul3A_232 {strides = array<i32>} : memref<192x128xf32, #tpu.memory_space<vmem>>, vector<16xf32>,
        %get3A_236 = arith.index_cast %add3A_205 : i32 to index
        %get3A_237 = arith.constant 64 : index
        %get3A_238 = tpu.vector_load %arg8[%get3A_236, %get3A_237] {strides = array<i32>} : memref<192x128xf32, #tpu.memory_space<vmem>>, vector<16xf32>,
        %mul3A_239 = arith.mulf %get3A_238, %gather3A_207 : vector<16xf32>
        %swap3A_240 = arith.index_cast %add3A_205 : i32 to index
        %swap3A_241 = arith.constant 64 : index
        %swap3A_242 = tpu.vector_load %arg8[%swap3A_240, %swap3A_241] {strides = array<i32>} : memref<192x128xf32, #tpu.memory_space<vmem>>, vector<16xf32>,
        tpu.vector_store %arg8[%swap3A_240, %swap3A_241], %mul3A_239 {strides = array<i32>} : memref<192x128xf32, #tpu.memory_space<vmem>>, vector<16xf32>,
        %get3A_243 = arith.index_cast %add3A_205 : i32 to index
        %get3A_244 = arith.constant 80 : index
        %get3A_245 = tpu.vector_load %arg8[%get3A_243, %get3A_244] {strides = array<i32>} : memref<192x128xf32, #tpu.memory_space<vmem>>, vector<16xf32>,
        %mul3A_246 = arith.mulf %get3A_245, %gather3A_207 : vector<16xf32>
        %swap3A_247 = arith.index_cast %add3A_205 : i32 to index
        %swap3A_248 = arith.constant 80 : index
        %swap3A_249 = tpu.vector_load %arg8[%swap3A_247, %swap3A_248] {strides = array<i32>} : memref<192x128xf32, #tpu.memory_space<vmem>>, vector<16xf32>,
        tpu.vector_store %arg8[%swap3A_247, %swap3A_248], %mul3A_246 {strides = array<i32>} : memref<192x128xf32, #tpu.memory_space<vmem>>, vector<16xf32>,
        %get3A_250 = arith.index_cast %add3A_205 : i32 to index
        %get3A_251 = arith.constant 96 : index
        %get3A_252 = tpu.vector_load %arg8[%get3A_250, %get3A_251] {strides = array<i32>} : memref<192x128xf32, #tpu.memory_space<vmem>>, vector<16xf32>,
        %mul3A_253 = arith.mulf %get3A_252, %gather3A_207 : vector<16xf32>
        %swap3A_254 = arith.index_cast %add3A_205 : i32 to index
        %swap3A_255 = arith.constant 96 : index
        %swap3A_256 = tpu.vector_load %arg8[%swap3A_254, %swap3A_255] {strides = array<i32>} : memref<192x128xf32, #tpu.memory_space<vmem>>, vector<16xf32>,
        tpu.vector_store %arg8[%swap3A_254, %swap3A_255], %mul3A_253 {strides = array<i32>} : memref<192x128xf32, #tpu.memory_space<vmem>>, vector<16xf32>,
        %get3A_257 = arith.index_cast %add3A_205 : i32 to index
        %get3A_258 = arith.constant 112 : index
        %get3A_259 = tpu.vector_load %arg8[%get3A_257, %get3A_258] {strides = array<i32>} : memref<192x128xf32, #tpu.memory_space<vmem>>, vector<16xf32>,
        %mul3A_260 = arith.mulf %get3A_259, %gather3A_207 : vector<16xf32>
        %swap3A_261 = arith.index_cast %add3A_205 : i32 to index
        %swap3A_262 = arith.constant 112 : index
        %swap3A_263 = tpu.vector_load %arg8[%swap3A_261, %swap3A_262] {strides = array<i32>} : memref<192x128xf32, #tpu.memory_space<vmem>>, vector<16xf32>,
        tpu.vector_store %arg8[%swap3A_261, %swap3A_262], %mul3A_260 {strides = array<i32>} : memref<192x128xf32, #tpu.memory_space<vmem>>, vector<16xf32>,
        %add3A_264 = arith.constant 2 : i32
        %add3A_265 = arith.addi %mul3A_145, %add3A_264 : i32
        %broadcast_in_dim3A_266 = vector.broadcast %add3A_265 : i32 to vector<16xi32>
        %gather3A_267 = tpu.vector_load_idx %arg11[%broadcast_in_dim3A_266] : memref<192xf32, #tpu.memory_space<vmem>>[vector<16xi32>], vector<16xf32>,
        %get3A_268 = arith.index_cast %add3A_265 : i32 to index
        %get3A_269 = arith.constant 0 : index
        %get3A_270 = tpu.vector_load %arg8[%get3A_268, %get3A_269] {strides = array<i32>} : memref<192x128xf32, #tpu.memory_space<vmem>>, vector<16xf32>,
        %mul3A_271 = arith.mulf %get3A_270, %gather3A_267 : vector<16xf32>
        %swap3A_272 = arith.index_cast %add3A_265 : i32 to index
        %swap3A_273 = arith.constant 0 : index
        %swap3A_274 = tpu.vector_load %arg8[%swap3A_272, %swap3A_273] {strides = array<i32>} : memref<192x128xf32, #tpu.memory_space<vmem>>, vector<16xf32>,
        tpu.vector_store %arg8[%swap3A_272, %swap3A_273], %mul3A_271 {strides = array<i32>} : memref<192x128xf32, #tpu.memory_space<vmem>>, vector<16xf32>,
        %get3A_275 = arith.index_cast %add3A_265 : i32 to index
        %get3A_276 = arith.constant 16 : index
        %get3A_277 = tpu.vector_load %arg8[%get3A_275, %get3A_276] {strides = array<i32>} : memref<192x128xf32, #tpu.memory_space<vmem>>, vector<16xf32>,
        %mul3A_278 = arith.mulf %get3A_277, %gather3A_267 : vector<16xf32>
        %swap3A_279 = arith.index_cast %add3A_265 : i32 to index
        %swap3A_280 = arith.constant 16 : index
        %swap3A_281 = tpu.vector_load %arg8[%swap3A_279, %swap3A_280] {strides = array<i32>} : memref<192x128xf32, #tpu.memory_space<vmem>>, vector<16xf32>,
        tpu.vector_store %arg8[%swap3A_279, %swap3A_280], %mul3A_278 {strides = array<i32>} : memref<192x128xf32, #tpu.memory_space<vmem>>, vector<16xf32>,
        %get3A_282 = arith.index_cast %add3A_265 : i32 to index
        %get3A_283 = arith.constant 32 : index
        %get3A_284 = tpu.vector_load %arg8[%get3A_282, %get3A_283] {strides = array<i32>} : memref<192x128xf32, #tpu.memory_space<vmem>>, vector<16xf32>,
        %mul3A_285 = arith.mulf %get3A_284, %gather3A_267 : vector<16xf32>
        %swap3A_286 = arith.index_cast %add3A_265 : i32 to index
        %swap3A_287 = arith.constant 32 : index
        %swap3A_288 = tpu.vector_load %arg8[%swap3A_286, %swap3A_287] {strides = array<i32>} : memref<192x128xf32, #tpu.memory_space<vmem>>, vector<16xf32>,
        tpu.vector_store %arg8[%swap3A_286, %swap3A_287], %mul3A_285 {strides = array<i32>} : memref<192x128xf32, #tpu.memory_space<vmem>>, vector<16xf32>,
        %get3A_289 = arith.index_cast %add3A_265 : i32 to index
        %get3A_290 = arith.constant 48 : index
        %get3A_291 = tpu.vector_load %arg8[%get3A_289, %get3A_290] {strides = array<i32>} : memref<192x128xf32, #tpu.memory_space<vmem>>, vector<16xf32>,
        %mul3A_292 = arith.mulf %get3A_291, %gather3A_267 : vector<16xf32>
        %swap3A_293 = arith.index_cast %add3A_265 : i32 to index
        %swap3A_294 = arith.constant 48 : index
        %swap3A_295 = tpu.vector_load %arg8[%swap3A_293, %swap3A_294] {strides = array<i32>} : memref<192x128xf32, #tpu.memory_space<vmem>>, vector<16xf32>,
        tpu.vector_store %arg8[%swap3A_293, %swap3A_294], %mul3A_292 {strides = array<i32>} : memref<192x128xf32, #tpu.memory_space<vmem>>, vector<16xf32>,
        %get3A_296 = arith.index_cast %add3A_265 : i32 to index
        %get3A_297 = arith.constant 64 : index
        %get3A_298 = tpu.vector_load %arg8[%get3A_296, %get3A_297] {strides = array<i32>} : memref<192x128xf32, #tpu.memory_space<vmem>>, vector<16xf32>,
        %mul3A_299 = arith.mulf %get3A_298, %gather3A_267 : vector<16xf32>
        %swap3A_300 = arith.index_cast %add3A_265 : i32 to index
        %swap3A_301 = arith.constant 64 : index
        %swap3A_302 = tpu.vector_load %arg8[%swap3A_300, %swap3A_301] {strides = array<i32>} : memref<192x128xf32, #tpu.memory_space<vmem>>, vector<16xf32>,
        tpu.vector_store %arg8[%swap3A_300, %swap3A_301], %mul3A_299 {strides = array<i32>} : memref<192x128xf32, #tpu.memory_space<vmem>>, vector<16xf32>,
        %get3A_303 = arith.index_cast %add3A_265 : i32 to index
        %get3A_304 = arith.constant 80 : index
        %get3A_305 = tpu.vector_load %arg8[%get3A_303, %get3A_304] {strides = array<i32>} : memref<192x128xf32, #tpu.memory_space<vmem>>, vector<16xf32>,
        %mul3A_306 = arith.mulf %get3A_305, %gather3A_267 : vector<16xf32>
        %swap3A_307 = arith.index_cast %add3A_265 : i32 to index
        %swap3A_308 = arith.constant 80 : index
        %swap3A_309 = tpu.vector_load %arg8[%swap3A_307, %swap3A_308] {strides = array<i32>} : memref<192x128xf32, #tpu.memory_space<vmem>>, vector<16xf32>,
        tpu.vector_store %arg8[%swap3A_307, %swap3A_308], %mul3A_306 {strides = array<i32>} : memref<192x128xf32, #tpu.memory_space<vmem>>, vector<16xf32>,
        %get3A_310 = arith.index_cast %add3A_265 : i32 to index
        %get3A_311 = arith.constant 96 : index
        %get3A_312 = tpu.vector_load %arg8[%get3A_310, %get3A_311] {strides = array<i32>} : memref<192x128xf32, #tpu.memory_space<vmem>>, vector<16xf32>,
        %mul3A_313 = arith.mulf %get3A_312, %gather3A_267 : vector<16xf32>
        %swap3A_314 = arith.index_cast %add3A_265 : i32 to index
        %swap3A_315 = arith.constant 96 : index
        %swap3A_316 = tpu.vector_load %arg8[%swap3A_314, %swap3A_315] {strides = array<i32>} : memref<192x128xf32, #tpu.memory_space<vmem>>, vector<16xf32>,
        tpu.vector_store %arg8[%swap3A_314, %swap3A_315], %mul3A_313 {strides = array<i32>} : memref<192x128xf32, #tpu.memory_space<vmem>>, vector<16xf32>,
        %get3A_317 = arith.index_cast %add3A_265 : i32 to index
        %get3A_318 = arith.constant 112 : index
        %get3A_319 = tpu.vector_load %arg8[%get3A_317, %get3A_318] {strides = array<i32>} : memref<192x128xf32, #tpu.memory_space<vmem>>, vector<16xf32>,
        %mul3A_320 = arith.mulf %get3A_319, %gather3A_267 : vector<16xf32>
        %swap3A_321 = arith.index_cast %add3A_265 : i32 to index
        %swap3A_322 = arith.constant 112 : index
        %swap3A_323 = tpu.vector_load %arg8[%swap3A_321, %swap3A_322] {strides = array<i32>} : memref<192x128xf32, #tpu.memory_space<vmem>>, vector<16xf32>,
        tpu.vector_store %arg8[%swap3A_321, %swap3A_322], %mul3A_320 {strides = array<i32>} : memref<192x128xf32, #tpu.memory_space<vmem>>, vector<16xf32>,
        %add3A_324 = arith.constant 3 : i32
        %add3A_325 = arith.addi %mul3A_145, %add3A_324 : i32
        %broadcast_in_dim3A_326 = vector.broadcast %add3A_325 : i32 to vector<16xi32>
        %gather3A_327 = tpu.vector_load_idx %arg11[%broadcast_in_dim3A_326] : memref<192xf32, #tpu.memory_space<vmem>>[vector<16xi32>], vector<16xf32>,
        %get3A_328 = arith.index_cast %add3A_325 : i32 to index
        %get3A_329 = arith.constant 0 : index
        %get3A_330 = tpu.vector_load %arg8[%get3A_328, %get3A_329] {strides = array<i32>} : memref<192x128xf32, #tpu.memory_space<vmem>>, vector<16xf32>,
        %mul3A_331 = arith.mulf %get3A_330, %gather3A_327 : vector<16xf32>
        %swap3A_332 = arith.index_cast %add3A_325 : i32 to index
        %swap3A_333 = arith.constant 0 : index
        %swap3A_334 = tpu.vector_load %arg8[%swap3A_332, %swap3A_333] {strides = array<i32>} : memref<192x128xf32, #tpu.memory_space<vmem>>, vector<16xf32>,
        tpu.vector_store %arg8[%swap3A_332, %swap3A_333], %mul3A_331 {strides = array<i32>} : memref<192x128xf32, #tpu.memory_space<vmem>>, vector<16xf32>,
        %get3A_335 = arith.index_cast %add3A_325 : i32 to index
        %get3A_336 = arith.constant 16 : index
        %get3A_337 = tpu.vector_load %arg8[%get3A_335, %get3A_336] {strides = array<i32>} : memref<192x128xf32, #tpu.memory_space<vmem>>, vector<16xf32>,
        %mul3A_338 = arith.mulf %get3A_337, %gather3A_327 : vector<16xf32>
        %swap3A_339 = arith.index_cast %add3A_325 : i32 to index
        %swap3A_340 = arith.constant 16 : index
        %swap3A_341 = tpu.vector_load %arg8[%swap3A_339, %swap3A_340] {strides = array<i32>} : memref<192x128xf32, #tpu.memory_space<vmem>>, vector<16xf32>,
        tpu.vector_store %arg8[%swap3A_339, %swap3A_340], %mul3A_338 {strides = array<i32>} : memref<192x128xf32, #tpu.memory_space<vmem>>, vector<16xf32>,
        %get3A_342 = arith.index_cast %add3A_325 : i32 to index
        %get3A_343 = arith.constant 32 : index
        %get3A_344 = tpu.vector_load %arg8[%get3A_342, %get3A_343] {strides = array<i32>} : memref<192x128xf32, #tpu.memory_space<vmem>>, vector<16xf32>,
        %mul3A_345 = arith.mulf %get3A_344, %gather3A_327 : vector<16xf32>
        %swap3A_346 = arith.index_cast %add3A_325 : i32 to index
        %swap3A_347 = arith.constant 32 : index
        %swap3A_348 = tpu.vector_load %arg8[%swap3A_346, %swap3A_347] {strides = array<i32>} : memref<192x128xf32, #tpu.memory_space<vmem>>, vector<16xf32>,
        tpu.vector_store %arg8[%swap3A_346, %swap3A_347], %mul3A_345 {strides = array<i32>} : memref<192x128xf32, #tpu.memory_space<vmem>>, vector<16xf32>,
        %get3A_349 = arith.index_cast %add3A_325 : i32 to index
        %get3A_350 = arith.constant 48 : index
        %get3A_351 = tpu.vector_load %arg8[%get3A_349, %get3A_350] {strides = array<i32>} : memref<192x128xf32, #tpu.memory_space<vmem>>, vector<16xf32>,
        %mul3A_352 = arith.mulf %get3A_351, %gather3A_327 : vector<16xf32>
        %swap3A_353 = arith.index_cast %add3A_325 : i32 to index
        %swap3A_354 = arith.constant 48 : index
        %swap3A_355 = tpu.vector_load %arg8[%swap3A_353, %swap3A_354] {strides = array<i32>} : memref<192x128xf32, #tpu.memory_space<vmem>>, vector<16xf32>,
        tpu.vector_store %arg8[%swap3A_353, %swap3A_354], %mul3A_352 {strides = array<i32>} : memref<192x128xf32, #tpu.memory_space<vmem>>, vector<16xf32>,
        %get3A_356 = arith.index_cast %add3A_325 : i32 to index
        %get3A_357 = arith.constant 64 : index
        %get3A_358 = tpu.vector_load %arg8[%get3A_356, %get3A_357] {strides = array<i32>} : memref<192x128xf32, #tpu.memory_space<vmem>>, vector<16xf32>,
        %mul3A_359 = arith.mulf %get3A_358, %gather3A_327 : vector<16xf32>
        %swap3A_360 = arith.index_cast %add3A_325 : i32 to index
        %swap3A_361 = arith.constant 64 : index
        %swap3A_362 = tpu.vector_load %arg8[%swap3A_360, %swap3A_361] {strides = array<i32>} : memref<192x128xf32, #tpu.memory_space<vmem>>, vector<16xf32>,
        tpu.vector_store %arg8[%swap3A_360, %swap3A_361], %mul3A_359 {strides = array<i32>} : memref<192x128xf32, #tpu.memory_space<vmem>>, vector<16xf32>,
        %get3A_363 = arith.index_cast %add3A_325 : i32 to index
        %get3A_364 = arith.constant 80 : index
        %get3A_365 = tpu.vector_load %arg8[%get3A_363, %get3A_364] {strides = array<i32>} : memref<192x128xf32, #tpu.memory_space<vmem>>, vector<16xf32>,
        %mul3A_366 = arith.mulf %get3A_365, %gather3A_327 : vector<16xf32>
        %swap3A_367 = arith.index_cast %add3A_325 : i32 to index
        %swap3A_368 = arith.constant 80 : index
        %swap3A_369 = tpu.vector_load %arg8[%swap3A_367, %swap3A_368] {strides = array<i32>} : memref<192x128xf32, #tpu.memory_space<vmem>>, vector<16xf32>,
        tpu.vector_store %arg8[%swap3A_367, %swap3A_368], %mul3A_366 {strides = array<i32>} : memref<192x128xf32, #tpu.memory_space<vmem>>, vector<16xf32>,
        %get3A_370 = arith.index_cast %add3A_325 : i32 to index
        %get3A_371 = arith.constant 96 : index
        %get3A_372 = tpu.vector_load %arg8[%get3A_370, %get3A_371] {strides = array<i32>} : memref<192x128xf32, #tpu.memory_space<vmem>>, vector<16xf32>,
        %mul3A_373 = arith.mulf %get3A_372, %gather3A_327 : vector<16xf32>
        %swap3A_374 = arith.index_cast %add3A_325 : i32 to index
        %swap3A_375 = arith.constant 96 : index
        %swap3A_376 = tpu.vector_load %arg8[%swap3A_374, %swap3A_375] {strides = array<i32>} : memref<192x128xf32, #tpu.memory_space<vmem>>, vector<16xf32>,
        tpu.vector_store %arg8[%swap3A_374, %swap3A_375], %mul3A_373 {strides = array<i32>} : memref<192x128xf32, #tpu.memory_space<vmem>>, vector<16xf32>,
        %get3A_377 = arith.index_cast %add3A_325 : i32 to index
        %get3A_378 = arith.constant 112 : index
        %get3A_379 = tpu.vector_load %arg8[%get3A_377, %get3A_378] {strides = array<i32>} : memref<192x128xf32, #tpu.memory_space<vmem>>, vector<16xf32>,
        %mul3A_380 = arith.mulf %get3A_379, %gather3A_327 : vector<16xf32>
        %swap3A_381 = arith.index_cast %add3A_325 : i32 to index
        %swap3A_382 = arith.constant 112 : index
        %swap3A_383 = tpu.vector_load %arg8[%swap3A_381, %swap3A_382] {strides = array<i32>} : memref<192x128xf32, #tpu.memory_space<vmem>>, vector<16xf32>,
        tpu.vector_store %arg8[%swap3A_381, %swap3A_382], %mul3A_380 {strides = array<i32>} : memref<192x128xf32, #tpu.memory_space<vmem>>, vector<16xf32>,
        %add3A_384 = arith.constant 4 : i32
        %add3A_385 = arith.addi %mul3A_145, %add3A_384 : i32
        %broadcast_in_dim3A_386 = vector.broadcast %add3A_385 : i32 to vector<16xi32>
        %gather3A_387 = tpu.vector_load_idx %arg11[%broadcast_in_dim3A_386] : memref<192xf32, #tpu.memory_space<vmem>>[vector<16xi32>], vector<16xf32>,
        %get3A_388 = arith.index_cast %add3A_385 : i32 to index
        %get3A_389 = arith.constant 0 : index
        %get3A_390 = tpu.vector_load %arg8[%get3A_388, %get3A_389] {strides = array<i32>} : memref<192x128xf32, #tpu.memory_space<vmem>>, vector<16xf32>,
        %mul3A_391 = arith.mulf %get3A_390, %gather3A_387 : vector<16xf32>
        %swap3A_392 = arith.index_cast %add3A_385 : i32 to index
        %swap3A_393 = arith.constant 0 : index
        %swap3A_394 = tpu.vector_load %arg8[%swap3A_392, %swap3A_393] {strides = array<i32>} : memref<192x128xf32, #tpu.memory_space<vmem>>, vector<16xf32>,
        tpu.vector_store %arg8[%swap3A_392, %swap3A_393], %mul3A_391 {strides = array<i32>} : memref<192x128xf32, #tpu.memory_space<vmem>>, vector<16xf32>,
        %get3A_395 = arith.index_cast %add3A_385 : i32 to index
        %get3A_396 = arith.constant 16 : index
        %get3A_397 = tpu.vector_load %arg8[%get3A_395, %get3A_396] {strides = array<i32>} : memref<192x128xf32, #tpu.memory_space<vmem>>, vector<16xf32>,
        %mul3A_398 = arith.mulf %get3A_397, %gather3A_387 : vector<16xf32>
        %swap3A_399 = arith.index_cast %add3A_385 : i32 to index
        %swap3A_400 = arith.constant 16 : index
        %swap3A_401 = tpu.vector_load %arg8[%swap3A_399, %swap3A_400] {strides = array<i32>} : memref<192x128xf32, #tpu.memory_space<vmem>>, vector<16xf32>,
        tpu.vector_store %arg8[%swap3A_399, %swap3A_400], %mul3A_398 {strides = array<i32>} : memref<192x128xf32, #tpu.memory_space<vmem>>, vector<16xf32>,
        %get3A_402 = arith.index_cast %add3A_385 : i32 to index
        %get3A_403 = arith.constant 32 : index
        %get3A_404 = tpu.vector_load %arg8[%get3A_402, %get3A_403] {strides = array<i32>} : memref<192x128xf32, #tpu.memory_space<vmem>>, vector<16xf32>,
        %mul3A_405 = arith.mulf %get3A_404, %gather3A_387 : vector<16xf32>
        %swap3A_406 = arith.index_cast %add3A_385 : i32 to index
        %swap3A_407 = arith.constant 32 : index
        %swap3A_408 = tpu.vector_load %arg8[%swap3A_406, %swap3A_407] {strides = array<i32>} : memref<192x128xf32, #tpu.memory_space<vmem>>, vector<16xf32>,
        tpu.vector_store %arg8[%swap3A_406, %swap3A_407], %mul3A_405 {strides = array<i32>} : memref<192x128xf32, #tpu.memory_space<vmem>>, vector<16xf32>,
        %get3A_409 = arith.index_cast %add3A_385 : i32 to index
        %get3A_410 = arith.constant 48 : index
        %get3A_411 = tpu.vector_load %arg8[%get3A_409, %get3A_410] {strides = array<i32>} : memref<192x128xf32, #tpu.memory_space<vmem>>, vector<16xf32>,
        %mul3A_412 = arith.mulf %get3A_411, %gather3A_387 : vector<16xf32>
        %swap3A_413 = arith.index_cast %add3A_385 : i32 to index
        %swap3A_414 = arith.constant 48 : index
        %swap3A_415 = tpu.vector_load %arg8[%swap3A_413, %swap3A_414] {strides = array<i32>} : memref<192x128xf32, #tpu.memory_space<vmem>>, vector<16xf32>,
        tpu.vector_store %arg8[%swap3A_413, %swap3A_414], %mul3A_412 {strides = array<i32>} : memref<192x128xf32, #tpu.memory_space<vmem>>, vector<16xf32>,
        %get3A_416 = arith.index_cast %add3A_385 : i32 to index
        %get3A_417 = arith.constant 64 : index
        %get3A_418 = tpu.vector_load %arg8[%get3A_416, %get3A_417] {strides = array<i32>} : memref<192x128xf32, #tpu.memory_space<vmem>>, vector<16xf32>,
        %mul3A_419 = arith.mulf %get3A_418, %gather3A_387 : vector<16xf32>
        %swap3A_420 = arith.index_cast %add3A_385 : i32 to index
        %swap3A_421 = arith.constant 64 : index
        %swap3A_422 = tpu.vector_load %arg8[%swap3A_420, %swap3A_421] {strides = array<i32>} : memref<192x128xf32, #tpu.memory_space<vmem>>, vector<16xf32>,
        tpu.vector_store %arg8[%swap3A_420, %swap3A_421], %mul3A_419 {strides = array<i32>} : memref<192x128xf32, #tpu.memory_space<vmem>>, vector<16xf32>,
        %get3A_423 = arith.index_cast %add3A_385 : i32 to index
        %get3A_424 = arith.constant 80 : index
        %get3A_425 = tpu.vector_load %arg8[%get3A_423, %get3A_424] {strides = array<i32>} : memref<192x128xf32, #tpu.memory_space<vmem>>, vector<16xf32>,
        %mul3A_426 = arith.mulf %get3A_425, %gather3A_387 : vector<16xf32>
        %swap3A_427 = arith.index_cast %add3A_385 : i32 to index
        %swap3A_428 = arith.constant 80 : index
        %swap3A_429 = tpu.vector_load %arg8[%swap3A_427, %swap3A_428] {strides = array<i32>} : memref<192x128xf32, #tpu.memory_space<vmem>>, vector<16xf32>,
        tpu.vector_store %arg8[%swap3A_427, %swap3A_428], %mul3A_426 {strides = array<i32>} : memref<192x128xf32, #tpu.memory_space<vmem>>, vector<16xf32>,
        %get3A_430 = arith.index_cast %add3A_385 : i32 to index
        %get3A_431 = arith.constant 96 : index
        %get3A_432 = tpu.vector_load %arg8[%get3A_430, %get3A_431] {strides = array<i32>} : memref<192x128xf32, #tpu.memory_space<vmem>>, vector<16xf32>,
        %mul3A_433 = arith.mulf %get3A_432, %gather3A_387 : vector<16xf32>
        %swap3A_434 = arith.index_cast %add3A_385 : i32 to index
        %swap3A_435 = arith.constant 96 : index
        %swap3A_436 = tpu.vector_load %arg8[%swap3A_434, %swap3A_435] {strides = array<i32>} : memref<192x128xf32, #tpu.memory_space<vmem>>, vector<16xf32>,
        tpu.vector_store %arg8[%swap3A_434, %swap3A_435], %mul3A_433 {strides = array<i32>} : memref<192x128xf32, #tpu.memory_space<vmem>>, vector<16xf32>,
        %get3A_437 = arith.index_cast %add3A_385 : i32 to index
        %get3A_438 = arith.constant 112 : index
        %get3A_439 = tpu.vector_load %arg8[%get3A_437, %get3A_438] {strides = array<i32>} : memref<192x128xf32, #tpu.memory_space<vmem>>, vector<16xf32>,
        %mul3A_440 = arith.mulf %get3A_439, %gather3A_387 : vector<16xf32>
        %swap3A_441 = arith.index_cast %add3A_385 : i32 to index
        %swap3A_442 = arith.constant 112 : index
        %swap3A_443 = tpu.vector_load %arg8[%swap3A_441, %swap3A_442] {strides = array<i32>} : memref<192x128xf32, #tpu.memory_space<vmem>>, vector<16xf32>,
        tpu.vector_store %arg8[%swap3A_441, %swap3A_442], %mul3A_440 {strides = array<i32>} : memref<192x128xf32, #tpu.memory_space<vmem>>, vector<16xf32>,
        %add3A_444 = arith.constant 5 : i32
        %add3A_445 = arith.addi %mul3A_145, %add3A_444 : i32
        %broadcast_in_dim3A_446 = vector.broadcast %add3A_445 : i32 to vector<16xi32>
        %gather3A_447 = tpu.vector_load_idx %arg11[%broadcast_in_dim3A_446] : memref<192xf32, #tpu.memory_space<vmem>>[vector<16xi32>], vector<16xf32>,
        %get3A_448 = arith.index_cast %add3A_445 : i32 to index
        %get3A_449 = arith.constant 0 : index
        %get3A_450 = tpu.vector_load %arg8[%get3A_448, %get3A_449] {strides = array<i32>} : memref<192x128xf32, #tpu.memory_space<vmem>>, vector<16xf32>,
        %mul3A_451 = arith.mulf %get3A_450, %gather3A_447 : vector<16xf32>
        %swap3A_452 = arith.index_cast %add3A_445 : i32 to index
        %swap3A_453 = arith.constant 0 : index
        %swap3A_454 = tpu.vector_load %arg8[%swap3A_452, %swap3A_453] {strides = array<i32>} : memref<192x128xf32, #tpu.memory_space<vmem>>, vector<16xf32>,
        tpu.vector_store %arg8[%swap3A_452, %swap3A_453], %mul3A_451 {strides = array<i32>} : memref<192x128xf32, #tpu.memory_space<vmem>>, vector<16xf32>,
        %get3A_455 = arith.index_cast %add3A_445 : i32 to index
        %get3A_456 = arith.constant 16 : index
        %get3A_457 = tpu.vector_load %arg8[%get3A_455, %get3A_456] {strides = array<i32>} : memref<192x128xf32, #tpu.memory_space<vmem>>, vector<16xf32>,
        %mul3A_458 = arith.mulf %get3A_457, %gather3A_447 : vector<16xf32>
        %swap3A_459 = arith.index_cast %add3A_445 : i32 to index
        %swap3A_460 = arith.constant 16 : index
        %swap3A_461 = tpu.vector_load %arg8[%swap3A_459, %swap3A_460] {strides = array<i32>} : memref<192x128xf32, #tpu.memory_space<vmem>>, vector<16xf32>,
        tpu.vector_store %arg8[%swap3A_459, %swap3A_460], %mul3A_458 {strides = array<i32>} : memref<192x128xf32, #tpu.memory_space<vmem>>, vector<16xf32>,
        %get3A_462 = arith.index_cast %add3A_445 : i32 to index
        %get3A_463 = arith.constant 32 : index
        %get3A_464 = tpu.vector_load %arg8[%get3A_462, %get3A_463] {strides = array<i32>} : memref<192x128xf32, #tpu.memory_space<vmem>>, vector<16xf32>,
        %mul3A_465 = arith.mulf %get3A_464, %gather3A_447 : vector<16xf32>
        %swap3A_466 = arith.index_cast %add3A_445 : i32 to index
        %swap3A_467 = arith.constant 32 : index
        %swap3A_468 = tpu.vector_load %arg8[%swap3A_466, %swap3A_467] {strides = array<i32>} : memref<192x128xf32, #tpu.memory_space<vmem>>, vector<16xf32>,
        tpu.vector_store %arg8[%swap3A_466, %swap3A_467], %mul3A_465 {strides = array<i32>} : memref<192x128xf32, #tpu.memory_space<vmem>>, vector<16xf32>,
        %get3A_469 = arith.index_cast %add3A_445 : i32 to index
        %get3A_470 = arith.constant 48 : index
        %get3A_471 = tpu.vector_load %arg8[%get3A_469, %get3A_470] {strides = array<i32>} : memref<192x128xf32, #tpu.memory_space<vmem>>, vector<16xf32>,
        %mul3A_472 = arith.mulf %get3A_471, %gather3A_447 : vector<16xf32>
        %swap3A_473 = arith.index_cast %add3A_445 : i32 to index
        %swap3A_474 = arith.constant 48 : index
        %swap3A_475 = tpu.vector_load %arg8[%swap3A_473, %swap3A_474] {strides = array<i32>} : memref<192x128xf32, #tpu.memory_space<vmem>>, vector<16xf32>,
        tpu.vector_store %arg8[%swap3A_473, %swap3A_474], %mul3A_472 {strides = array<i32>} : memref<192x128xf32, #tpu.memory_space<vmem>>, vector<16xf32>,
        %get3A_476 = arith.index_cast %add3A_445 : i32 to index
        %get3A_477 = arith.constant 64 : index
        %get3A_478 = tpu.vector_load %arg8[%get3A_476, %get3A_477] {strides = array<i32>} : memref<192x128xf32, #tpu.memory_space<vmem>>, vector<16xf32>,
        %mul3A_479 = arith.mulf %get3A_478, %gather3A_447 : vector<16xf32>
        %swap3A_480 = arith.index_cast %add3A_445 : i32 to index
        %swap3A_481 = arith.constant 64 : index
        %swap3A_482 = tpu.vector_load %arg8[%swap3A_480, %swap3A_481] {strides = array<i32>} : memref<192x128xf32, #tpu.memory_space<vmem>>, vector<16xf32>,
        tpu.vector_store %arg8[%swap3A_480, %swap3A_481], %mul3A_479 {strides = array<i32>} : memref<192x128xf32, #tpu.memory_space<vmem>>, vector<16xf32>,
        %get3A_483 = arith.index_cast %add3A_445 : i32 to index
        %get3A_484 = arith.constant 80 : index
        %get3A_485 = tpu.vector_load %arg8[%get3A_483, %get3A_484] {strides = array<i32>} : memref<192x128xf32, #tpu.memory_space<vmem>>, vector<16xf32>,
        %mul3A_486 = arith.mulf %get3A_485, %gather3A_447 : vector<16xf32>
        %swap3A_487 = arith.index_cast %add3A_445 : i32 to index
        %swap3A_488 = arith.constant 80 : index
        %swap3A_489 = tpu.vector_load %arg8[%swap3A_487, %swap3A_488] {strides = array<i32>} : memref<192x128xf32, #tpu.memory_space<vmem>>, vector<16xf32>,
        tpu.vector_store %arg8[%swap3A_487, %swap3A_488], %mul3A_486 {strides = array<i32>} : memref<192x128xf32, #tpu.memory_space<vmem>>, vector<16xf32>,
        %get3A_490 = arith.index_cast %add3A_445 : i32 to index
        %get3A_491 = arith.constant 96 : index
        %get3A_492 = tpu.vector_load %arg8[%get3A_490, %get3A_491] {strides = array<i32>} : memref<192x128xf32, #tpu.memory_space<vmem>>, vector<16xf32>,
        %mul3A_493 = arith.mulf %get3A_492, %gather3A_447 : vector<16xf32>
        %swap3A_494 = arith.index_cast %add3A_445 : i32 to index
        %swap3A_495 = arith.constant 96 : index
        %swap3A_496 = tpu.vector_load %arg8[%swap3A_494, %swap3A_495] {strides = array<i32>} : memref<192x128xf32, #tpu.memory_space<vmem>>, vector<16xf32>,
        tpu.vector_store %arg8[%swap3A_494, %swap3A_495], %mul3A_493 {strides = array<i32>} : memref<192x128xf32, #tpu.memory_space<vmem>>, vector<16xf32>,
        %get3A_497 = arith.index_cast %add3A_445 : i32 to index
        %get3A_498 = arith.constant 112 : index
        %get3A_499 = tpu.vector_load %arg8[%get3A_497, %get3A_498] {strides = array<i32>} : memref<192x128xf32, #tpu.memory_space<vmem>>, vector<16xf32>,
        %mul3A_500 = arith.mulf %get3A_499, %gather3A_447 : vector<16xf32>
        %swap3A_501 = arith.index_cast %add3A_445 : i32 to index
        %swap3A_502 = arith.constant 112 : index
        %swap3A_503 = tpu.vector_load %arg8[%swap3A_501, %swap3A_502] {strides = array<i32>} : memref<192x128xf32, #tpu.memory_space<vmem>>, vector<16xf32>,
        tpu.vector_store %arg8[%swap3A_501, %swap3A_502], %mul3A_500 {strides = array<i32>} : memref<192x128xf32, #tpu.memory_space<vmem>>, vector<16xf32>,
        %add3A_504 = arith.constant 6 : i32
        %add3A_505 = arith.addi %mul3A_145, %add3A_504 : i32
        %broadcast_in_dim3A_506 = vector.broadcast %add3A_505 : i32 to vector<16xi32>
        %gather3A_507 = tpu.vector_load_idx %arg11[%broadcast_in_dim3A_506] : memref<192xf32, #tpu.memory_space<vmem>>[vector<16xi32>], vector<16xf32>,
        %get3A_508 = arith.index_cast %add3A_505 : i32 to index
        %get3A_509 = arith.constant 0 : index
        %get3A_510 = tpu.vector_load %arg8[%get3A_508, %get3A_509] {strides = array<i32>} : memref<192x128xf32, #tpu.memory_space<vmem>>, vector<16xf32>,
        %mul3A_511 = arith.mulf %get3A_510, %gather3A_507 : vector<16xf32>
        %swap3A_512 = arith.index_cast %add3A_505 : i32 to index
        %swap3A_513 = arith.constant 0 : index
        %swap3A_514 = tpu.vector_load %arg8[%swap3A_512, %swap3A_513] {strides = array<i32>} : memref<192x128xf32, #tpu.memory_space<vmem>>, vector<16xf32>,
        tpu.vector_store %arg8[%swap3A_512, %swap3A_513], %mul3A_511 {strides = array<i32>} : memref<192x128xf32, #tpu.memory_space<vmem>>, vector<16xf32>,
        %get3A_515 = arith.index_cast %add3A_505 : i32 to index
        %get3A_516 = arith.constant 16 : index
        %get3A_517 = tpu.vector_load %arg8[%get3A_515, %get3A_516] {strides = array<i32>} : memref<192x128xf32, #tpu.memory_space<vmem>>, vector<16xf32>,
        %mul3A_518 = arith.mulf %get3A_517, %gather3A_507 : vector<16xf32>
        %swap3A_519 = arith.index_cast %add3A_505 : i32 to index
        %swap3A_520 = arith.constant 16 : index
        %swap3A_521 = tpu.vector_load %arg8[%swap3A_519, %swap3A_520] {strides = array<i32>} : memref<192x128xf32, #tpu.memory_space<vmem>>, vector<16xf32>,
        tpu.vector_store %arg8[%swap3A_519, %swap3A_520], %mul3A_518 {strides = array<i32>} : memref<192x128xf32, #tpu.memory_space<vmem>>, vector<16xf32>,
        %get3A_522 = arith.index_cast %add3A_505 : i32 to index
        %get3A_523 = arith.constant 32 : index
        %get3A_524 = tpu.vector_load %arg8[%get3A_522, %get3A_523] {strides = array<i32>} : memref<192x128xf32, #tpu.memory_space<vmem>>, vector<16xf32>,
        %mul3A_525 = arith.mulf %get3A_524, %gather3A_507 : vector<16xf32>
        %swap3A_526 = arith.index_cast %add3A_505 : i32 to index
        %swap3A_527 = arith.constant 32 : index
        %swap3A_528 = tpu.vector_load %arg8[%swap3A_526, %swap3A_527] {strides = array<i32>} : memref<192x128xf32, #tpu.memory_space<vmem>>, vector<16xf32>,
        tpu.vector_store %arg8[%swap3A_526, %swap3A_527], %mul3A_525 {strides = array<i32>} : memref<192x128xf32, #tpu.memory_space<vmem>>, vector<16xf32>,
        %get3A_529 = arith.index_cast %add3A_505 : i32 to index
        %get3A_530 = arith.constant 48 : index
        %get3A_531 = tpu.vector_load %arg8[%get3A_529, %get3A_530] {strides = array<i32>} : memref<192x128xf32, #tpu.memory_space<vmem>>, vector<16xf32>,
        %mul3A_532 = arith.mulf %get3A_531, %gather3A_507 : vector<16xf32>
        %swap3A_533 = arith.index_cast %add3A_505 : i32 to index
        %swap3A_534 = arith.constant 48 : index
        %swap3A_535 = tpu.vector_load %arg8[%swap3A_533, %swap3A_534] {strides = array<i32>} : memref<192x128xf32, #tpu.memory_space<vmem>>, vector<16xf32>,
        tpu.vector_store %arg8[%swap3A_533, %swap3A_534], %mul3A_532 {strides = array<i32>} : memref<192x128xf32, #tpu.memory_space<vmem>>, vector<16xf32>,
        %get3A_536 = arith.index_cast %add3A_505 : i32 to index
        %get3A_537 = arith.constant 64 : index
        %get3A_538 = tpu.vector_load %arg8[%get3A_536, %get3A_537] {strides = array<i32>} : memref<192x128xf32, #tpu.memory_space<vmem>>, vector<16xf32>,
        %mul3A_539 = arith.mulf %get3A_538, %gather3A_507 : vector<16xf32>
        %swap3A_540 = arith.index_cast %add3A_505 : i32 to index
        %swap3A_541 = arith.constant 64 : index
        %swap3A_542 = tpu.vector_load %arg8[%swap3A_540, %swap3A_541] {strides = array<i32>} : memref<192x128xf32, #tpu.memory_space<vmem>>, vector<16xf32>,
        tpu.vector_store %arg8[%swap3A_540, %swap3A_541], %mul3A_539 {strides = array<i32>} : memref<192x128xf32, #tpu.memory_space<vmem>>, vector<16xf32>,
        %get3A_543 = arith.index_cast %add3A_505 : i32 to index
        %get3A_544 = arith.constant 80 : index
        %get3A_545 = tpu.vector_load %arg8[%get3A_543, %get3A_544] {strides = array<i32>} : memref<192x128xf32, #tpu.memory_space<vmem>>, vector<16xf32>,
        %mul3A_546 = arith.mulf %get3A_545, %gather3A_507 : vector<16xf32>
        %swap3A_547 = arith.index_cast %add3A_505 : i32 to index
        %swap3A_548 = arith.constant 80 : index
        %swap3A_549 = tpu.vector_load %arg8[%swap3A_547, %swap3A_548] {strides = array<i32>} : memref<192x128xf32, #tpu.memory_space<vmem>>, vector<16xf32>,
        tpu.vector_store %arg8[%swap3A_547, %swap3A_548], %mul3A_546 {strides = array<i32>} : memref<192x128xf32, #tpu.memory_space<vmem>>, vector<16xf32>,
        %get3A_550 = arith.index_cast %add3A_505 : i32 to index
        %get3A_551 = arith.constant 96 : index
        %get3A_552 = tpu.vector_load %arg8[%get3A_550, %get3A_551] {strides = array<i32>} : memref<192x128xf32, #tpu.memory_space<vmem>>, vector<16xf32>,
        %mul3A_553 = arith.mulf %get3A_552, %gather3A_507 : vector<16xf32>
        %swap3A_554 = arith.index_cast %add3A_505 : i32 to index
        %swap3A_555 = arith.constant 96 : index
        %swap3A_556 = tpu.vector_load %arg8[%swap3A_554, %swap3A_555] {strides = array<i32>} : memref<192x128xf32, #tpu.memory_space<vmem>>, vector<16xf32>,
        tpu.vector_store %arg8[%swap3A_554, %swap3A_555], %mul3A_553 {strides = array<i32>} : memref<192x128xf32, #tpu.memory_space<vmem>>, vector<16xf32>,
        %get3A_557 = arith.index_cast %add3A_505 : i32 to index
        %get3A_558 = arith.constant 112 : index
        %get3A_559 = tpu.vector_load %arg8[%get3A_557, %get3A_558] {strides = array<i32>} : memref<192x128xf32, #tpu.memory_space<vmem>>, vector<16xf32>,
        %mul3A_560 = arith.mulf %get3A_559, %gather3A_507 : vector<16xf32>
        %swap3A_561 = arith.index_cast %add3A_505 : i32 to index
        %swap3A_562 = arith.constant 112 : index
        %swap3A_563 = tpu.vector_load %arg8[%swap3A_561, %swap3A_562] {strides = array<i32>} : memref<192x128xf32, #tpu.memory_space<vmem>>, vector<16xf32>,
        tpu.vector_store %arg8[%swap3A_561, %swap3A_562], %mul3A_560 {strides = array<i32>} : memref<192x128xf32, #tpu.memory_space<vmem>>, vector<16xf32>,
        %add3A_564 = arith.constant 7 : i32
        %add3A_565 = arith.addi %mul3A_145, %add3A_564 : i32
        %broadcast_in_dim3A_566 = vector.broadcast %add3A_565 : i32 to vector<16xi32>
        %gather3A_567 = tpu.vector_load_idx %arg11[%broadcast_in_dim3A_566] : memref<192xf32, #tpu.memory_space<vmem>>[vector<16xi32>], vector<16xf32>,
        %get3A_568 = arith.index_cast %add3A_565 : i32 to index
        %get3A_569 = arith.constant 0 : index
        %get3A_570 = tpu.vector_load %arg8[%get3A_568, %get3A_569] {strides = array<i32>} : memref<192x128xf32, #tpu.memory_space<vmem>>, vector<16xf32>,
        %mul3A_571 = arith.mulf %get3A_570, %gather3A_567 : vector<16xf32>
        %swap3A_572 = arith.index_cast %add3A_565 : i32 to index
        %swap3A_573 = arith.constant 0 : index
        %swap3A_574 = tpu.vector_load %arg8[%swap3A_572, %swap3A_573] {strides = array<i32>} : memref<192x128xf32, #tpu.memory_space<vmem>>, vector<16xf32>,
        tpu.vector_store %arg8[%swap3A_572, %swap3A_573], %mul3A_571 {strides = array<i32>} : memref<192x128xf32, #tpu.memory_space<vmem>>, vector<16xf32>,
        %get3A_575 = arith.index_cast %add3A_565 : i32 to index
        %get3A_576 = arith.constant 16 : index
        %get3A_577 = tpu.vector_load %arg8[%get3A_575, %get3A_576] {strides = array<i32>} : memref<192x128xf32, #tpu.memory_space<vmem>>, vector<16xf32>,
        %mul3A_578 = arith.mulf %get3A_577, %gather3A_567 : vector<16xf32>
        %swap3A_579 = arith.index_cast %add3A_565 : i32 to index
        %swap3A_580 = arith.constant 16 : index
        %swap3A_581 = tpu.vector_load %arg8[%swap3A_579, %swap3A_580] {strides = array<i32>} : memref<192x128xf32, #tpu.memory_space<vmem>>, vector<16xf32>,
        tpu.vector_store %arg8[%swap3A_579, %swap3A_580], %mul3A_578 {strides = array<i32>} : memref<192x128xf32, #tpu.memory_space<vmem>>, vector<16xf32>,
        %get3A_582 = arith.index_cast %add3A_565 : i32 to index
        %get3A_583 = arith.constant 32 : index
        %get3A_584 = tpu.vector_load %arg8[%get3A_582, %get3A_583] {strides = array<i32>} : memref<192x128xf32, #tpu.memory_space<vmem>>, vector<16xf32>,
        %mul3A_585 = arith.mulf %get3A_584, %gather3A_567 : vector<16xf32>
        %swap3A_586 = arith.index_cast %add3A_565 : i32 to index
        %swap3A_587 = arith.constant 32 : index
        %swap3A_588 = tpu.vector_load %arg8[%swap3A_586, %swap3A_587] {strides = array<i32>} : memref<192x128xf32, #tpu.memory_space<vmem>>, vector<16xf32>,
        tpu.vector_store %arg8[%swap3A_586, %swap3A_587], %mul3A_585 {strides = array<i32>} : memref<192x128xf32, #tpu.memory_space<vmem>>, vector<16xf32>,
        %get3A_589 = arith.index_cast %add3A_565 : i32 to index
        %get3A_590 = arith.constant 48 : index
        %get3A_591 = tpu.vector_load %arg8[%get3A_589, %get3A_590] {strides = array<i32>} : memref<192x128xf32, #tpu.memory_space<vmem>>, vector<16xf32>,
        %mul3A_592 = arith.mulf %get3A_591, %gather3A_567 : vector<16xf32>
        %swap3A_593 = arith.index_cast %add3A_565 : i32 to index
        %swap3A_594 = arith.constant 48 : index
        %swap3A_595 = tpu.vector_load %arg8[%swap3A_593, %swap3A_594] {strides = array<i32>} : memref<192x128xf32, #tpu.memory_space<vmem>>, vector<16xf32>,
        tpu.vector_store %arg8[%swap3A_593, %swap3A_594], %mul3A_592 {strides = array<i32>} : memref<192x128xf32, #tpu.memory_space<vmem>>, vector<16xf32>,
        %get3A_596 = arith.index_cast %add3A_565 : i32 to index
        %get3A_597 = arith.constant 64 : index
        %get3A_598 = tpu.vector_load %arg8[%get3A_596, %get3A_597] {strides = array<i32>} : memref<192x128xf32, #tpu.memory_space<vmem>>, vector<16xf32>,
        %mul3A_599 = arith.mulf %get3A_598, %gather3A_567 : vector<16xf32>
        %swap3A_600 = arith.index_cast %add3A_565 : i32 to index
        %swap3A_601 = arith.constant 64 : index
        %swap3A_602 = tpu.vector_load %arg8[%swap3A_600, %swap3A_601] {strides = array<i32>} : memref<192x128xf32, #tpu.memory_space<vmem>>, vector<16xf32>,
        tpu.vector_store %arg8[%swap3A_600, %swap3A_601], %mul3A_599 {strides = array<i32>} : memref<192x128xf32, #tpu.memory_space<vmem>>, vector<16xf32>,
        %get3A_603 = arith.index_cast %add3A_565 : i32 to index
        %get3A_604 = arith.constant 80 : index
        %get3A_605 = tpu.vector_load %arg8[%get3A_603, %get3A_604] {strides = array<i32>} : memref<192x128xf32, #tpu.memory_space<vmem>>, vector<16xf32>,
        %mul3A_606 = arith.mulf %get3A_605, %gather3A_567 : vector<16xf32>
        %swap3A_607 = arith.index_cast %add3A_565 : i32 to index
        %swap3A_608 = arith.constant 80 : index
        %swap3A_609 = tpu.vector_load %arg8[%swap3A_607, %swap3A_608] {strides = array<i32>} : memref<192x128xf32, #tpu.memory_space<vmem>>, vector<16xf32>,
        tpu.vector_store %arg8[%swap3A_607, %swap3A_608], %mul3A_606 {strides = array<i32>} : memref<192x128xf32, #tpu.memory_space<vmem>>, vector<16xf32>,
        %get3A_610 = arith.index_cast %add3A_565 : i32 to index
        %get3A_611 = arith.constant 96 : index
        %get3A_612 = tpu.vector_load %arg8[%get3A_610, %get3A_611] {strides = array<i32>} : memref<192x128xf32, #tpu.memory_space<vmem>>, vector<16xf32>,
        %mul3A_613 = arith.mulf %get3A_612, %gather3A_567 : vector<16xf32>
        %swap3A_614 = arith.index_cast %add3A_565 : i32 to index
        %swap3A_615 = arith.constant 96 : index
        %swap3A_616 = tpu.vector_load %arg8[%swap3A_614, %swap3A_615] {strides = array<i32>} : memref<192x128xf32, #tpu.memory_space<vmem>>, vector<16xf32>,
        tpu.vector_store %arg8[%swap3A_614, %swap3A_615], %mul3A_613 {strides = array<i32>} : memref<192x128xf32, #tpu.memory_space<vmem>>, vector<16xf32>,
        %get3A_617 = arith.index_cast %add3A_565 : i32 to index
        %get3A_618 = arith.constant 112 : index
        %get3A_619 = tpu.vector_load %arg8[%get3A_617, %get3A_618] {strides = array<i32>} : memref<192x128xf32, #tpu.memory_space<vmem>>, vector<16xf32>,
        %mul3A_620 = arith.mulf %get3A_619, %gather3A_567 : vector<16xf32>
        %swap3A_621 = arith.index_cast %add3A_565 : i32 to index
        %swap3A_622 = arith.constant 112 : index
        %swap3A_623 = tpu.vector_load %arg8[%swap3A_621, %swap3A_622] {strides = array<i32>} : memref<192x128xf32, #tpu.memory_space<vmem>>, vector<16xf32>,
        tpu.vector_store %arg8[%swap3A_621, %swap3A_622], %mul3A_620 {strides = array<i32>} : memref<192x128xf32, #tpu.memory_space<vmem>>, vector<16xf32>,
        %add3A_624 = arith.constant 8 : i32
        %add3A_625 = arith.addi %mul3A_145, %add3A_624 : i32
        %broadcast_in_dim3A_626 = vector.broadcast %add3A_625 : i32 to vector<16xi32>
        %gather3A_627 = tpu.vector_load_idx %arg11[%broadcast_in_dim3A_626] : memref<192xf32, #tpu.memory_space<vmem>>[vector<16xi32>], vector<16xf32>,
        %get3A_628 = arith.index_cast %add3A_625 : i32 to index
        %get3A_629 = arith.constant 0 : index
        %get3A_630 = tpu.vector_load %arg8[%get3A_628, %get3A_629] {strides = array<i32>} : memref<192x128xf32, #tpu.memory_space<vmem>>, vector<16xf32>,
        %mul3A_631 = arith.mulf %get3A_630, %gather3A_627 : vector<16xf32>
        %swap3A_632 = arith.index_cast %add3A_625 : i32 to index
        %swap3A_633 = arith.constant 0 : index
        %swap3A_634 = tpu.vector_load %arg8[%swap3A_632, %swap3A_633] {strides = array<i32>} : memref<192x128xf32, #tpu.memory_space<vmem>>, vector<16xf32>,
        tpu.vector_store %arg8[%swap3A_632, %swap3A_633], %mul3A_631 {strides = array<i32>} : memref<192x128xf32, #tpu.memory_space<vmem>>, vector<16xf32>,
        %get3A_635 = arith.index_cast %add3A_625 : i32 to index
        %get3A_636 = arith.constant 16 : index
        %get3A_637 = tpu.vector_load %arg8[%get3A_635, %get3A_636] {strides = array<i32>} : memref<192x128xf32, #tpu.memory_space<vmem>>, vector<16xf32>,
        %mul3A_638 = arith.mulf %get3A_637, %gather3A_627 : vector<16xf32>
        %swap3A_639 = arith.index_cast %add3A_625 : i32 to index
        %swap3A_640 = arith.constant 16 : index
        %swap3A_641 = tpu.vector_load %arg8[%swap3A_639, %swap3A_640] {strides = array<i32>} : memref<192x128xf32, #tpu.memory_space<vmem>>, vector<16xf32>,
        tpu.vector_store %arg8[%swap3A_639, %swap3A_640], %mul3A_638 {strides = array<i32>} : memref<192x128xf32, #tpu.memory_space<vmem>>, vector<16xf32>,
        %get3A_642 = arith.index_cast %add3A_625 : i32 to index
        %get3A_643 = arith.constant 32 : index
        %get3A_644 = tpu.vector_load %arg8[%get3A_642, %get3A_643] {strides = array<i32>} : memref<192x128xf32, #tpu.memory_space<vmem>>, vector<16xf32>,
        %mul3A_645 = arith.mulf %get3A_644, %gather3A_627 : vector<16xf32>
        %swap3A_646 = arith.index_cast %add3A_625 : i32 to index
        %swap3A_647 = arith.constant 32 : index
        %swap3A_648 = tpu.vector_load %arg8[%swap3A_646, %swap3A_647] {strides = array<i32>} : memref<192x128xf32, #tpu.memory_space<vmem>>, vector<16xf32>,
        tpu.vector_store %arg8[%swap3A_646, %swap3A_647], %mul3A_645 {strides = array<i32>} : memref<192x128xf32, #tpu.memory_space<vmem>>, vector<16xf32>,
        %get3A_649 = arith.index_cast %add3A_625 : i32 to index
        %get3A_650 = arith.constant 48 : index
        %get3A_651 = tpu.vector_load %arg8[%get3A_649, %get3A_650] {strides = array<i32>} : memref<192x128xf32, #tpu.memory_space<vmem>>, vector<16xf32>,
        %mul3A_652 = arith.mulf %get3A_651, %gather3A_627 : vector<16xf32>
        %swap3A_653 = arith.index_cast %add3A_625 : i32 to index
        %swap3A_654 = arith.constant 48 : index
        %swap3A_655 = tpu.vector_load %arg8[%swap3A_653, %swap3A_654] {strides = array<i32>} : memref<192x128xf32, #tpu.memory_space<vmem>>, vector<16xf32>,
        tpu.vector_store %arg8[%swap3A_653, %swap3A_654], %mul3A_652 {strides = array<i32>} : memref<192x128xf32, #tpu.memory_space<vmem>>, vector<16xf32>,
        %get3A_656 = arith.index_cast %add3A_625 : i32 to index
        %get3A_657 = arith.constant 64 : index
        %get3A_658 = tpu.vector_load %arg8[%get3A_656, %get3A_657] {strides = array<i32>} : memref<192x128xf32, #tpu.memory_space<vmem>>, vector<16xf32>,
        %mul3A_659 = arith.mulf %get3A_658, %gather3A_627 : vector<16xf32>
        %swap3A_660 = arith.index_cast %add3A_625 : i32 to index
        %swap3A_661 = arith.constant 64 : index
        %swap3A_662 = tpu.vector_load %arg8[%swap3A_660, %swap3A_661] {strides = array<i32>} : memref<192x128xf32, #tpu.memory_space<vmem>>, vector<16xf32>,
        tpu.vector_store %arg8[%swap3A_660, %swap3A_661], %mul3A_659 {strides = array<i32>} : memref<192x128xf32, #tpu.memory_space<vmem>>, vector<16xf32>,
        %get3A_663 = arith.index_cast %add3A_625 : i32 to index
        %get3A_664 = arith.constant 80 : index
        %get3A_665 = tpu.vector_load %arg8[%get3A_663, %get3A_664] {strides = array<i32>} : memref<192x128xf32, #tpu.memory_space<vmem>>, vector<16xf32>,
        %mul3A_666 = arith.mulf %get3A_665, %gather3A_627 : vector<16xf32>
        %swap3A_667 = arith.index_cast %add3A_625 : i32 to index
        %swap3A_668 = arith.constant 80 : index
        %swap3A_669 = tpu.vector_load %arg8[%swap3A_667, %swap3A_668] {strides = array<i32>} : memref<192x128xf32, #tpu.memory_space<vmem>>, vector<16xf32>,
        tpu.vector_store %arg8[%swap3A_667, %swap3A_668], %mul3A_666 {strides = array<i32>} : memref<192x128xf32, #tpu.memory_space<vmem>>, vector<16xf32>,
        %get3A_670 = arith.index_cast %add3A_625 : i32 to index
        %get3A_671 = arith.constant 96 : index
        %get3A_672 = tpu.vector_load %arg8[%get3A_670, %get3A_671] {strides = array<i32>} : memref<192x128xf32, #tpu.memory_space<vmem>>, vector<16xf32>,
        %mul3A_673 = arith.mulf %get3A_672, %gather3A_627 : vector<16xf32>
        %swap3A_674 = arith.index_cast %add3A_625 : i32 to index
        %swap3A_675 = arith.constant 96 : index
        %swap3A_676 = tpu.vector_load %arg8[%swap3A_674, %swap3A_675] {strides = array<i32>} : memref<192x128xf32, #tpu.memory_space<vmem>>, vector<16xf32>,
        tpu.vector_store %arg8[%swap3A_674, %swap3A_675], %mul3A_673 {strides = array<i32>} : memref<192x128xf32, #tpu.memory_space<vmem>>, vector<16xf32>,
        %get3A_677 = arith.index_cast %add3A_625 : i32 to index
        %get3A_678 = arith.constant 112 : index
        %get3A_679 = tpu.vector_load %arg8[%get3A_677, %get3A_678] {strides = array<i32>} : memref<192x128xf32, #tpu.memory_space<vmem>>, vector<16xf32>,
        %mul3A_680 = arith.mulf %get3A_679, %gather3A_627 : vector<16xf32>
        %swap3A_681 = arith.index_cast %add3A_625 : i32 to index
        %swap3A_682 = arith.constant 112 : index
        %swap3A_683 = tpu.vector_load %arg8[%swap3A_681, %swap3A_682] {strides = array<i32>} : memref<192x128xf32, #tpu.memory_space<vmem>>, vector<16xf32>,
        tpu.vector_store %arg8[%swap3A_681, %swap3A_682], %mul3A_680 {strides = array<i32>} : memref<192x128xf32, #tpu.memory_space<vmem>>, vector<16xf32>,
        %add3A_684 = arith.constant 9 : i32
        %add3A_685 = arith.addi %mul3A_145, %add3A_684 : i32
        %broadcast_in_dim3A_686 = vector.broadcast %add3A_685 : i32 to vector<16xi32>
        %gather3A_687 = tpu.vector_load_idx %arg11[%broadcast_in_dim3A_686] : memref<192xf32, #tpu.memory_space<vmem>>[vector<16xi32>], vector<16xf32>,
        %get3A_688 = arith.index_cast %add3A_685 : i32 to index
        %get3A_689 = arith.constant 0 : index
        %get3A_690 = tpu.vector_load %arg8[%get3A_688, %get3A_689] {strides = array<i32>} : memref<192x128xf32, #tpu.memory_space<vmem>>, vector<16xf32>,
        %mul3A_691 = arith.mulf %get3A_690, %gather3A_687 : vector<16xf32>
        %swap3A_692 = arith.index_cast %add3A_685 : i32 to index
        %swap3A_693 = arith.constant 0 : index
        %swap3A_694 = tpu.vector_load %arg8[%swap3A_692, %swap3A_693] {strides = array<i32>} : memref<192x128xf32, #tpu.memory_space<vmem>>, vector<16xf32>,
        tpu.vector_store %arg8[%swap3A_692, %swap3A_693], %mul3A_691 {strides = array<i32>} : memref<192x128xf32, #tpu.memory_space<vmem>>, vector<16xf32>,
        %get3A_695 = arith.index_cast %add3A_685 : i32 to index
        %get3A_696 = arith.constant 16 : index
        %get3A_697 = tpu.vector_load %arg8[%get3A_695, %get3A_696] {strides = array<i32>} : memref<192x128xf32, #tpu.memory_space<vmem>>, vector<16xf32>,
        %mul3A_698 = arith.mulf %get3A_697, %gather3A_687 : vector<16xf32>
        %swap3A_699 = arith.index_cast %add3A_685 : i32 to index
        %swap3A_700 = arith.constant 16 : index
        %swap3A_701 = tpu.vector_load %arg8[%swap3A_699, %swap3A_700] {strides = array<i32>} : memref<192x128xf32, #tpu.memory_space<vmem>>, vector<16xf32>,
        tpu.vector_store %arg8[%swap3A_699, %swap3A_700], %mul3A_698 {strides = array<i32>} : memref<192x128xf32, #tpu.memory_space<vmem>>, vector<16xf32>,
        %get3A_702 = arith.index_cast %add3A_685 : i32 to index
        %get3A_703 = arith.constant 32 : index
        %get3A_704 = tpu.vector_load %arg8[%get3A_702, %get3A_703] {strides = array<i32>} : memref<192x128xf32, #tpu.memory_space<vmem>>, vector<16xf32>,
        %mul3A_705 = arith.mulf %get3A_704, %gather3A_687 : vector<16xf32>
        %swap3A_706 = arith.index_cast %add3A_685 : i32 to index
        %swap3A_707 = arith.constant 32 : index
        %swap3A_708 = tpu.vector_load %arg8[%swap3A_706, %swap3A_707] {strides = array<i32>} : memref<192x128xf32, #tpu.memory_space<vmem>>, vector<16xf32>,
        tpu.vector_store %arg8[%swap3A_706, %swap3A_707], %mul3A_705 {strides = array<i32>} : memref<192x128xf32, #tpu.memory_space<vmem>>, vector<16xf32>,
        %get3A_709 = arith.index_cast %add3A_685 : i32 to index
        %get3A_710 = arith.constant 48 : index
        %get3A_711 = tpu.vector_load %arg8[%get3A_709, %get3A_710] {strides = array<i32>} : memref<192x128xf32, #tpu.memory_space<vmem>>, vector<16xf32>,
        %mul3A_712 = arith.mulf %get3A_711, %gather3A_687 : vector<16xf32>
        %swap3A_713 = arith.index_cast %add3A_685 : i32 to index
        %swap3A_714 = arith.constant 48 : index
        %swap3A_715 = tpu.vector_load %arg8[%swap3A_713, %swap3A_714] {strides = array<i32>} : memref<192x128xf32, #tpu.memory_space<vmem>>, vector<16xf32>,
        tpu.vector_store %arg8[%swap3A_713, %swap3A_714], %mul3A_712 {strides = array<i32>} : memref<192x128xf32, #tpu.memory_space<vmem>>, vector<16xf32>,
        %get3A_716 = arith.index_cast %add3A_685 : i32 to index
        %get3A_717 = arith.constant 64 : index
        %get3A_718 = tpu.vector_load %arg8[%get3A_716, %get3A_717] {strides = array<i32>} : memref<192x128xf32, #tpu.memory_space<vmem>>, vector<16xf32>,
        %mul3A_719 = arith.mulf %get3A_718, %gather3A_687 : vector<16xf32>
        %swap3A_720 = arith.index_cast %add3A_685 : i32 to index
        %swap3A_721 = arith.constant 64 : index
        %swap3A_722 = tpu.vector_load %arg8[%swap3A_720, %swap3A_721] {strides = array<i32>} : memref<192x128xf32, #tpu.memory_space<vmem>>, vector<16xf32>,
        tpu.vector_store %arg8[%swap3A_720, %swap3A_721], %mul3A_719 {strides = array<i32>} : memref<192x128xf32, #tpu.memory_space<vmem>>, vector<16xf32>,
        %get3A_723 = arith.index_cast %add3A_685 : i32 to index
        %get3A_724 = arith.constant 80 : index
        %get3A_725 = tpu.vector_load %arg8[%get3A_723, %get3A_724] {strides = array<i32>} : memref<192x128xf32, #tpu.memory_space<vmem>>, vector<16xf32>,
        %mul3A_726 = arith.mulf %get3A_725, %gather3A_687 : vector<16xf32>
        %swap3A_727 = arith.index_cast %add3A_685 : i32 to index
        %swap3A_728 = arith.constant 80 : index
        %swap3A_729 = tpu.vector_load %arg8[%swap3A_727, %swap3A_728] {strides = array<i32>} : memref<192x128xf32, #tpu.memory_space<vmem>>, vector<16xf32>,
        tpu.vector_store %arg8[%swap3A_727, %swap3A_728], %mul3A_726 {strides = array<i32>} : memref<192x128xf32, #tpu.memory_space<vmem>>, vector<16xf32>,
        %get3A_730 = arith.index_cast %add3A_685 : i32 to index
        %get3A_731 = arith.constant 96 : index
        %get3A_732 = tpu.vector_load %arg8[%get3A_730, %get3A_731] {strides = array<i32>} : memref<192x128xf32, #tpu.memory_space<vmem>>, vector<16xf32>,
        %mul3A_733 = arith.mulf %get3A_732, %gather3A_687 : vector<16xf32>
        %swap3A_734 = arith.index_cast %add3A_685 : i32 to index
        %swap3A_735 = arith.constant 96 : index
        %swap3A_736 = tpu.vector_load %arg8[%swap3A_734, %swap3A_735] {strides = array<i32>} : memref<192x128xf32, #tpu.memory_space<vmem>>, vector<16xf32>,
        tpu.vector_store %arg8[%swap3A_734, %swap3A_735], %mul3A_733 {strides = array<i32>} : memref<192x128xf32, #tpu.memory_space<vmem>>, vector<16xf32>,
        %get3A_737 = arith.index_cast %add3A_685 : i32 to index
        %get3A_738 = arith.constant 112 : index
        %get3A_739 = tpu.vector_load %arg8[%get3A_737, %get3A_738] {strides = array<i32>} : memref<192x128xf32, #tpu.memory_space<vmem>>, vector<16xf32>,
        %mul3A_740 = arith.mulf %get3A_739, %gather3A_687 : vector<16xf32>
        %swap3A_741 = arith.index_cast %add3A_685 : i32 to index
        %swap3A_742 = arith.constant 112 : index
        %swap3A_743 = tpu.vector_load %arg8[%swap3A_741, %swap3A_742] {strides = array<i32>} : memref<192x128xf32, #tpu.memory_space<vmem>>, vector<16xf32>,
        tpu.vector_store %arg8[%swap3A_741, %swap3A_742], %mul3A_740 {strides = array<i32>} : memref<192x128xf32, #tpu.memory_space<vmem>>, vector<16xf32>,
        %add3A_744 = arith.constant 10 : i32
        %add3A_745 = arith.addi %mul3A_145, %add3A_744 : i32
        %broadcast_in_dim3A_746 = vector.broadcast %add3A_745 : i32 to vector<16xi32>
        %gather3A_747 = tpu.vector_load_idx %arg11[%broadcast_in_dim3A_746] : memref<192xf32, #tpu.memory_space<vmem>>[vector<16xi32>], vector<16xf32>,
        %get3A_748 = arith.index_cast %add3A_745 : i32 to index
        %get3A_749 = arith.constant 0 : index
        %get3A_750 = tpu.vector_load %arg8[%get3A_748, %get3A_749] {strides = array<i32>} : memref<192x128xf32, #tpu.memory_space<vmem>>, vector<16xf32>,
        %mul3A_751 = arith.mulf %get3A_750, %gather3A_747 : vector<16xf32>
        %swap3A_752 = arith.index_cast %add3A_745 : i32 to index
        %swap3A_753 = arith.constant 0 : index
        %swap3A_754 = tpu.vector_load %arg8[%swap3A_752, %swap3A_753] {strides = array<i32>} : memref<192x128xf32, #tpu.memory_space<vmem>>, vector<16xf32>,
        tpu.vector_store %arg8[%swap3A_752, %swap3A_753], %mul3A_751 {strides = array<i32>} : memref<192x128xf32, #tpu.memory_space<vmem>>, vector<16xf32>,
        %get3A_755 = arith.index_cast %add3A_745 : i32 to index
        %get3A_756 = arith.constant 16 : index
        %get3A_757 = tpu.vector_load %arg8[%get3A_755, %get3A_756] {strides = array<i32>} : memref<192x128xf32, #tpu.memory_space<vmem>>, vector<16xf32>,
        %mul3A_758 = arith.mulf %get3A_757, %gather3A_747 : vector<16xf32>
        %swap3A_759 = arith.index_cast %add3A_745 : i32 to index
        %swap3A_760 = arith.constant 16 : index
        %swap3A_761 = tpu.vector_load %arg8[%swap3A_759, %swap3A_760] {strides = array<i32>} : memref<192x128xf32, #tpu.memory_space<vmem>>, vector<16xf32>,
        tpu.vector_store %arg8[%swap3A_759, %swap3A_760], %mul3A_758 {strides = array<i32>} : memref<192x128xf32, #tpu.memory_space<vmem>>, vector<16xf32>,
        %get3A_762 = arith.index_cast %add3A_745 : i32 to index
        %get3A_763 = arith.constant 32 : index
        %get3A_764 = tpu.vector_load %arg8[%get3A_762, %get3A_763] {strides = array<i32>} : memref<192x128xf32, #tpu.memory_space<vmem>>, vector<16xf32>,
        %mul3A_765 = arith.mulf %get3A_764, %gather3A_747 : vector<16xf32>
        %swap3A_766 = arith.index_cast %add3A_745 : i32 to index
        %swap3A_767 = arith.constant 32 : index
        %swap3A_768 = tpu.vector_load %arg8[%swap3A_766, %swap3A_767] {strides = array<i32>} : memref<192x128xf32, #tpu.memory_space<vmem>>, vector<16xf32>,
        tpu.vector_store %arg8[%swap3A_766, %swap3A_767], %mul3A_765 {strides = array<i32>} : memref<192x128xf32, #tpu.memory_space<vmem>>, vector<16xf32>,
        %get3A_769 = arith.index_cast %add3A_745 : i32 to index
        %get3A_770 = arith.constant 48 : index
        %get3A_771 = tpu.vector_load %arg8[%get3A_769, %get3A_770] {strides = array<i32>} : memref<192x128xf32, #tpu.memory_space<vmem>>, vector<16xf32>,
        %mul3A_772 = arith.mulf %get3A_771, %gather3A_747 : vector<16xf32>
        %swap3A_773 = arith.index_cast %add3A_745 : i32 to index
        %swap3A_774 = arith.constant 48 : index
        %swap3A_775 = tpu.vector_load %arg8[%swap3A_773, %swap3A_774] {strides = array<i32>} : memref<192x128xf32, #tpu.memory_space<vmem>>, vector<16xf32>,
        tpu.vector_store %arg8[%swap3A_773, %swap3A_774], %mul3A_772 {strides = array<i32>} : memref<192x128xf32, #tpu.memory_space<vmem>>, vector<16xf32>,
        %get3A_776 = arith.index_cast %add3A_745 : i32 to index
        %get3A_777 = arith.constant 64 : index
        %get3A_778 = tpu.vector_load %arg8[%get3A_776, %get3A_777] {strides = array<i32>} : memref<192x128xf32, #tpu.memory_space<vmem>>, vector<16xf32>,
        %mul3A_779 = arith.mulf %get3A_778, %gather3A_747 : vector<16xf32>
        %swap3A_780 = arith.index_cast %add3A_745 : i32 to index
        %swap3A_781 = arith.constant 64 : index
        %swap3A_782 = tpu.vector_load %arg8[%swap3A_780, %swap3A_781] {strides = array<i32>} : memref<192x128xf32, #tpu.memory_space<vmem>>, vector<16xf32>,
        tpu.vector_store %arg8[%swap3A_780, %swap3A_781], %mul3A_779 {strides = array<i32>} : memref<192x128xf32, #tpu.memory_space<vmem>>, vector<16xf32>,
        %get3A_783 = arith.index_cast %add3A_745 : i32 to index
        %get3A_784 = arith.constant 80 : index
        %get3A_785 = tpu.vector_load %arg8[%get3A_783, %get3A_784] {strides = array<i32>} : memref<192x128xf32, #tpu.memory_space<vmem>>, vector<16xf32>,
        %mul3A_786 = arith.mulf %get3A_785, %gather3A_747 : vector<16xf32>
        %swap3A_787 = arith.index_cast %add3A_745 : i32 to index
        %swap3A_788 = arith.constant 80 : index
        %swap3A_789 = tpu.vector_load %arg8[%swap3A_787, %swap3A_788] {strides = array<i32>} : memref<192x128xf32, #tpu.memory_space<vmem>>, vector<16xf32>,
        tpu.vector_store %arg8[%swap3A_787, %swap3A_788], %mul3A_786 {strides = array<i32>} : memref<192x128xf32, #tpu.memory_space<vmem>>, vector<16xf32>,
        %get3A_790 = arith.index_cast %add3A_745 : i32 to index
        %get3A_791 = arith.constant 96 : index
        %get3A_792 = tpu.vector_load %arg8[%get3A_790, %get3A_791] {strides = array<i32>} : memref<192x128xf32, #tpu.memory_space<vmem>>, vector<16xf32>,
        %mul3A_793 = arith.mulf %get3A_792, %gather3A_747 : vector<16xf32>
        %swap3A_794 = arith.index_cast %add3A_745 : i32 to index
        %swap3A_795 = arith.constant 96 : index
        %swap3A_796 = tpu.vector_load %arg8[%swap3A_794, %swap3A_795] {strides = array<i32>} : memref<192x128xf32, #tpu.memory_space<vmem>>, vector<16xf32>,
        tpu.vector_store %arg8[%swap3A_794, %swap3A_795], %mul3A_793 {strides = array<i32>} : memref<192x128xf32, #tpu.memory_space<vmem>>, vector<16xf32>,
        %get3A_797 = arith.index_cast %add3A_745 : i32 to index
        %get3A_798 = arith.constant 112 : index
        %get3A_799 = tpu.vector_load %arg8[%get3A_797, %get3A_798] {strides = array<i32>} : memref<192x128xf32, #tpu.memory_space<vmem>>, vector<16xf32>,
        %mul3A_800 = arith.mulf %get3A_799, %gather3A_747 : vector<16xf32>
        %swap3A_801 = arith.index_cast %add3A_745 : i32 to index
        %swap3A_802 = arith.constant 112 : index
        %swap3A_803 = tpu.vector_load %arg8[%swap3A_801, %swap3A_802] {strides = array<i32>} : memref<192x128xf32, #tpu.memory_space<vmem>>, vector<16xf32>,
        tpu.vector_store %arg8[%swap3A_801, %swap3A_802], %mul3A_800 {strides = array<i32>} : memref<192x128xf32, #tpu.memory_space<vmem>>, vector<16xf32>,
        %add3A_804 = arith.constant 11 : i32
        %add3A_805 = arith.addi %mul3A_145, %add3A_804 : i32
        %broadcast_in_dim3A_806 = vector.broadcast %add3A_805 : i32 to vector<16xi32>
        %gather3A_807 = tpu.vector_load_idx %arg11[%broadcast_in_dim3A_806] : memref<192xf32, #tpu.memory_space<vmem>>[vector<16xi32>], vector<16xf32>,
        %get3A_808 = arith.index_cast %add3A_805 : i32 to index
        %get3A_809 = arith.constant 0 : index
        %get3A_810 = tpu.vector_load %arg8[%get3A_808, %get3A_809] {strides = array<i32>} : memref<192x128xf32, #tpu.memory_space<vmem>>, vector<16xf32>,
        %mul3A_811 = arith.mulf %get3A_810, %gather3A_807 : vector<16xf32>
        %swap3A_812 = arith.index_cast %add3A_805 : i32 to index
        %swap3A_813 = arith.constant 0 : index
        %swap3A_814 = tpu.vector_load %arg8[%swap3A_812, %swap3A_813] {strides = array<i32>} : memref<192x128xf32, #tpu.memory_space<vmem>>, vector<16xf32>,
        tpu.vector_store %arg8[%swap3A_812, %swap3A_813], %mul3A_811 {strides = array<i32>} : memref<192x128xf32, #tpu.memory_space<vmem>>, vector<16xf32>,
        %get3A_815 = arith.index_cast %add3A_805 : i32 to index
        %get3A_816 = arith.constant 16 : index
        %get3A_817 = tpu.vector_load %arg8[%get3A_815, %get3A_816] {strides = array<i32>} : memref<192x128xf32, #tpu.memory_space<vmem>>, vector<16xf32>,
        %mul3A_818 = arith.mulf %get3A_817, %gather3A_807 : vector<16xf32>
        %swap3A_819 = arith.index_cast %add3A_805 : i32 to index
        %swap3A_820 = arith.constant 16 : index
        %swap3A_821 = tpu.vector_load %arg8[%swap3A_819, %swap3A_820] {strides = array<i32>} : memref<192x128xf32, #tpu.memory_space<vmem>>, vector<16xf32>,
        tpu.vector_store %arg8[%swap3A_819, %swap3A_820], %mul3A_818 {strides = array<i32>} : memref<192x128xf32, #tpu.memory_space<vmem>>, vector<16xf32>,
        %get3A_822 = arith.index_cast %add3A_805 : i32 to index
        %get3A_823 = arith.constant 32 : index
        %get3A_824 = tpu.vector_load %arg8[%get3A_822, %get3A_823] {strides = array<i32>} : memref<192x128xf32, #tpu.memory_space<vmem>>, vector<16xf32>,
        %mul3A_825 = arith.mulf %get3A_824, %gather3A_807 : vector<16xf32>
        %swap3A_826 = arith.index_cast %add3A_805 : i32 to index
        %swap3A_827 = arith.constant 32 : index
        %swap3A_828 = tpu.vector_load %arg8[%swap3A_826, %swap3A_827] {strides = array<i32>} : memref<192x128xf32, #tpu.memory_space<vmem>>, vector<16xf32>,
        tpu.vector_store %arg8[%swap3A_826, %swap3A_827], %mul3A_825 {strides = array<i32>} : memref<192x128xf32, #tpu.memory_space<vmem>>, vector<16xf32>,
        %get3A_829 = arith.index_cast %add3A_805 : i32 to index
        %get3A_830 = arith.constant 48 : index
        %get3A_831 = tpu.vector_load %arg8[%get3A_829, %get3A_830] {strides = array<i32>} : memref<192x128xf32, #tpu.memory_space<vmem>>, vector<16xf32>,
        %mul3A_832 = arith.mulf %get3A_831, %gather3A_807 : vector<16xf32>
        %swap3A_833 = arith.index_cast %add3A_805 : i32 to index
        %swap3A_834 = arith.constant 48 : index
        %swap3A_835 = tpu.vector_load %arg8[%swap3A_833, %swap3A_834] {strides = array<i32>} : memref<192x128xf32, #tpu.memory_space<vmem>>, vector<16xf32>,
        tpu.vector_store %arg8[%swap3A_833, %swap3A_834], %mul3A_832 {strides = array<i32>} : memref<192x128xf32, #tpu.memory_space<vmem>>, vector<16xf32>,
        %get3A_836 = arith.index_cast %add3A_805 : i32 to index
        %get3A_837 = arith.constant 64 : index
        %get3A_838 = tpu.vector_load %arg8[%get3A_836, %get3A_837] {strides = array<i32>} : memref<192x128xf32, #tpu.memory_space<vmem>>, vector<16xf32>,
        %mul3A_839 = arith.mulf %get3A_838, %gather3A_807 : vector<16xf32>
        %swap3A_840 = arith.index_cast %add3A_805 : i32 to index
        %swap3A_841 = arith.constant 64 : index
        %swap3A_842 = tpu.vector_load %arg8[%swap3A_840, %swap3A_841] {strides = array<i32>} : memref<192x128xf32, #tpu.memory_space<vmem>>, vector<16xf32>,
        tpu.vector_store %arg8[%swap3A_840, %swap3A_841], %mul3A_839 {strides = array<i32>} : memref<192x128xf32, #tpu.memory_space<vmem>>, vector<16xf32>,
        %get3A_843 = arith.index_cast %add3A_805 : i32 to index
        %get3A_844 = arith.constant 80 : index
        %get3A_845 = tpu.vector_load %arg8[%get3A_843, %get3A_844] {strides = array<i32>} : memref<192x128xf32, #tpu.memory_space<vmem>>, vector<16xf32>,
        %mul3A_846 = arith.mulf %get3A_845, %gather3A_807 : vector<16xf32>
        %swap3A_847 = arith.index_cast %add3A_805 : i32 to index
        %swap3A_848 = arith.constant 80 : index
        %swap3A_849 = tpu.vector_load %arg8[%swap3A_847, %swap3A_848] {strides = array<i32>} : memref<192x128xf32, #tpu.memory_space<vmem>>, vector<16xf32>,
        tpu.vector_store %arg8[%swap3A_847, %swap3A_848], %mul3A_846 {strides = array<i32>} : memref<192x128xf32, #tpu.memory_space<vmem>>, vector<16xf32>,
        %get3A_850 = arith.index_cast %add3A_805 : i32 to index
        %get3A_851 = arith.constant 96 : index
        %get3A_852 = tpu.vector_load %arg8[%get3A_850, %get3A_851] {strides = array<i32>} : memref<192x128xf32, #tpu.memory_space<vmem>>, vector<16xf32>,
        %mul3A_853 = arith.mulf %get3A_852, %gather3A_807 : vector<16xf32>
        %swap3A_854 = arith.index_cast %add3A_805 : i32 to index
        %swap3A_855 = arith.constant 96 : index
        %swap3A_856 = tpu.vector_load %arg8[%swap3A_854, %swap3A_855] {strides = array<i32>} : memref<192x128xf32, #tpu.memory_space<vmem>>, vector<16xf32>,
        tpu.vector_store %arg8[%swap3A_854, %swap3A_855], %mul3A_853 {strides = array<i32>} : memref<192x128xf32, #tpu.memory_space<vmem>>, vector<16xf32>,
        %get3A_857 = arith.index_cast %add3A_805 : i32 to index
        %get3A_858 = arith.constant 112 : index
        %get3A_859 = tpu.vector_load %arg8[%get3A_857, %get3A_858] {strides = array<i32>} : memref<192x128xf32, #tpu.memory_space<vmem>>, vector<16xf32>,
        %mul3A_860 = arith.mulf %get3A_859, %gather3A_807 : vector<16xf32>
        %swap3A_861 = arith.index_cast %add3A_805 : i32 to index
        %swap3A_862 = arith.constant 112 : index
        %swap3A_863 = tpu.vector_load %arg8[%swap3A_861, %swap3A_862] {strides = array<i32>} : memref<192x128xf32, #tpu.memory_space<vmem>>, vector<16xf32>,
        tpu.vector_store %arg8[%swap3A_861, %swap3A_862], %mul3A_860 {strides = array<i32>} : memref<192x128xf32, #tpu.memory_space<vmem>>, vector<16xf32>,
        %add3A_864 = arith.constant 12 : i32
        %add3A_865 = arith.addi %mul3A_145, %add3A_864 : i32
        %broadcast_in_dim3A_866 = vector.broadcast %add3A_865 : i32 to vector<16xi32>
        %gather3A_867 = tpu.vector_load_idx %arg11[%broadcast_in_dim3A_866] : memref<192xf32, #tpu.memory_space<vmem>>[vector<16xi32>], vector<16xf32>,
        %get3A_868 = arith.index_cast %add3A_865 : i32 to index
        %get3A_869 = arith.constant 0 : index
        %get3A_870 = tpu.vector_load %arg8[%get3A_868, %get3A_869] {strides = array<i32>} : memref<192x128xf32, #tpu.memory_space<vmem>>, vector<16xf32>,
        %mul3A_871 = arith.mulf %get3A_870, %gather3A_867 : vector<16xf32>
        %swap3A_872 = arith.index_cast %add3A_865 : i32 to index
        %swap3A_873 = arith.constant 0 : index
        %swap3A_874 = tpu.vector_load %arg8[%swap3A_872, %swap3A_873] {strides = array<i32>} : memref<192x128xf32, #tpu.memory_space<vmem>>, vector<16xf32>,
        tpu.vector_store %arg8[%swap3A_872, %swap3A_873], %mul3A_871 {strides = array<i32>} : memref<192x128xf32, #tpu.memory_space<vmem>>, vector<16xf32>,
        %get3A_875 = arith.index_cast %add3A_865 : i32 to index
        %get3A_876 = arith.constant 16 : index
        %get3A_877 = tpu.vector_load %arg8[%get3A_875, %get3A_876] {strides = array<i32>} : memref<192x128xf32, #tpu.memory_space<vmem>>, vector<16xf32>,
        %mul3A_878 = arith.mulf %get3A_877, %gather3A_867 : vector<16xf32>
        %swap3A_879 = arith.index_cast %add3A_865 : i32 to index
        %swap3A_880 = arith.constant 16 : index
        %swap3A_881 = tpu.vector_load %arg8[%swap3A_879, %swap3A_880] {strides = array<i32>} : memref<192x128xf32, #tpu.memory_space<vmem>>, vector<16xf32>,
        tpu.vector_store %arg8[%swap3A_879, %swap3A_880], %mul3A_878 {strides = array<i32>} : memref<192x128xf32, #tpu.memory_space<vmem>>, vector<16xf32>,
        %get3A_882 = arith.index_cast %add3A_865 : i32 to index
        %get3A_883 = arith.constant 32 : index
        %get3A_884 = tpu.vector_load %arg8[%get3A_882, %get3A_883] {strides = array<i32>} : memref<192x128xf32, #tpu.memory_space<vmem>>, vector<16xf32>,
        %mul3A_885 = arith.mulf %get3A_884, %gather3A_867 : vector<16xf32>
        %swap3A_886 = arith.index_cast %add3A_865 : i32 to index
        %swap3A_887 = arith.constant 32 : index
        %swap3A_888 = tpu.vector_load %arg8[%swap3A_886, %swap3A_887] {strides = array<i32>} : memref<192x128xf32, #tpu.memory_space<vmem>>, vector<16xf32>,
        tpu.vector_store %arg8[%swap3A_886, %swap3A_887], %mul3A_885 {strides = array<i32>} : memref<192x128xf32, #tpu.memory_space<vmem>>, vector<16xf32>,
        %get3A_889 = arith.index_cast %add3A_865 : i32 to index
        %get3A_890 = arith.constant 48 : index
        %get3A_891 = tpu.vector_load %arg8[%get3A_889, %get3A_890] {strides = array<i32>} : memref<192x128xf32, #tpu.memory_space<vmem>>, vector<16xf32>,
        %mul3A_892 = arith.mulf %get3A_891, %gather3A_867 : vector<16xf32>
        %swap3A_893 = arith.index_cast %add3A_865 : i32 to index
        %swap3A_894 = arith.constant 48 : index
        %swap3A_895 = tpu.vector_load %arg8[%swap3A_893, %swap3A_894] {strides = array<i32>} : memref<192x128xf32, #tpu.memory_space<vmem>>, vector<16xf32>,
        tpu.vector_store %arg8[%swap3A_893, %swap3A_894], %mul3A_892 {strides = array<i32>} : memref<192x128xf32, #tpu.memory_space<vmem>>, vector<16xf32>,
        %get3A_896 = arith.index_cast %add3A_865 : i32 to index
        %get3A_897 = arith.constant 64 : index
        %get3A_898 = tpu.vector_load %arg8[%get3A_896, %get3A_897] {strides = array<i32>} : memref<192x128xf32, #tpu.memory_space<vmem>>, vector<16xf32>,
        %mul3A_899 = arith.mulf %get3A_898, %gather3A_867 : vector<16xf32>
        %swap3A_900 = arith.index_cast %add3A_865 : i32 to index
        %swap3A_901 = arith.constant 64 : index
        %swap3A_902 = tpu.vector_load %arg8[%swap3A_900, %swap3A_901] {strides = array<i32>} : memref<192x128xf32, #tpu.memory_space<vmem>>, vector<16xf32>,
        tpu.vector_store %arg8[%swap3A_900, %swap3A_901], %mul3A_899 {strides = array<i32>} : memref<192x128xf32, #tpu.memory_space<vmem>>, vector<16xf32>,
        %get3A_903 = arith.index_cast %add3A_865 : i32 to index
        %get3A_904 = arith.constant 80 : index
        %get3A_905 = tpu.vector_load %arg8[%get3A_903, %get3A_904] {strides = array<i32>} : memref<192x128xf32, #tpu.memory_space<vmem>>, vector<16xf32>,
        %mul3A_906 = arith.mulf %get3A_905, %gather3A_867 : vector<16xf32>
        %swap3A_907 = arith.index_cast %add3A_865 : i32 to index
        %swap3A_908 = arith.constant 80 : index
        %swap3A_909 = tpu.vector_load %arg8[%swap3A_907, %swap3A_908] {strides = array<i32>} : memref<192x128xf32, #tpu.memory_space<vmem>>, vector<16xf32>,
        tpu.vector_store %arg8[%swap3A_907, %swap3A_908], %mul3A_906 {strides = array<i32>} : memref<192x128xf32, #tpu.memory_space<vmem>>, vector<16xf32>,
        %get3A_910 = arith.index_cast %add3A_865 : i32 to index
        %get3A_911 = arith.constant 96 : index
        %get3A_912 = tpu.vector_load %arg8[%get3A_910, %get3A_911] {strides = array<i32>} : memref<192x128xf32, #tpu.memory_space<vmem>>, vector<16xf32>,
        %mul3A_913 = arith.mulf %get3A_912, %gather3A_867 : vector<16xf32>
        %swap3A_914 = arith.index_cast %add3A_865 : i32 to index
        %swap3A_915 = arith.constant 96 : index
        %swap3A_916 = tpu.vector_load %arg8[%swap3A_914, %swap3A_915] {strides = array<i32>} : memref<192x128xf32, #tpu.memory_space<vmem>>, vector<16xf32>,
        tpu.vector_store %arg8[%swap3A_914, %swap3A_915], %mul3A_913 {strides = array<i32>} : memref<192x128xf32, #tpu.memory_space<vmem>>, vector<16xf32>,
        %get3A_917 = arith.index_cast %add3A_865 : i32 to index
        %get3A_918 = arith.constant 112 : index
        %get3A_919 = tpu.vector_load %arg8[%get3A_917, %get3A_918] {strides = array<i32>} : memref<192x128xf32, #tpu.memory_space<vmem>>, vector<16xf32>,
        %mul3A_920 = arith.mulf %get3A_919, %gather3A_867 : vector<16xf32>
        %swap3A_921 = arith.index_cast %add3A_865 : i32 to index
        %swap3A_922 = arith.constant 112 : index
        %swap3A_923 = tpu.vector_load %arg8[%swap3A_921, %swap3A_922] {strides = array<i32>} : memref<192x128xf32, #tpu.memory_space<vmem>>, vector<16xf32>,
        tpu.vector_store %arg8[%swap3A_921, %swap3A_922], %mul3A_920 {strides = array<i32>} : memref<192x128xf32, #tpu.memory_space<vmem>>, vector<16xf32>,
        %add3A_924 = arith.constant 13 : i32
        %add3A_925 = arith.addi %mul3A_145, %add3A_924 : i32
        %broadcast_in_dim3A_926 = vector.broadcast %add3A_925 : i32 to vector<16xi32>
        %gather3A_927 = tpu.vector_load_idx %arg11[%broadcast_in_dim3A_926] : memref<192xf32, #tpu.memory_space<vmem>>[vector<16xi32>], vector<16xf32>,
        %get3A_928 = arith.index_cast %add3A_925 : i32 to index
        %get3A_929 = arith.constant 0 : index
        %get3A_930 = tpu.vector_load %arg8[%get3A_928, %get3A_929] {strides = array<i32>} : memref<192x128xf32, #tpu.memory_space<vmem>>, vector<16xf32>,
        %mul3A_931 = arith.mulf %get3A_930, %gather3A_927 : vector<16xf32>
        %swap3A_932 = arith.index_cast %add3A_925 : i32 to index
        %swap3A_933 = arith.constant 0 : index
        %swap3A_934 = tpu.vector_load %arg8[%swap3A_932, %swap3A_933] {strides = array<i32>} : memref<192x128xf32, #tpu.memory_space<vmem>>, vector<16xf32>,
        tpu.vector_store %arg8[%swap3A_932, %swap3A_933], %mul3A_931 {strides = array<i32>} : memref<192x128xf32, #tpu.memory_space<vmem>>, vector<16xf32>,
        %get3A_935 = arith.index_cast %add3A_925 : i32 to index
        %get3A_936 = arith.constant 16 : index
        %get3A_937 = tpu.vector_load %arg8[%get3A_935, %get3A_936] {strides = array<i32>} : memref<192x128xf32, #tpu.memory_space<vmem>>, vector<16xf32>,
        %mul3A_938 = arith.mulf %get3A_937, %gather3A_927 : vector<16xf32>
        %swap3A_939 = arith.index_cast %add3A_925 : i32 to index
        %swap3A_940 = arith.constant 16 : index
        %swap3A_941 = tpu.vector_load %arg8[%swap3A_939, %swap3A_940] {strides = array<i32>} : memref<192x128xf32, #tpu.memory_space<vmem>>, vector<16xf32>,
        tpu.vector_store %arg8[%swap3A_939, %swap3A_940], %mul3A_938 {strides = array<i32>} : memref<192x128xf32, #tpu.memory_space<vmem>>, vector<16xf32>,
        %get3A_942 = arith.index_cast %add3A_925 : i32 to index
        %get3A_943 = arith.constant 32 : index
        %get3A_944 = tpu.vector_load %arg8[%get3A_942, %get3A_943] {strides = array<i32>} : memref<192x128xf32, #tpu.memory_space<vmem>>, vector<16xf32>,
        %mul3A_945 = arith.mulf %get3A_944, %gather3A_927 : vector<16xf32>
        %swap3A_946 = arith.index_cast %add3A_925 : i32 to index
        %swap3A_947 = arith.constant 32 : index
        %swap3A_948 = tpu.vector_load %arg8[%swap3A_946, %swap3A_947] {strides = array<i32>} : memref<192x128xf32, #tpu.memory_space<vmem>>, vector<16xf32>,
        tpu.vector_store %arg8[%swap3A_946, %swap3A_947], %mul3A_945 {strides = array<i32>} : memref<192x128xf32, #tpu.memory_space<vmem>>, vector<16xf32>,
        %get3A_949 = arith.index_cast %add3A_925 : i32 to index
        %get3A_950 = arith.constant 48 : index
        %get3A_951 = tpu.vector_load %arg8[%get3A_949, %get3A_950] {strides = array<i32>} : memref<192x128xf32, #tpu.memory_space<vmem>>, vector<16xf32>,
        %mul3A_952 = arith.mulf %get3A_951, %gather3A_927 : vector<16xf32>
        %swap3A_953 = arith.index_cast %add3A_925 : i32 to index
        %swap3A_954 = arith.constant 48 : index
        %swap3A_955 = tpu.vector_load %arg8[%swap3A_953, %swap3A_954] {strides = array<i32>} : memref<192x128xf32, #tpu.memory_space<vmem>>, vector<16xf32>,
        tpu.vector_store %arg8[%swap3A_953, %swap3A_954], %mul3A_952 {strides = array<i32>} : memref<192x128xf32, #tpu.memory_space<vmem>>, vector<16xf32>,
        %get3A_956 = arith.index_cast %add3A_925 : i32 to index
        %get3A_957 = arith.constant 64 : index
        %get3A_958 = tpu.vector_load %arg8[%get3A_956, %get3A_957] {strides = array<i32>} : memref<192x128xf32, #tpu.memory_space<vmem>>, vector<16xf32>,
        %mul3A_959 = arith.mulf %get3A_958, %gather3A_927 : vector<16xf32>
        %swap3A_960 = arith.index_cast %add3A_925 : i32 to index
        %swap3A_961 = arith.constant 64 : index
        %swap3A_962 = tpu.vector_load %arg8[%swap3A_960, %swap3A_961] {strides = array<i32>} : memref<192x128xf32, #tpu.memory_space<vmem>>, vector<16xf32>,
        tpu.vector_store %arg8[%swap3A_960, %swap3A_961], %mul3A_959 {strides = array<i32>} : memref<192x128xf32, #tpu.memory_space<vmem>>, vector<16xf32>,
        %get3A_963 = arith.index_cast %add3A_925 : i32 to index
        %get3A_964 = arith.constant 80 : index
        %get3A_965 = tpu.vector_load %arg8[%get3A_963, %get3A_964] {strides = array<i32>} : memref<192x128xf32, #tpu.memory_space<vmem>>, vector<16xf32>,
        %mul3A_966 = arith.mulf %get3A_965, %gather3A_927 : vector<16xf32>
        %swap3A_967 = arith.index_cast %add3A_925 : i32 to index
        %swap3A_968 = arith.constant 80 : index
        %swap3A_969 = tpu.vector_load %arg8[%swap3A_967, %swap3A_968] {strides = array<i32>} : memref<192x128xf32, #tpu.memory_space<vmem>>, vector<16xf32>,
        tpu.vector_store %arg8[%swap3A_967, %swap3A_968], %mul3A_966 {strides = array<i32>} : memref<192x128xf32, #tpu.memory_space<vmem>>, vector<16xf32>,
        %get3A_970 = arith.index_cast %add3A_925 : i32 to index
        %get3A_971 = arith.constant 96 : index
        %get3A_972 = tpu.vector_load %arg8[%get3A_970, %get3A_971] {strides = array<i32>} : memref<192x128xf32, #tpu.memory_space<vmem>>, vector<16xf32>,
        %mul3A_973 = arith.mulf %get3A_972, %gather3A_927 : vector<16xf32>
        %swap3A_974 = arith.index_cast %add3A_925 : i32 to index
        %swap3A_975 = arith.constant 96 : index
        %swap3A_976 = tpu.vector_load %arg8[%swap3A_974, %swap3A_975] {strides = array<i32>} : memref<192x128xf32, #tpu.memory_space<vmem>>, vector<16xf32>,
        tpu.vector_store %arg8[%swap3A_974, %swap3A_975], %mul3A_973 {strides = array<i32>} : memref<192x128xf32, #tpu.memory_space<vmem>>, vector<16xf32>,
        %get3A_977 = arith.index_cast %add3A_925 : i32 to index
        %get3A_978 = arith.constant 112 : index
        %get3A_979 = tpu.vector_load %arg8[%get3A_977, %get3A_978] {strides = array<i32>} : memref<192x128xf32, #tpu.memory_space<vmem>>, vector<16xf32>,
        %mul3A_980 = arith.mulf %get3A_979, %gather3A_927 : vector<16xf32>
        %swap3A_981 = arith.index_cast %add3A_925 : i32 to index
        %swap3A_982 = arith.constant 112 : index
        %swap3A_983 = tpu.vector_load %arg8[%swap3A_981, %swap3A_982] {strides = array<i32>} : memref<192x128xf32, #tpu.memory_space<vmem>>, vector<16xf32>,
        tpu.vector_store %arg8[%swap3A_981, %swap3A_982], %mul3A_980 {strides = array<i32>} : memref<192x128xf32, #tpu.memory_space<vmem>>, vector<16xf32>,
        %add3A_984 = arith.constant 14 : i32
        %add3A_985 = arith.addi %mul3A_145, %add3A_984 : i32
        %broadcast_in_dim3A_986 = vector.broadcast %add3A_985 : i32 to vector<16xi32>
        %gather3A_987 = tpu.vector_load_idx %arg11[%broadcast_in_dim3A_986] : memref<192xf32, #tpu.memory_space<vmem>>[vector<16xi32>], vector<16xf32>,
        %get3A_988 = arith.index_cast %add3A_985 : i32 to index
        %get3A_989 = arith.constant 0 : index
        %get3A_990 = tpu.vector_load %arg8[%get3A_988, %get3A_989] {strides = array<i32>} : memref<192x128xf32, #tpu.memory_space<vmem>>, vector<16xf32>,
        %mul3A_991 = arith.mulf %get3A_990, %gather3A_987 : vector<16xf32>
        %swap3A_992 = arith.index_cast %add3A_985 : i32 to index
        %swap3A_993 = arith.constant 0 : index
        %swap3A_994 = tpu.vector_load %arg8[%swap3A_992, %swap3A_993] {strides = array<i32>} : memref<192x128xf32, #tpu.memory_space<vmem>>, vector<16xf32>,
        tpu.vector_store %arg8[%swap3A_992, %swap3A_993], %mul3A_991 {strides = array<i32>} : memref<192x128xf32, #tpu.memory_space<vmem>>, vector<16xf32>,
        %get3A_995 = arith.index_cast %add3A_985 : i32 to index
        %get3A_996 = arith.constant 16 : index
        %get3A_997 = tpu.vector_load %arg8[%get3A_995, %get3A_996] {strides = array<i32>} : memref<192x128xf32, #tpu.memory_space<vmem>>, vector<16xf32>,
        %mul3A_998 = arith.mulf %get3A_997, %gather3A_987 : vector<16xf32>
        %swap3A_999 = arith.index_cast %add3A_985 : i32 to index
        %swap3A_1000 = arith.constant 16 : index
        %swap3A_1001 = tpu.vector_load %arg8[%swap3A_999, %swap3A_1000] {strides = array<i32>} : memref<192x128xf32, #tpu.memory_space<vmem>>, vector<16xf32>,
        tpu.vector_store %arg8[%swap3A_999, %swap3A_1000], %mul3A_998 {strides = array<i32>} : memref<192x128xf32, #tpu.memory_space<vmem>>, vector<16xf32>,
        %get3A_1002 = arith.index_cast %add3A_985 : i32 to index
        %get3A_1003 = arith.constant 32 : index
        %get3A_1004 = tpu.vector_load %arg8[%get3A_1002, %get3A_1003] {strides = array<i32>} : memref<192x128xf32, #tpu.memory_space<vmem>>, vector<16xf32>,
        %mul3A_1005 = arith.mulf %get3A_1004, %gather3A_987 : vector<16xf32>
        %swap3A_1006 = arith.index_cast %add3A_985 : i32 to index
        %swap3A_1007 = arith.constant 32 : index
        %swap3A_1008 = tpu.vector_load %arg8[%swap3A_1006, %swap3A_1007] {strides = array<i32>} : memref<192x128xf32, #tpu.memory_space<vmem>>, vector<16xf32>,
        tpu.vector_store %arg8[%swap3A_1006, %swap3A_1007], %mul3A_1005 {strides = array<i32>} : memref<192x128xf32, #tpu.memory_space<vmem>>, vector<16xf32>,
        %get3A_1009 = arith.index_cast %add3A_985 : i32 to index
        %get3A_1010 = arith.constant 48 : index
        %get3A_1011 = tpu.vector_load %arg8[%get3A_1009, %get3A_1010] {strides = array<i32>} : memref<192x128xf32, #tpu.memory_space<vmem>>, vector<16xf32>,
        %mul3A_1012 = arith.mulf %get3A_1011, %gather3A_987 : vector<16xf32>
        %swap3A_1013 = arith.index_cast %add3A_985 : i32 to index
        %swap3A_1014 = arith.constant 48 : index
        %swap3A_1015 = tpu.vector_load %arg8[%swap3A_1013, %swap3A_1014] {strides = array<i32>} : memref<192x128xf32, #tpu.memory_space<vmem>>, vector<16xf32>,
        tpu.vector_store %arg8[%swap3A_1013, %swap3A_1014], %mul3A_1012 {strides = array<i32>} : memref<192x128xf32, #tpu.memory_space<vmem>>, vector<16xf32>,
        %get3A_1016 = arith.index_cast %add3A_985 : i32 to index
        %get3A_1017 = arith.constant 64 : index
        %get3A_1018 = tpu.vector_load %arg8[%get3A_1016, %get3A_1017] {strides = array<i32>} : memref<192x128xf32, #tpu.memory_space<vmem>>, vector<16xf32>,
        %mul3A_1019 = arith.mulf %get3A_1018, %gather3A_987 : vector<16xf32>
        %swap3A_1020 = arith.index_cast %add3A_985 : i32 to index
        %swap3A_1021 = arith.constant 64 : index
        %swap3A_1022 = tpu.vector_load %arg8[%swap3A_1020, %swap3A_1021] {strides = array<i32>} : memref<192x128xf32, #tpu.memory_space<vmem>>, vector<16xf32>,
        tpu.vector_store %arg8[%swap3A_1020, %swap3A_1021], %mul3A_1019 {strides = array<i32>} : memref<192x128xf32, #tpu.memory_space<vmem>>, vector<16xf32>,
        %get3A_1023 = arith.index_cast %add3A_985 : i32 to index
        %get3A_1024 = arith.constant 80 : index
        %get3A_1025 = tpu.vector_load %arg8[%get3A_1023, %get3A_1024] {strides = array<i32>} : memref<192x128xf32, #tpu.memory_space<vmem>>, vector<16xf32>,
        %mul3A_1026 = arith.mulf %get3A_1025, %gather3A_987 : vector<16xf32>
        %swap3A_1027 = arith.index_cast %add3A_985 : i32 to index
        %swap3A_1028 = arith.constant 80 : index
        %swap3A_1029 = tpu.vector_load %arg8[%swap3A_1027, %swap3A_1028] {strides = array<i32>} : memref<192x128xf32, #tpu.memory_space<vmem>>, vector<16xf32>,
        tpu.vector_store %arg8[%swap3A_1027, %swap3A_1028], %mul3A_1026 {strides = array<i32>} : memref<192x128xf32, #tpu.memory_space<vmem>>, vector<16xf32>,
        %get3A_1030 = arith.index_cast %add3A_985 : i32 to index
        %get3A_1031 = arith.constant 96 : index
        %get3A_1032 = tpu.vector_load %arg8[%get3A_1030, %get3A_1031] {strides = array<i32>} : memref<192x128xf32, #tpu.memory_space<vmem>>, vector<16xf32>,
        %mul3A_1033 = arith.mulf %get3A_1032, %gather3A_987 : vector<16xf32>
        %swap3A_1034 = arith.index_cast %add3A_985 : i32 to index
        %swap3A_1035 = arith.constant 96 : index
        %swap3A_1036 = tpu.vector_load %arg8[%swap3A_1034, %swap3A_1035] {strides = array<i32>} : memref<192x128xf32, #tpu.memory_space<vmem>>, vector<16xf32>,
        tpu.vector_store %arg8[%swap3A_1034, %swap3A_1035], %mul3A_1033 {strides = array<i32>} : memref<192x128xf32, #tpu.memory_space<vmem>>, vector<16xf32>,
        %get3A_1037 = arith.index_cast %add3A_985 : i32 to index
        %get3A_1038 = arith.constant 112 : index
        %get3A_1039 = tpu.vector_load %arg8[%get3A_1037, %get3A_1038] {strides = array<i32>} : memref<192x128xf32, #tpu.memory_space<vmem>>, vector<16xf32>,
        %mul3A_1040 = arith.mulf %get3A_1039, %gather3A_987 : vector<16xf32>
        %swap3A_1041 = arith.index_cast %add3A_985 : i32 to index
        %swap3A_1042 = arith.constant 112 : index
        %swap3A_1043 = tpu.vector_load %arg8[%swap3A_1041, %swap3A_1042] {strides = array<i32>} : memref<192x128xf32, #tpu.memory_space<vmem>>, vector<16xf32>,
        tpu.vector_store %arg8[%swap3A_1041, %swap3A_1042], %mul3A_1040 {strides = array<i32>} : memref<192x128xf32, #tpu.memory_space<vmem>>, vector<16xf32>,
        %add3A_1044 = arith.constant 15 : i32
        %add3A_1045 = arith.addi %mul3A_145, %add3A_1044 : i32
        %broadcast_in_dim3A_1046 = vector.broadcast %add3A_1045 : i32 to vector<16xi32>
        %gather3A_1047 = tpu.vector_load_idx %arg11[%broadcast_in_dim3A_1046] : memref<192xf32, #tpu.memory_space<vmem>>[vector<16xi32>], vector<16xf32>,
        %get3A_1048 = arith.index_cast %add3A_1045 : i32 to index
        %get3A_1049 = arith.constant 0 : index
        %get3A_1050 = tpu.vector_load %arg8[%get3A_1048, %get3A_1049] {strides = array<i32>} : memref<192x128xf32, #tpu.memory_space<vmem>>, vector<16xf32>,
        %mul3A_1051 = arith.mulf %get3A_1050, %gather3A_1047 : vector<16xf32>
        %swap3A_1052 = arith.index_cast %add3A_1045 : i32 to index
        %swap3A_1053 = arith.constant 0 : index
        %swap3A_1054 = tpu.vector_load %arg8[%swap3A_1052, %swap3A_1053] {strides = array<i32>} : memref<192x128xf32, #tpu.memory_space<vmem>>, vector<16xf32>,
        tpu.vector_store %arg8[%swap3A_1052, %swap3A_1053], %mul3A_1051 {strides = array<i32>} : memref<192x128xf32, #tpu.memory_space<vmem>>, vector<16xf32>,
        %get3A_1055 = arith.index_cast %add3A_1045 : i32 to index
        %get3A_1056 = arith.constant 16 : index
        %get3A_1057 = tpu.vector_load %arg8[%get3A_1055, %get3A_1056] {strides = array<i32>} : memref<192x128xf32, #tpu.memory_space<vmem>>, vector<16xf32>,
        %mul3A_1058 = arith.mulf %get3A_1057, %gather3A_1047 : vector<16xf32>
        %swap3A_1059 = arith.index_cast %add3A_1045 : i32 to index
        %swap3A_1060 = arith.constant 16 : index
        %swap3A_1061 = tpu.vector_load %arg8[%swap3A_1059, %swap3A_1060] {strides = array<i32>} : memref<192x128xf32, #tpu.memory_space<vmem>>, vector<16xf32>,
        tpu.vector_store %arg8[%swap3A_1059, %swap3A_1060], %mul3A_1058 {strides = array<i32>} : memref<192x128xf32, #tpu.memory_space<vmem>>, vector<16xf32>,
        %get3A_1062 = arith.index_cast %add3A_1045 : i32 to index
        %get3A_1063 = arith.constant 32 : index
        %get3A_1064 = tpu.vector_load %arg8[%get3A_1062, %get3A_1063] {strides = array<i32>} : memref<192x128xf32, #tpu.memory_space<vmem>>, vector<16xf32>,
        %mul3A_1065 = arith.mulf %get3A_1064, %gather3A_1047 : vector<16xf32>
        %swap3A_1066 = arith.index_cast %add3A_1045 : i32 to index
        %swap3A_1067 = arith.constant 32 : index
        %swap3A_1068 = tpu.vector_load %arg8[%swap3A_1066, %swap3A_1067] {strides = array<i32>} : memref<192x128xf32, #tpu.memory_space<vmem>>, vector<16xf32>,
        tpu.vector_store %arg8[%swap3A_1066, %swap3A_1067], %mul3A_1065 {strides = array<i32>} : memref<192x128xf32, #tpu.memory_space<vmem>>, vector<16xf32>,
        %get3A_1069 = arith.index_cast %add3A_1045 : i32 to index
        %get3A_1070 = arith.constant 48 : index
        %get3A_1071 = tpu.vector_load %arg8[%get3A_1069, %get3A_1070] {strides = array<i32>} : memref<192x128xf32, #tpu.memory_space<vmem>>, vector<16xf32>,
        %mul3A_1072 = arith.mulf %get3A_1071, %gather3A_1047 : vector<16xf32>
        %swap3A_1073 = arith.index_cast %add3A_1045 : i32 to index
        %swap3A_1074 = arith.constant 48 : index
        %swap3A_1075 = tpu.vector_load %arg8[%swap3A_1073, %swap3A_1074] {strides = array<i32>} : memref<192x128xf32, #tpu.memory_space<vmem>>, vector<16xf32>,
        tpu.vector_store %arg8[%swap3A_1073, %swap3A_1074], %mul3A_1072 {strides = array<i32>} : memref<192x128xf32, #tpu.memory_space<vmem>>, vector<16xf32>,
        %get3A_1076 = arith.index_cast %add3A_1045 : i32 to index
        %get3A_1077 = arith.constant 64 : index
        %get3A_1078 = tpu.vector_load %arg8[%get3A_1076, %get3A_1077] {strides = array<i32>} : memref<192x128xf32, #tpu.memory_space<vmem>>, vector<16xf32>,
        %mul3A_1079 = arith.mulf %get3A_1078, %gather3A_1047 : vector<16xf32>
        %swap3A_1080 = arith.index_cast %add3A_1045 : i32 to index
        %swap3A_1081 = arith.constant 64 : index
        %swap3A_1082 = tpu.vector_load %arg8[%swap3A_1080, %swap3A_1081] {strides = array<i32>} : memref<192x128xf32, #tpu.memory_space<vmem>>, vector<16xf32>,
        tpu.vector_store %arg8[%swap3A_1080, %swap3A_1081], %mul3A_1079 {strides = array<i32>} : memref<192x128xf32, #tpu.memory_space<vmem>>, vector<16xf32>,
        %get3A_1083 = arith.index_cast %add3A_1045 : i32 to index
        %get3A_1084 = arith.constant 80 : index
        %get3A_1085 = tpu.vector_load %arg8[%get3A_1083, %get3A_1084] {strides = array<i32>} : memref<192x128xf32, #tpu.memory_space<vmem>>, vector<16xf32>,
        %mul3A_1086 = arith.mulf %get3A_1085, %gather3A_1047 : vector<16xf32>
        %swap3A_1087 = arith.index_cast %add3A_1045 : i32 to index
        %swap3A_1088 = arith.constant 80 : index
        %swap3A_1089 = tpu.vector_load %arg8[%swap3A_1087, %swap3A_1088] {strides = array<i32>} : memref<192x128xf32, #tpu.memory_space<vmem>>, vector<16xf32>,
        tpu.vector_store %arg8[%swap3A_1087, %swap3A_1088], %mul3A_1086 {strides = array<i32>} : memref<192x128xf32, #tpu.memory_space<vmem>>, vector<16xf32>,
        %get3A_1090 = arith.index_cast %add3A_1045 : i32 to index
        %get3A_1091 = arith.constant 96 : index
        %get3A_1092 = tpu.vector_load %arg8[%get3A_1090, %get3A_1091] {strides = array<i32>} : memref<192x128xf32, #tpu.memory_space<vmem>>, vector<16xf32>,
        %mul3A_1093 = arith.mulf %get3A_1092, %gather3A_1047 : vector<16xf32>
        %swap3A_1094 = arith.index_cast %add3A_1045 : i32 to index
        %swap3A_1095 = arith.constant 96 : index
        %swap3A_1096 = tpu.vector_load %arg8[%swap3A_1094, %swap3A_1095] {strides = array<i32>} : memref<192x128xf32, #tpu.memory_space<vmem>>, vector<16xf32>,
        tpu.vector_store %arg8[%swap3A_1094, %swap3A_1095], %mul3A_1093 {strides = array<i32>} : memref<192x128xf32, #tpu.memory_space<vmem>>, vector<16xf32>,
        %get3A_1097 = arith.index_cast %add3A_1045 : i32 to index
        %get3A_1098 = arith.constant 112 : index
        %get3A_1099 = tpu.vector_load %arg8[%get3A_1097, %get3A_1098] {strides = array<i32>} : memref<192x128xf32, #tpu.memory_space<vmem>>, vector<16xf32>,
        %mul3A_1100 = arith.mulf %get3A_1099, %gather3A_1047 : vector<16xf32>
        %swap3A_1101 = arith.index_cast %add3A_1045 : i32 to index
        %swap3A_1102 = arith.constant 112 : index
        %swap3A_1103 = tpu.vector_load %arg8[%swap3A_1101, %swap3A_1102] {strides = array<i32>} : memref<192x128xf32, #tpu.memory_space<vmem>>, vector<16xf32>,
        tpu.vector_store %arg8[%swap3A_1101, %swap3A_1102], %mul3A_1100 {strides = array<i32>} : memref<192x128xf32, #tpu.memory_space<vmem>>, vector<16xf32>,
      }
      %scan3A_142 = arith.constant 12 : i32
      "tpu.trace_stop"() : () -> ()
      "tpu.trace_start"() <{level = 10 : i32, message = "scatter_add"}> : () -> ()
      "tpu.region"() ({
        %run_scoped3A = tpu.sem_alloc : memref<!tpu.dma_semaphore, #tpu.memory_space<semaphore_mem>>
        %dma_start3A_143 = arith.constant 0 : i32
        %dma_start3A_144 = arith.constant 0 : i32
        %dma_start3A_145 = tpu.memref_slice %arg7[%dma_start3A_143, %dma_start3A_144] : memref<10008x128xf32, #tpu.memory_space<vmem_shared>> -> memref<10008x128xf32, #tpu.memory_space<vmem_shared>>
        tpu.enqueue_indirect_dma source(%arg8 : memref<192x128xf32, #tpu.memory_space<vmem>>) target(%dma_start3A_145 : memref<10008x128xf32, #tpu.memory_space<vmem_shared>>) offsets(%arg10 : memref<192xi32, #tpu.memory_space<vmem>>) semaphore(%run_scoped3A : memref<!tpu.dma_semaphore, #tpu.memory_space<semaphore_mem>>) {add = true}
        %dma_wait3A_146 = arith.constant 0 : i32
        %dma_wait3A_147 = arith.constant 0 : i32
        %dma_wait3A_148 = tpu.memref_slice %arg7[%dma_wait3A_146, %dma_wait3A_147] : memref<10008x128xf32, #tpu.memory_space<vmem_shared>> -> memref<10008x128xf32, #tpu.memory_space<vmem_shared>>
        tpu.wait_indirect_dma semaphore(%run_scoped3A : memref<!tpu.dma_semaphore, #tpu.memory_space<semaphore_mem>>) src(%arg8 : memref<192x128xf32, #tpu.memory_space<vmem>>) dst(%dma_wait3A_148 : memref<10008x128xf32, #tpu.memory_space<vmem_shared>>)
        tpu.yield
      }) : () -> ()
      "tpu.trace_stop"() : () -> ()
    }
    %scan3A_23 = arith.constant 52 : i32
    %mul3A_24 = arith.constant 10000 : i32
    %mul3A_25 = arith.muli %add3A, %mul3A_24 : i32
    %add3A_26 = arith.constant 9984 : i32
    %add3A_27 = arith.addi %mul3A_25, %add3A_26 : i32
    "tpu.region"() ({
      %run_scoped3A = tpu.sem_alloc : memref<!tpu.dma_semaphore, #tpu.memory_space<semaphore_mem>>
      %dma_start3A_125 = arith.constant 0 : i32
      %dma_start3A_126 = tpu.memref_slice %arg9[%dma_start3A_125] : memref<192xi32, #tpu.memory_space<vmem>> -> memref<16xi32, #tpu.memory_space<vmem>>
      %dma_start3A_127 = tpu.memref_slice %arg2[%add3A_27] : memref<320000xi32, #tpu.memory_space<hbm>> -> memref<16xi32, #tpu.memory_space<hbm>>
      %dma_start3A_128 = arith.constant 0 : i32
      %dma_start3A_129 = tpu.memref_slice %arg9[%dma_start3A_128] : memref<192xi32, #tpu.memory_space<vmem>> -> memref<16xi32, #tpu.memory_space<vmem>>
      %dma_start3A_130 = tpu.memref_slice %arg2[%add3A_27] : memref<320000xi32, #tpu.memory_space<hbm>> -> memref<16xi32, #tpu.memory_space<hbm>>
      tpu.enqueue_dma source(%dma_start3A_130 : memref<16xi32, #tpu.memory_space<hbm>>) target(%dma_start3A_129 : memref<16xi32, #tpu.memory_space<vmem>>) target_semaphore(%run_scoped3A : memref<!tpu.dma_semaphore, #tpu.memory_space<semaphore_mem>>)
      %dma_wait3A_131 = arith.constant 0 : i32
      %dma_wait3A_132 = tpu.memref_slice %arg9[%dma_wait3A_131] : memref<192xi32, #tpu.memory_space<vmem>> -> memref<16xi32, #tpu.memory_space<vmem>>
      %dma_wait3A_133 = tpu.memref_slice %arg2[%add3A_27] : memref<320000xi32, #tpu.memory_space<hbm>> -> memref<16xi32, #tpu.memory_space<hbm>>
      %dma_wait3A_134 = arith.constant 0 : i32
      %dma_wait3A_135 = tpu.memref_slice %arg9[%dma_wait3A_134] : memref<192xi32, #tpu.memory_space<vmem>> -> memref<16xi32, #tpu.memory_space<vmem>>
      %dma_wait3A_136 = tpu.memref_slice %arg2[%add3A_27] : memref<320000xi32, #tpu.memory_space<hbm>> -> memref<16xi32, #tpu.memory_space<hbm>>
      tpu.wait_dma2 semaphore(%run_scoped3A : memref<!tpu.dma_semaphore, #tpu.memory_space<semaphore_mem>>) src(%dma_wait3A_136 : memref<16xi32, #tpu.memory_space<hbm>>) dst(%dma_wait3A_135 : memref<16xi32, #tpu.memory_space<vmem>>)
      tpu.yield
    }) : () -> ()
    "tpu.region"() ({
      %run_scoped3A = tpu.sem_alloc : memref<!tpu.dma_semaphore, #tpu.memory_space<semaphore_mem>>
      %dma_start3A_125 = arith.constant 0 : i32
      %dma_start3A_126 = tpu.memref_slice %arg10[%dma_start3A_125] : memref<192xi32, #tpu.memory_space<vmem>> -> memref<16xi32, #tpu.memory_space<vmem>>
      %dma_start3A_127 = tpu.memref_slice %arg3[%add3A_27] : memref<320000xi32, #tpu.memory_space<hbm>> -> memref<16xi32, #tpu.memory_space<hbm>>
      %dma_start3A_128 = arith.constant 0 : i32
      %dma_start3A_129 = tpu.memref_slice %arg10[%dma_start3A_128] : memref<192xi32, #tpu.memory_space<vmem>> -> memref<16xi32, #tpu.memory_space<vmem>>
      %dma_start3A_130 = tpu.memref_slice %arg3[%add3A_27] : memref<320000xi32, #tpu.memory_space<hbm>> -> memref<16xi32, #tpu.memory_space<hbm>>
      tpu.enqueue_dma source(%dma_start3A_130 : memref<16xi32, #tpu.memory_space<hbm>>) target(%dma_start3A_129 : memref<16xi32, #tpu.memory_space<vmem>>) target_semaphore(%run_scoped3A : memref<!tpu.dma_semaphore, #tpu.memory_space<semaphore_mem>>)
      %dma_wait3A_131 = arith.constant 0 : i32
      %dma_wait3A_132 = tpu.memref_slice %arg10[%dma_wait3A_131] : memref<192xi32, #tpu.memory_space<vmem>> -> memref<16xi32, #tpu.memory_space<vmem>>
      %dma_wait3A_133 = tpu.memref_slice %arg3[%add3A_27] : memref<320000xi32, #tpu.memory_space<hbm>> -> memref<16xi32, #tpu.memory_space<hbm>>
      %dma_wait3A_134 = arith.constant 0 : i32
      %dma_wait3A_135 = tpu.memref_slice %arg10[%dma_wait3A_134] : memref<192xi32, #tpu.memory_space<vmem>> -> memref<16xi32, #tpu.memory_space<vmem>>
      %dma_wait3A_136 = tpu.memref_slice %arg3[%add3A_27] : memref<320000xi32, #tpu.memory_space<hbm>> -> memref<16xi32, #tpu.memory_space<hbm>>
      tpu.wait_dma2 semaphore(%run_scoped3A : memref<!tpu.dma_semaphore, #tpu.memory_space<semaphore_mem>>) src(%dma_wait3A_136 : memref<16xi32, #tpu.memory_space<hbm>>) dst(%dma_wait3A_135 : memref<16xi32, #tpu.memory_space<vmem>>)
      tpu.yield
    }) : () -> ()
    "tpu.region"() ({
      %run_scoped3A = tpu.sem_alloc : memref<!tpu.dma_semaphore, #tpu.memory_space<semaphore_mem>>
      %dma_start3A_125 = arith.constant 0 : i32
      %dma_start3A_126 = tpu.memref_slice %arg11[%dma_start3A_125] : memref<192xf32, #tpu.memory_space<vmem>> -> memref<16xf32, #tpu.memory_space<vmem>>
      %dma_start3A_127 = tpu.memref_slice %arg4[%add3A_27] : memref<320000xf32, #tpu.memory_space<hbm>> -> memref<16xf32, #tpu.memory_space<hbm>>
      %dma_start3A_128 = arith.constant 0 : i32
      %dma_start3A_129 = tpu.memref_slice %arg11[%dma_start3A_128] : memref<192xf32, #tpu.memory_space<vmem>> -> memref<16xf32, #tpu.memory_space<vmem>>
      %dma_start3A_130 = tpu.memref_slice %arg4[%add3A_27] : memref<320000xf32, #tpu.memory_space<hbm>> -> memref<16xf32, #tpu.memory_space<hbm>>
      tpu.enqueue_dma source(%dma_start3A_130 : memref<16xf32, #tpu.memory_space<hbm>>) target(%dma_start3A_129 : memref<16xf32, #tpu.memory_space<vmem>>) target_semaphore(%run_scoped3A : memref<!tpu.dma_semaphore, #tpu.memory_space<semaphore_mem>>)
      %dma_wait3A_131 = arith.constant 0 : i32
      %dma_wait3A_132 = tpu.memref_slice %arg11[%dma_wait3A_131] : memref<192xf32, #tpu.memory_space<vmem>> -> memref<16xf32, #tpu.memory_space<vmem>>
      %dma_wait3A_133 = tpu.memref_slice %arg4[%add3A_27] : memref<320000xf32, #tpu.memory_space<hbm>> -> memref<16xf32, #tpu.memory_space<hbm>>
      %dma_wait3A_134 = arith.constant 0 : i32
      %dma_wait3A_135 = tpu.memref_slice %arg11[%dma_wait3A_134] : memref<192xf32, #tpu.memory_space<vmem>> -> memref<16xf32, #tpu.memory_space<vmem>>
      %dma_wait3A_136 = tpu.memref_slice %arg4[%add3A_27] : memref<320000xf32, #tpu.memory_space<hbm>> -> memref<16xf32, #tpu.memory_space<hbm>>
      tpu.wait_dma2 semaphore(%run_scoped3A : memref<!tpu.dma_semaphore, #tpu.memory_space<semaphore_mem>>) src(%dma_wait3A_136 : memref<16xf32, #tpu.memory_space<hbm>>) dst(%dma_wait3A_135 : memref<16xf32, #tpu.memory_space<vmem>>)
      tpu.yield
    }) : () -> ()
    %broadcast_in_dim3A = arith.constant 10000 : i32
    %broadcast_in_dim3A_28 = vector.broadcast %broadcast_in_dim3A : i32 to vector<16xi32>
    %swap3A = arith.constant 16 : index
    %swap3A_29 = tpu.vector_load %arg10[%swap3A] {strides = array<i32>} : memref<192xi32, #tpu.memory_space<vmem>>, vector<16xi32>,
    tpu.vector_store %arg10[%swap3A], %broadcast_in_dim3A_28 {strides = array<i32>} : memref<192xi32, #tpu.memory_space<vmem>>, vector<16xi32>,
    %broadcast_in_dim3A_30 = arith.constant 0.000000e+00 : f32
    %broadcast_in_dim3A_31 = vector.broadcast %broadcast_in_dim3A_30 : f32 to vector<16xf32>
    %swap3A_32 = arith.constant 16 : index
    %swap3A_33 = tpu.vector_load %arg11[%swap3A_32] {strides = array<i32>} : memref<192xf32, #tpu.memory_space<vmem>>, vector<16xf32>,
    tpu.vector_store %arg11[%swap3A_32], %broadcast_in_dim3A_31 {strides = array<i32>} : memref<192xf32, #tpu.memory_space<vmem>>, vector<16xf32>,
    %broadcast_in_dim3A_34 = arith.constant 10000 : i32
    %broadcast_in_dim3A_35 = vector.broadcast %broadcast_in_dim3A_34 : i32 to vector<16xi32>
    %swap3A_36 = arith.constant 32 : index
    %swap3A_37 = tpu.vector_load %arg10[%swap3A_36] {strides = array<i32>} : memref<192xi32, #tpu.memory_space<vmem>>, vector<16xi32>,
    tpu.vector_store %arg10[%swap3A_36], %broadcast_in_dim3A_35 {strides = array<i32>} : memref<192xi32, #tpu.memory_space<vmem>>, vector<16xi32>,
    %broadcast_in_dim3A_38 = arith.constant 0.000000e+00 : f32
    %broadcast_in_dim3A_39 = vector.broadcast %broadcast_in_dim3A_38 : f32 to vector<16xf32>
    %swap3A_40 = arith.constant 32 : index
    %swap3A_41 = tpu.vector_load %arg11[%swap3A_40] {strides = array<i32>} : memref<192xf32, #tpu.memory_space<vmem>>, vector<16xf32>,
    tpu.vector_store %arg11[%swap3A_40], %broadcast_in_dim3A_39 {strides = array<i32>} : memref<192xf32, #tpu.memory_space<vmem>>, vector<16xf32>,
    %broadcast_in_dim3A_42 = arith.constant 10000 : i32
    %broadcast_in_dim3A_43 = vector.broadcast %broadcast_in_dim3A_42 : i32 to vector<16xi32>
    %swap3A_44 = arith.constant 48 : index
    %swap3A_45 = tpu.vector_load %arg10[%swap3A_44] {strides = array<i32>} : memref<192xi32, #tpu.memory_space<vmem>>, vector<16xi32>,
    tpu.vector_store %arg10[%swap3A_44], %broadcast_in_dim3A_43 {strides = array<i32>} : memref<192xi32, #tpu.memory_space<vmem>>, vector<16xi32>,
    %broadcast_in_dim3A_46 = arith.constant 0.000000e+00 : f32
    %broadcast_in_dim3A_47 = vector.broadcast %broadcast_in_dim3A_46 : f32 to vector<16xf32>
    %swap3A_48 = arith.constant 48 : index
    %swap3A_49 = tpu.vector_load %arg11[%swap3A_48] {strides = array<i32>} : memref<192xf32, #tpu.memory_space<vmem>>, vector<16xf32>,
    tpu.vector_store %arg11[%swap3A_48], %broadcast_in_dim3A_47 {strides = array<i32>} : memref<192xf32, #tpu.memory_space<vmem>>, vector<16xf32>,
    %broadcast_in_dim3A_50 = arith.constant 10000 : i32
    %broadcast_in_dim3A_51 = vector.broadcast %broadcast_in_dim3A_50 : i32 to vector<16xi32>
    %swap3A_52 = arith.constant 64 : index
    %swap3A_53 = tpu.vector_load %arg10[%swap3A_52] {strides = array<i32>} : memref<192xi32, #tpu.memory_space<vmem>>, vector<16xi32>,
    tpu.vector_store %arg10[%swap3A_52], %broadcast_in_dim3A_51 {strides = array<i32>} : memref<192xi32, #tpu.memory_space<vmem>>, vector<16xi32>,
    %broadcast_in_dim3A_54 = arith.constant 0.000000e+00 : f32
    %broadcast_in_dim3A_55 = vector.broadcast %broadcast_in_dim3A_54 : f32 to vector<16xf32>
    %swap3A_56 = arith.constant 64 : index
    %swap3A_57 = tpu.vector_load %arg11[%swap3A_56] {strides = array<i32>} : memref<192xf32, #tpu.memory_space<vmem>>, vector<16xf32>,
    tpu.vector_store %arg11[%swap3A_56], %broadcast_in_dim3A_55 {strides = array<i32>} : memref<192xf32, #tpu.memory_space<vmem>>, vector<16xf32>,
    %broadcast_in_dim3A_58 = arith.constant 10000 : i32
    %broadcast_in_dim3A_59 = vector.broadcast %broadcast_in_dim3A_58 : i32 to vector<16xi32>
    %swap3A_60 = arith.constant 80 : index
    %swap3A_61 = tpu.vector_load %arg10[%swap3A_60] {strides = array<i32>} : memref<192xi32, #tpu.memory_space<vmem>>, vector<16xi32>,
    tpu.vector_store %arg10[%swap3A_60], %broadcast_in_dim3A_59 {strides = array<i32>} : memref<192xi32, #tpu.memory_space<vmem>>, vector<16xi32>,
    %broadcast_in_dim3A_62 = arith.constant 0.000000e+00 : f32
    %broadcast_in_dim3A_63 = vector.broadcast %broadcast_in_dim3A_62 : f32 to vector<16xf32>
    %swap3A_64 = arith.constant 80 : index
    %swap3A_65 = tpu.vector_load %arg11[%swap3A_64] {strides = array<i32>} : memref<192xf32, #tpu.memory_space<vmem>>, vector<16xf32>,
    tpu.vector_store %arg11[%swap3A_64], %broadcast_in_dim3A_63 {strides = array<i32>} : memref<192xf32, #tpu.memory_space<vmem>>, vector<16xf32>,
    %broadcast_in_dim3A_66 = arith.constant 10000 : i32
    %broadcast_in_dim3A_67 = vector.broadcast %broadcast_in_dim3A_66 : i32 to vector<16xi32>
    %swap3A_68 = arith.constant 96 : index
    %swap3A_69 = tpu.vector_load %arg10[%swap3A_68] {strides = array<i32>} : memref<192xi32, #tpu.memory_space<vmem>>, vector<16xi32>,
    tpu.vector_store %arg10[%swap3A_68], %broadcast_in_dim3A_67 {strides = array<i32>} : memref<192xi32, #tpu.memory_space<vmem>>, vector<16xi32>,
    %broadcast_in_dim3A_70 = arith.constant 0.000000e+00 : f32
    %broadcast_in_dim3A_71 = vector.broadcast %broadcast_in_dim3A_70 : f32 to vector<16xf32>
    %swap3A_72 = arith.constant 96 : index
    %swap3A_73 = tpu.vector_load %arg11[%swap3A_72] {strides = array<i32>} : memref<192xf32, #tpu.memory_space<vmem>>, vector<16xf32>,
    tpu.vector_store %arg11[%swap3A_72], %broadcast_in_dim3A_71 {strides = array<i32>} : memref<192xf32, #tpu.memory_space<vmem>>, vector<16xf32>,
    %broadcast_in_dim3A_74 = arith.constant 10000 : i32
    %broadcast_in_dim3A_75 = vector.broadcast %broadcast_in_dim3A_74 : i32 to vector<16xi32>
    %swap3A_76 = arith.constant 112 : index
    %swap3A_77 = tpu.vector_load %arg10[%swap3A_76] {strides = array<i32>} : memref<192xi32, #tpu.memory_space<vmem>>, vector<16xi32>,
    tpu.vector_store %arg10[%swap3A_76], %broadcast_in_dim3A_75 {strides = array<i32>} : memref<192xi32, #tpu.memory_space<vmem>>, vector<16xi32>,
    %broadcast_in_dim3A_78 = arith.constant 0.000000e+00 : f32
    %broadcast_in_dim3A_79 = vector.broadcast %broadcast_in_dim3A_78 : f32 to vector<16xf32>
    %swap3A_80 = arith.constant 112 : index
    %swap3A_81 = tpu.vector_load %arg11[%swap3A_80] {strides = array<i32>} : memref<192xf32, #tpu.memory_space<vmem>>, vector<16xf32>,
    tpu.vector_store %arg11[%swap3A_80], %broadcast_in_dim3A_79 {strides = array<i32>} : memref<192xf32, #tpu.memory_space<vmem>>, vector<16xf32>,
    %broadcast_in_dim3A_82 = arith.constant 10000 : i32
    %broadcast_in_dim3A_83 = vector.broadcast %broadcast_in_dim3A_82 : i32 to vector<16xi32>
    %swap3A_84 = arith.constant 128 : index
    %swap3A_85 = tpu.vector_load %arg10[%swap3A_84] {strides = array<i32>} : memref<192xi32, #tpu.memory_space<vmem>>, vector<16xi32>,
    tpu.vector_store %arg10[%swap3A_84], %broadcast_in_dim3A_83 {strides = array<i32>} : memref<192xi32, #tpu.memory_space<vmem>>, vector<16xi32>,
    %broadcast_in_dim3A_86 = arith.constant 0.000000e+00 : f32
    %broadcast_in_dim3A_87 = vector.broadcast %broadcast_in_dim3A_86 : f32 to vector<16xf32>
    %swap3A_88 = arith.constant 128 : index
    %swap3A_89 = tpu.vector_load %arg11[%swap3A_88] {strides = array<i32>} : memref<192xf32, #tpu.memory_space<vmem>>, vector<16xf32>,
    tpu.vector_store %arg11[%swap3A_88], %broadcast_in_dim3A_87 {strides = array<i32>} : memref<192xf32, #tpu.memory_space<vmem>>, vector<16xf32>,
    %broadcast_in_dim3A_90 = arith.constant 10000 : i32
    %broadcast_in_dim3A_91 = vector.broadcast %broadcast_in_dim3A_90 : i32 to vector<16xi32>
    %swap3A_92 = arith.constant 144 : index
    %swap3A_93 = tpu.vector_load %arg10[%swap3A_92] {strides = array<i32>} : memref<192xi32, #tpu.memory_space<vmem>>, vector<16xi32>,
    tpu.vector_store %arg10[%swap3A_92], %broadcast_in_dim3A_91 {strides = array<i32>} : memref<192xi32, #tpu.memory_space<vmem>>, vector<16xi32>,
    %broadcast_in_dim3A_94 = arith.constant 0.000000e+00 : f32
    %broadcast_in_dim3A_95 = vector.broadcast %broadcast_in_dim3A_94 : f32 to vector<16xf32>
    %swap3A_96 = arith.constant 144 : index
    %swap3A_97 = tpu.vector_load %arg11[%swap3A_96] {strides = array<i32>} : memref<192xf32, #tpu.memory_space<vmem>>, vector<16xf32>,
    tpu.vector_store %arg11[%swap3A_96], %broadcast_in_dim3A_95 {strides = array<i32>} : memref<192xf32, #tpu.memory_space<vmem>>, vector<16xf32>,
    %broadcast_in_dim3A_98 = arith.constant 10000 : i32
    %broadcast_in_dim3A_99 = vector.broadcast %broadcast_in_dim3A_98 : i32 to vector<16xi32>
    %swap3A_100 = arith.constant 160 : index
    %swap3A_101 = tpu.vector_load %arg10[%swap3A_100] {strides = array<i32>} : memref<192xi32, #tpu.memory_space<vmem>>, vector<16xi32>,
    tpu.vector_store %arg10[%swap3A_100], %broadcast_in_dim3A_99 {strides = array<i32>} : memref<192xi32, #tpu.memory_space<vmem>>, vector<16xi32>,
    %broadcast_in_dim3A_102 = arith.constant 0.000000e+00 : f32
    %broadcast_in_dim3A_103 = vector.broadcast %broadcast_in_dim3A_102 : f32 to vector<16xf32>
    %swap3A_104 = arith.constant 160 : index
    %swap3A_105 = tpu.vector_load %arg11[%swap3A_104] {strides = array<i32>} : memref<192xf32, #tpu.memory_space<vmem>>, vector<16xf32>,
    tpu.vector_store %arg11[%swap3A_104], %broadcast_in_dim3A_103 {strides = array<i32>} : memref<192xf32, #tpu.memory_space<vmem>>, vector<16xf32>,
    %broadcast_in_dim3A_106 = arith.constant 10000 : i32
    %broadcast_in_dim3A_107 = vector.broadcast %broadcast_in_dim3A_106 : i32 to vector<16xi32>
    %swap3A_108 = arith.constant 176 : index
    %swap3A_109 = tpu.vector_load %arg10[%swap3A_108] {strides = array<i32>} : memref<192xi32, #tpu.memory_space<vmem>>, vector<16xi32>,
    tpu.vector_store %arg10[%swap3A_108], %broadcast_in_dim3A_107 {strides = array<i32>} : memref<192xi32, #tpu.memory_space<vmem>>, vector<16xi32>,
    %broadcast_in_dim3A_110 = arith.constant 0.000000e+00 : f32
    %broadcast_in_dim3A_111 = vector.broadcast %broadcast_in_dim3A_110 : f32 to vector<16xf32>
    %swap3A_112 = arith.constant 176 : index
    %swap3A_113 = tpu.vector_load %arg11[%swap3A_112] {strides = array<i32>} : memref<192xf32, #tpu.memory_space<vmem>>, vector<16xf32>,
    tpu.vector_store %arg11[%swap3A_112], %broadcast_in_dim3A_111 {strides = array<i32>} : memref<192xf32, #tpu.memory_space<vmem>>, vector<16xf32>,
    %dma_start3A = arith.constant 0 : i32
    %dma_start3A_114 = arith.constant 0 : i32
    %dma_start3A_115 = tpu.memref_slice %arg5[%dma_start3A, %dma_start3A_114] : memref<10000x128xf32, #tpu.memory_space<hbm>> -> memref<10000x128xf32, #tpu.memory_space<hbm>>
    tpu.enqueue_indirect_dma source(%dma_start3A_115 : memref<10000x128xf32, #tpu.memory_space<hbm>>) target(%arg8 : memref<192x128xf32, #tpu.memory_space<vmem>>) offsets(%arg9 : memref<192xi32, #tpu.memory_space<vmem>>) semaphore(%arg12 : memref<!tpu.dma_semaphore, #tpu.memory_space<semaphore_mem>>)
    %dma_wait3A = arith.constant 0 : i32
    %dma_wait3A_116 = arith.constant 0 : i32
    %dma_wait3A_117 = tpu.memref_slice %arg5[%dma_wait3A, %dma_wait3A_116] : memref<10000x128xf32, #tpu.memory_space<hbm>> -> memref<10000x128xf32, #tpu.memory_space<hbm>>
    tpu.wait_indirect_dma semaphore(%arg12 : memref<!tpu.dma_semaphore, #tpu.memory_space<semaphore_mem>>) src(%dma_wait3A_117 : memref<10000x128xf32, #tpu.memory_space<hbm>>) dst(%arg8 : memref<192x128xf32, #tpu.memory_space<vmem>>)
    %scan3A_118 = arith.constant 0 : i32
    %scan3A_119 = arith.constant 0 : i32
    %scan3A_120 = arith.constant 12 : i32
    %scan3A_121 = arith.addi %scan3A_119, %scan3A_120 : i32
    %scan3A_122 = arith.constant 1 : i32
    scf.for %scan3A_125 = %scan3A_119 to %scan3A_121 step %scan3A_122  : i32 {
      %mul3A_126 = arith.constant 16 : i32
      %mul3A_127 = arith.muli %scan3A_125, %mul3A_126 : i32
      %add3A_128 = arith.constant 0 : i32
      %add3A_129 = arith.addi %mul3A_127, %add3A_128 : i32
      %broadcast_in_dim3A_130 = vector.broadcast %add3A_129 : i32 to vector<16xi32>
      %gather3A = tpu.vector_load_idx %arg11[%broadcast_in_dim3A_130] : memref<192xf32, #tpu.memory_space<vmem>>[vector<16xi32>], vector<16xf32>,
      %get3A = arith.index_cast %add3A_129 : i32 to index
      %get3A_131 = arith.constant 0 : index
      %get3A_132 = tpu.vector_load %arg8[%get3A, %get3A_131] {strides = array<i32>} : memref<192x128xf32, #tpu.memory_space<vmem>>, vector<16xf32>,
      %mul3A_133 = arith.mulf %get3A_132, %gather3A : vector<16xf32>
      %swap3A_134 = arith.index_cast %add3A_129 : i32 to index
      %swap3A_135 = arith.constant 0 : index
      %swap3A_136 = tpu.vector_load %arg8[%swap3A_134, %swap3A_135] {strides = array<i32>} : memref<192x128xf32, #tpu.memory_space<vmem>>, vector<16xf32>,
      tpu.vector_store %arg8[%swap3A_134, %swap3A_135], %mul3A_133 {strides = array<i32>} : memref<192x128xf32, #tpu.memory_space<vmem>>, vector<16xf32>,
      %get3A_137 = arith.index_cast %add3A_129 : i32 to index
      %get3A_138 = arith.constant 16 : index
      %get3A_139 = tpu.vector_load %arg8[%get3A_137, %get3A_138] {strides = array<i32>} : memref<192x128xf32, #tpu.memory_space<vmem>>, vector<16xf32>,
      %mul3A_140 = arith.mulf %get3A_139, %gather3A : vector<16xf32>
      %swap3A_141 = arith.index_cast %add3A_129 : i32 to index
      %swap3A_142 = arith.constant 16 : index
      %swap3A_143 = tpu.vector_load %arg8[%swap3A_141, %swap3A_142] {strides = array<i32>} : memref<192x128xf32, #tpu.memory_space<vmem>>, vector<16xf32>,
      tpu.vector_store %arg8[%swap3A_141, %swap3A_142], %mul3A_140 {strides = array<i32>} : memref<192x128xf32, #tpu.memory_space<vmem>>, vector<16xf32>,
      %get3A_144 = arith.index_cast %add3A_129 : i32 to index
      %get3A_145 = arith.constant 32 : index
      %get3A_146 = tpu.vector_load %arg8[%get3A_144, %get3A_145] {strides = array<i32>} : memref<192x128xf32, #tpu.memory_space<vmem>>, vector<16xf32>,
      %mul3A_147 = arith.mulf %get3A_146, %gather3A : vector<16xf32>
      %swap3A_148 = arith.index_cast %add3A_129 : i32 to index
      %swap3A_149 = arith.constant 32 : index
      %swap3A_150 = tpu.vector_load %arg8[%swap3A_148, %swap3A_149] {strides = array<i32>} : memref<192x128xf32, #tpu.memory_space<vmem>>, vector<16xf32>,
      tpu.vector_store %arg8[%swap3A_148, %swap3A_149], %mul3A_147 {strides = array<i32>} : memref<192x128xf32, #tpu.memory_space<vmem>>, vector<16xf32>,
      %get3A_151 = arith.index_cast %add3A_129 : i32 to index
      %get3A_152 = arith.constant 48 : index
      %get3A_153 = tpu.vector_load %arg8[%get3A_151, %get3A_152] {strides = array<i32>} : memref<192x128xf32, #tpu.memory_space<vmem>>, vector<16xf32>,
      %mul3A_154 = arith.mulf %get3A_153, %gather3A : vector<16xf32>
      %swap3A_155 = arith.index_cast %add3A_129 : i32 to index
      %swap3A_156 = arith.constant 48 : index
      %swap3A_157 = tpu.vector_load %arg8[%swap3A_155, %swap3A_156] {strides = array<i32>} : memref<192x128xf32, #tpu.memory_space<vmem>>, vector<16xf32>,
      tpu.vector_store %arg8[%swap3A_155, %swap3A_156], %mul3A_154 {strides = array<i32>} : memref<192x128xf32, #tpu.memory_space<vmem>>, vector<16xf32>,
      %get3A_158 = arith.index_cast %add3A_129 : i32 to index
      %get3A_159 = arith.constant 64 : index
      %get3A_160 = tpu.vector_load %arg8[%get3A_158, %get3A_159] {strides = array<i32>} : memref<192x128xf32, #tpu.memory_space<vmem>>, vector<16xf32>,
      %mul3A_161 = arith.mulf %get3A_160, %gather3A : vector<16xf32>
      %swap3A_162 = arith.index_cast %add3A_129 : i32 to index
      %swap3A_163 = arith.constant 64 : index
      %swap3A_164 = tpu.vector_load %arg8[%swap3A_162, %swap3A_163] {strides = array<i32>} : memref<192x128xf32, #tpu.memory_space<vmem>>, vector<16xf32>,
      tpu.vector_store %arg8[%swap3A_162, %swap3A_163], %mul3A_161 {strides = array<i32>} : memref<192x128xf32, #tpu.memory_space<vmem>>, vector<16xf32>,
      %get3A_165 = arith.index_cast %add3A_129 : i32 to index
      %get3A_166 = arith.constant 80 : index
      %get3A_167 = tpu.vector_load %arg8[%get3A_165, %get3A_166] {strides = array<i32>} : memref<192x128xf32, #tpu.memory_space<vmem>>, vector<16xf32>,
      %mul3A_168 = arith.mulf %get3A_167, %gather3A : vector<16xf32>
      %swap3A_169 = arith.index_cast %add3A_129 : i32 to index
      %swap3A_170 = arith.constant 80 : index
      %swap3A_171 = tpu.vector_load %arg8[%swap3A_169, %swap3A_170] {strides = array<i32>} : memref<192x128xf32, #tpu.memory_space<vmem>>, vector<16xf32>,
      tpu.vector_store %arg8[%swap3A_169, %swap3A_170], %mul3A_168 {strides = array<i32>} : memref<192x128xf32, #tpu.memory_space<vmem>>, vector<16xf32>,
      %get3A_172 = arith.index_cast %add3A_129 : i32 to index
      %get3A_173 = arith.constant 96 : index
      %get3A_174 = tpu.vector_load %arg8[%get3A_172, %get3A_173] {strides = array<i32>} : memref<192x128xf32, #tpu.memory_space<vmem>>, vector<16xf32>,
      %mul3A_175 = arith.mulf %get3A_174, %gather3A : vector<16xf32>
      %swap3A_176 = arith.index_cast %add3A_129 : i32 to index
      %swap3A_177 = arith.constant 96 : index
      %swap3A_178 = tpu.vector_load %arg8[%swap3A_176, %swap3A_177] {strides = array<i32>} : memref<192x128xf32, #tpu.memory_space<vmem>>, vector<16xf32>,
      tpu.vector_store %arg8[%swap3A_176, %swap3A_177], %mul3A_175 {strides = array<i32>} : memref<192x128xf32, #tpu.memory_space<vmem>>, vector<16xf32>,
      %get3A_179 = arith.index_cast %add3A_129 : i32 to index
      %get3A_180 = arith.constant 112 : index
      %get3A_181 = tpu.vector_load %arg8[%get3A_179, %get3A_180] {strides = array<i32>} : memref<192x128xf32, #tpu.memory_space<vmem>>, vector<16xf32>,
      %mul3A_182 = arith.mulf %get3A_181, %gather3A : vector<16xf32>
      %swap3A_183 = arith.index_cast %add3A_129 : i32 to index
      %swap3A_184 = arith.constant 112 : index
      %swap3A_185 = tpu.vector_load %arg8[%swap3A_183, %swap3A_184] {strides = array<i32>} : memref<192x128xf32, #tpu.memory_space<vmem>>, vector<16xf32>,
      tpu.vector_store %arg8[%swap3A_183, %swap3A_184], %mul3A_182 {strides = array<i32>} : memref<192x128xf32, #tpu.memory_space<vmem>>, vector<16xf32>,
      %add3A_186 = arith.constant 1 : i32
      %add3A_187 = arith.addi %mul3A_127, %add3A_186 : i32
      %broadcast_in_dim3A_188 = vector.broadcast %add3A_187 : i32 to vector<16xi32>
      %gather3A_189 = tpu.vector_load_idx %arg11[%broadcast_in_dim3A_188] : memref<192xf32, #tpu.memory_space<vmem>>[vector<16xi32>], vector<16xf32>,
      %get3A_190 = arith.index_cast %add3A_187 : i32 to index
      %get3A_191 = arith.constant 0 : index
      %get3A_192 = tpu.vector_load %arg8[%get3A_190, %get3A_191] {strides = array<i32>} : memref<192x128xf32, #tpu.memory_space<vmem>>, vector<16xf32>,
      %mul3A_193 = arith.mulf %get3A_192, %gather3A_189 : vector<16xf32>
      %swap3A_194 = arith.index_cast %add3A_187 : i32 to index
      %swap3A_195 = arith.constant 0 : index
      %swap3A_196 = tpu.vector_load %arg8[%swap3A_194, %swap3A_195] {strides = array<i32>} : memref<192x128xf32, #tpu.memory_space<vmem>>, vector<16xf32>,
      tpu.vector_store %arg8[%swap3A_194, %swap3A_195], %mul3A_193 {strides = array<i32>} : memref<192x128xf32, #tpu.memory_space<vmem>>, vector<16xf32>,
      %get3A_197 = arith.index_cast %add3A_187 : i32 to index
      %get3A_198 = arith.constant 16 : index
      %get3A_199 = tpu.vector_load %arg8[%get3A_197, %get3A_198] {strides = array<i32>} : memref<192x128xf32, #tpu.memory_space<vmem>>, vector<16xf32>,
      %mul3A_200 = arith.mulf %get3A_199, %gather3A_189 : vector<16xf32>
      %swap3A_201 = arith.index_cast %add3A_187 : i32 to index
      %swap3A_202 = arith.constant 16 : index
      %swap3A_203 = tpu.vector_load %arg8[%swap3A_201, %swap3A_202] {strides = array<i32>} : memref<192x128xf32, #tpu.memory_space<vmem>>, vector<16xf32>,
      tpu.vector_store %arg8[%swap3A_201, %swap3A_202], %mul3A_200 {strides = array<i32>} : memref<192x128xf32, #tpu.memory_space<vmem>>, vector<16xf32>,
      %get3A_204 = arith.index_cast %add3A_187 : i32 to index
      %get3A_205 = arith.constant 32 : index
      %get3A_206 = tpu.vector_load %arg8[%get3A_204, %get3A_205] {strides = array<i32>} : memref<192x128xf32, #tpu.memory_space<vmem>>, vector<16xf32>,
      %mul3A_207 = arith.mulf %get3A_206, %gather3A_189 : vector<16xf32>
      %swap3A_208 = arith.index_cast %add3A_187 : i32 to index
      %swap3A_209 = arith.constant 32 : index
      %swap3A_210 = tpu.vector_load %arg8[%swap3A_208, %swap3A_209] {strides = array<i32>} : memref<192x128xf32, #tpu.memory_space<vmem>>, vector<16xf32>,
      tpu.vector_store %arg8[%swap3A_208, %swap3A_209], %mul3A_207 {strides = array<i32>} : memref<192x128xf32, #tpu.memory_space<vmem>>, vector<16xf32>,
      %get3A_211 = arith.index_cast %add3A_187 : i32 to index
      %get3A_212 = arith.constant 48 : index
      %get3A_213 = tpu.vector_load %arg8[%get3A_211, %get3A_212] {strides = array<i32>} : memref<192x128xf32, #tpu.memory_space<vmem>>, vector<16xf32>,
      %mul3A_214 = arith.mulf %get3A_213, %gather3A_189 : vector<16xf32>
      %swap3A_215 = arith.index_cast %add3A_187 : i32 to index
      %swap3A_216 = arith.constant 48 : index
      %swap3A_217 = tpu.vector_load %arg8[%swap3A_215, %swap3A_216] {strides = array<i32>} : memref<192x128xf32, #tpu.memory_space<vmem>>, vector<16xf32>,
      tpu.vector_store %arg8[%swap3A_215, %swap3A_216], %mul3A_214 {strides = array<i32>} : memref<192x128xf32, #tpu.memory_space<vmem>>, vector<16xf32>,
      %get3A_218 = arith.index_cast %add3A_187 : i32 to index
      %get3A_219 = arith.constant 64 : index
      %get3A_220 = tpu.vector_load %arg8[%get3A_218, %get3A_219] {strides = array<i32>} : memref<192x128xf32, #tpu.memory_space<vmem>>, vector<16xf32>,
      %mul3A_221 = arith.mulf %get3A_220, %gather3A_189 : vector<16xf32>
      %swap3A_222 = arith.index_cast %add3A_187 : i32 to index
      %swap3A_223 = arith.constant 64 : index
      %swap3A_224 = tpu.vector_load %arg8[%swap3A_222, %swap3A_223] {strides = array<i32>} : memref<192x128xf32, #tpu.memory_space<vmem>>, vector<16xf32>,
      tpu.vector_store %arg8[%swap3A_222, %swap3A_223], %mul3A_221 {strides = array<i32>} : memref<192x128xf32, #tpu.memory_space<vmem>>, vector<16xf32>,
      %get3A_225 = arith.index_cast %add3A_187 : i32 to index
      %get3A_226 = arith.constant 80 : index
      %get3A_227 = tpu.vector_load %arg8[%get3A_225, %get3A_226] {strides = array<i32>} : memref<192x128xf32, #tpu.memory_space<vmem>>, vector<16xf32>,
      %mul3A_228 = arith.mulf %get3A_227, %gather3A_189 : vector<16xf32>
      %swap3A_229 = arith.index_cast %add3A_187 : i32 to index
      %swap3A_230 = arith.constant 80 : index
      %swap3A_231 = tpu.vector_load %arg8[%swap3A_229, %swap3A_230] {strides = array<i32>} : memref<192x128xf32, #tpu.memory_space<vmem>>, vector<16xf32>,
      tpu.vector_store %arg8[%swap3A_229, %swap3A_230], %mul3A_228 {strides = array<i32>} : memref<192x128xf32, #tpu.memory_space<vmem>>, vector<16xf32>,
      %get3A_232 = arith.index_cast %add3A_187 : i32 to index
      %get3A_233 = arith.constant 96 : index
      %get3A_234 = tpu.vector_load %arg8[%get3A_232, %get3A_233] {strides = array<i32>} : memref<192x128xf32, #tpu.memory_space<vmem>>, vector<16xf32>,
      %mul3A_235 = arith.mulf %get3A_234, %gather3A_189 : vector<16xf32>
      %swap3A_236 = arith.index_cast %add3A_187 : i32 to index
      %swap3A_237 = arith.constant 96 : index
      %swap3A_238 = tpu.vector_load %arg8[%swap3A_236, %swap3A_237] {strides = array<i32>} : memref<192x128xf32, #tpu.memory_space<vmem>>, vector<16xf32>,
      tpu.vector_store %arg8[%swap3A_236, %swap3A_237], %mul3A_235 {strides = array<i32>} : memref<192x128xf32, #tpu.memory_space<vmem>>, vector<16xf32>,
      %get3A_239 = arith.index_cast %add3A_187 : i32 to index
      %get3A_240 = arith.constant 112 : index
      %get3A_241 = tpu.vector_load %arg8[%get3A_239, %get3A_240] {strides = array<i32>} : memref<192x128xf32, #tpu.memory_space<vmem>>, vector<16xf32>,
      %mul3A_242 = arith.mulf %get3A_241, %gather3A_189 : vector<16xf32>
      %swap3A_243 = arith.index_cast %add3A_187 : i32 to index
      %swap3A_244 = arith.constant 112 : index
      %swap3A_245 = tpu.vector_load %arg8[%swap3A_243, %swap3A_244] {strides = array<i32>} : memref<192x128xf32, #tpu.memory_space<vmem>>, vector<16xf32>,
      tpu.vector_store %arg8[%swap3A_243, %swap3A_244], %mul3A_242 {strides = array<i32>} : memref<192x128xf32, #tpu.memory_space<vmem>>, vector<16xf32>,
      %add3A_246 = arith.constant 2 : i32
      %add3A_247 = arith.addi %mul3A_127, %add3A_246 : i32
      %broadcast_in_dim3A_248 = vector.broadcast %add3A_247 : i32 to vector<16xi32>
      %gather3A_249 = tpu.vector_load_idx %arg11[%broadcast_in_dim3A_248] : memref<192xf32, #tpu.memory_space<vmem>>[vector<16xi32>], vector<16xf32>,
      %get3A_250 = arith.index_cast %add3A_247 : i32 to index
      %get3A_251 = arith.constant 0 : index
      %get3A_252 = tpu.vector_load %arg8[%get3A_250, %get3A_251] {strides = array<i32>} : memref<192x128xf32, #tpu.memory_space<vmem>>, vector<16xf32>,
      %mul3A_253 = arith.mulf %get3A_252, %gather3A_249 : vector<16xf32>
      %swap3A_254 = arith.index_cast %add3A_247 : i32 to index
      %swap3A_255 = arith.constant 0 : index
      %swap3A_256 = tpu.vector_load %arg8[%swap3A_254, %swap3A_255] {strides = array<i32>} : memref<192x128xf32, #tpu.memory_space<vmem>>, vector<16xf32>,
      tpu.vector_store %arg8[%swap3A_254, %swap3A_255], %mul3A_253 {strides = array<i32>} : memref<192x128xf32, #tpu.memory_space<vmem>>, vector<16xf32>,
      %get3A_257 = arith.index_cast %add3A_247 : i32 to index
      %get3A_258 = arith.constant 16 : index
      %get3A_259 = tpu.vector_load %arg8[%get3A_257, %get3A_258] {strides = array<i32>} : memref<192x128xf32, #tpu.memory_space<vmem>>, vector<16xf32>,
      %mul3A_260 = arith.mulf %get3A_259, %gather3A_249 : vector<16xf32>
      %swap3A_261 = arith.index_cast %add3A_247 : i32 to index
      %swap3A_262 = arith.constant 16 : index
      %swap3A_263 = tpu.vector_load %arg8[%swap3A_261, %swap3A_262] {strides = array<i32>} : memref<192x128xf32, #tpu.memory_space<vmem>>, vector<16xf32>,
      tpu.vector_store %arg8[%swap3A_261, %swap3A_262], %mul3A_260 {strides = array<i32>} : memref<192x128xf32, #tpu.memory_space<vmem>>, vector<16xf32>,
      %get3A_264 = arith.index_cast %add3A_247 : i32 to index
      %get3A_265 = arith.constant 32 : index
      %get3A_266 = tpu.vector_load %arg8[%get3A_264, %get3A_265] {strides = array<i32>} : memref<192x128xf32, #tpu.memory_space<vmem>>, vector<16xf32>,
      %mul3A_267 = arith.mulf %get3A_266, %gather3A_249 : vector<16xf32>
      %swap3A_268 = arith.index_cast %add3A_247 : i32 to index
      %swap3A_269 = arith.constant 32 : index
      %swap3A_270 = tpu.vector_load %arg8[%swap3A_268, %swap3A_269] {strides = array<i32>} : memref<192x128xf32, #tpu.memory_space<vmem>>, vector<16xf32>,
      tpu.vector_store %arg8[%swap3A_268, %swap3A_269], %mul3A_267 {strides = array<i32>} : memref<192x128xf32, #tpu.memory_space<vmem>>, vector<16xf32>,
      %get3A_271 = arith.index_cast %add3A_247 : i32 to index
      %get3A_272 = arith.constant 48 : index
      %get3A_273 = tpu.vector_load %arg8[%get3A_271, %get3A_272] {strides = array<i32>} : memref<192x128xf32, #tpu.memory_space<vmem>>, vector<16xf32>,
      %mul3A_274 = arith.mulf %get3A_273, %gather3A_249 : vector<16xf32>
      %swap3A_275 = arith.index_cast %add3A_247 : i32 to index
      %swap3A_276 = arith.constant 48 : index
      %swap3A_277 = tpu.vector_load %arg8[%swap3A_275, %swap3A_276] {strides = array<i32>} : memref<192x128xf32, #tpu.memory_space<vmem>>, vector<16xf32>,
      tpu.vector_store %arg8[%swap3A_275, %swap3A_276], %mul3A_274 {strides = array<i32>} : memref<192x128xf32, #tpu.memory_space<vmem>>, vector<16xf32>,
      %get3A_278 = arith.index_cast %add3A_247 : i32 to index
      %get3A_279 = arith.constant 64 : index
      %get3A_280 = tpu.vector_load %arg8[%get3A_278, %get3A_279] {strides = array<i32>} : memref<192x128xf32, #tpu.memory_space<vmem>>, vector<16xf32>,
      %mul3A_281 = arith.mulf %get3A_280, %gather3A_249 : vector<16xf32>
      %swap3A_282 = arith.index_cast %add3A_247 : i32 to index
      %swap3A_283 = arith.constant 64 : index
      %swap3A_284 = tpu.vector_load %arg8[%swap3A_282, %swap3A_283] {strides = array<i32>} : memref<192x128xf32, #tpu.memory_space<vmem>>, vector<16xf32>,
      tpu.vector_store %arg8[%swap3A_282, %swap3A_283], %mul3A_281 {strides = array<i32>} : memref<192x128xf32, #tpu.memory_space<vmem>>, vector<16xf32>,
      %get3A_285 = arith.index_cast %add3A_247 : i32 to index
      %get3A_286 = arith.constant 80 : index
      %get3A_287 = tpu.vector_load %arg8[%get3A_285, %get3A_286] {strides = array<i32>} : memref<192x128xf32, #tpu.memory_space<vmem>>, vector<16xf32>,
      %mul3A_288 = arith.mulf %get3A_287, %gather3A_249 : vector<16xf32>
      %swap3A_289 = arith.index_cast %add3A_247 : i32 to index
      %swap3A_290 = arith.constant 80 : index
      %swap3A_291 = tpu.vector_load %arg8[%swap3A_289, %swap3A_290] {strides = array<i32>} : memref<192x128xf32, #tpu.memory_space<vmem>>, vector<16xf32>,
      tpu.vector_store %arg8[%swap3A_289, %swap3A_290], %mul3A_288 {strides = array<i32>} : memref<192x128xf32, #tpu.memory_space<vmem>>, vector<16xf32>,
      %get3A_292 = arith.index_cast %add3A_247 : i32 to index
      %get3A_293 = arith.constant 96 : index
      %get3A_294 = tpu.vector_load %arg8[%get3A_292, %get3A_293] {strides = array<i32>} : memref<192x128xf32, #tpu.memory_space<vmem>>, vector<16xf32>,
      %mul3A_295 = arith.mulf %get3A_294, %gather3A_249 : vector<16xf32>
      %swap3A_296 = arith.index_cast %add3A_247 : i32 to index
      %swap3A_297 = arith.constant 96 : index
      %swap3A_298 = tpu.vector_load %arg8[%swap3A_296, %swap3A_297] {strides = array<i32>} : memref<192x128xf32, #tpu.memory_space<vmem>>, vector<16xf32>,
      tpu.vector_store %arg8[%swap3A_296, %swap3A_297], %mul3A_295 {strides = array<i32>} : memref<192x128xf32, #tpu.memory_space<vmem>>, vector<16xf32>,
      %get3A_299 = arith.index_cast %add3A_247 : i32 to index
      %get3A_300 = arith.constant 112 : index
      %get3A_301 = tpu.vector_load %arg8[%get3A_299, %get3A_300] {strides = array<i32>} : memref<192x128xf32, #tpu.memory_space<vmem>>, vector<16xf32>,
      %mul3A_302 = arith.mulf %get3A_301, %gather3A_249 : vector<16xf32>
      %swap3A_303 = arith.index_cast %add3A_247 : i32 to index
      %swap3A_304 = arith.constant 112 : index
      %swap3A_305 = tpu.vector_load %arg8[%swap3A_303, %swap3A_304] {strides = array<i32>} : memref<192x128xf32, #tpu.memory_space<vmem>>, vector<16xf32>,
      tpu.vector_store %arg8[%swap3A_303, %swap3A_304], %mul3A_302 {strides = array<i32>} : memref<192x128xf32, #tpu.memory_space<vmem>>, vector<16xf32>,
      %add3A_306 = arith.constant 3 : i32
      %add3A_307 = arith.addi %mul3A_127, %add3A_306 : i32
      %broadcast_in_dim3A_308 = vector.broadcast %add3A_307 : i32 to vector<16xi32>
      %gather3A_309 = tpu.vector_load_idx %arg11[%broadcast_in_dim3A_308] : memref<192xf32, #tpu.memory_space<vmem>>[vector<16xi32>], vector<16xf32>,
      %get3A_310 = arith.index_cast %add3A_307 : i32 to index
      %get3A_311 = arith.constant 0 : index
      %get3A_312 = tpu.vector_load %arg8[%get3A_310, %get3A_311] {strides = array<i32>} : memref<192x128xf32, #tpu.memory_space<vmem>>, vector<16xf32>,
      %mul3A_313 = arith.mulf %get3A_312, %gather3A_309 : vector<16xf32>
      %swap3A_314 = arith.index_cast %add3A_307 : i32 to index
      %swap3A_315 = arith.constant 0 : index
      %swap3A_316 = tpu.vector_load %arg8[%swap3A_314, %swap3A_315] {strides = array<i32>} : memref<192x128xf32, #tpu.memory_space<vmem>>, vector<16xf32>,
      tpu.vector_store %arg8[%swap3A_314, %swap3A_315], %mul3A_313 {strides = array<i32>} : memref<192x128xf32, #tpu.memory_space<vmem>>, vector<16xf32>,
      %get3A_317 = arith.index_cast %add3A_307 : i32 to index
      %get3A_318 = arith.constant 16 : index
      %get3A_319 = tpu.vector_load %arg8[%get3A_317, %get3A_318] {strides = array<i32>} : memref<192x128xf32, #tpu.memory_space<vmem>>, vector<16xf32>,
      %mul3A_320 = arith.mulf %get3A_319, %gather3A_309 : vector<16xf32>
      %swap3A_321 = arith.index_cast %add3A_307 : i32 to index
      %swap3A_322 = arith.constant 16 : index
      %swap3A_323 = tpu.vector_load %arg8[%swap3A_321, %swap3A_322] {strides = array<i32>} : memref<192x128xf32, #tpu.memory_space<vmem>>, vector<16xf32>,
      tpu.vector_store %arg8[%swap3A_321, %swap3A_322], %mul3A_320 {strides = array<i32>} : memref<192x128xf32, #tpu.memory_space<vmem>>, vector<16xf32>,
      %get3A_324 = arith.index_cast %add3A_307 : i32 to index
      %get3A_325 = arith.constant 32 : index
      %get3A_326 = tpu.vector_load %arg8[%get3A_324, %get3A_325] {strides = array<i32>} : memref<192x128xf32, #tpu.memory_space<vmem>>, vector<16xf32>,
      %mul3A_327 = arith.mulf %get3A_326, %gather3A_309 : vector<16xf32>
      %swap3A_328 = arith.index_cast %add3A_307 : i32 to index
      %swap3A_329 = arith.constant 32 : index
      %swap3A_330 = tpu.vector_load %arg8[%swap3A_328, %swap3A_329] {strides = array<i32>} : memref<192x128xf32, #tpu.memory_space<vmem>>, vector<16xf32>,
      tpu.vector_store %arg8[%swap3A_328, %swap3A_329], %mul3A_327 {strides = array<i32>} : memref<192x128xf32, #tpu.memory_space<vmem>>, vector<16xf32>,
      %get3A_331 = arith.index_cast %add3A_307 : i32 to index
      %get3A_332 = arith.constant 48 : index
      %get3A_333 = tpu.vector_load %arg8[%get3A_331, %get3A_332] {strides = array<i32>} : memref<192x128xf32, #tpu.memory_space<vmem>>, vector<16xf32>,
      %mul3A_334 = arith.mulf %get3A_333, %gather3A_309 : vector<16xf32>
      %swap3A_335 = arith.index_cast %add3A_307 : i32 to index
      %swap3A_336 = arith.constant 48 : index
      %swap3A_337 = tpu.vector_load %arg8[%swap3A_335, %swap3A_336] {strides = array<i32>} : memref<192x128xf32, #tpu.memory_space<vmem>>, vector<16xf32>,
      tpu.vector_store %arg8[%swap3A_335, %swap3A_336], %mul3A_334 {strides = array<i32>} : memref<192x128xf32, #tpu.memory_space<vmem>>, vector<16xf32>,
      %get3A_338 = arith.index_cast %add3A_307 : i32 to index
      %get3A_339 = arith.constant 64 : index
      %get3A_340 = tpu.vector_load %arg8[%get3A_338, %get3A_339] {strides = array<i32>} : memref<192x128xf32, #tpu.memory_space<vmem>>, vector<16xf32>,
      %mul3A_341 = arith.mulf %get3A_340, %gather3A_309 : vector<16xf32>
      %swap3A_342 = arith.index_cast %add3A_307 : i32 to index
      %swap3A_343 = arith.constant 64 : index
      %swap3A_344 = tpu.vector_load %arg8[%swap3A_342, %swap3A_343] {strides = array<i32>} : memref<192x128xf32, #tpu.memory_space<vmem>>, vector<16xf32>,
      tpu.vector_store %arg8[%swap3A_342, %swap3A_343], %mul3A_341 {strides = array<i32>} : memref<192x128xf32, #tpu.memory_space<vmem>>, vector<16xf32>,
      %get3A_345 = arith.index_cast %add3A_307 : i32 to index
      %get3A_346 = arith.constant 80 : index
      %get3A_347 = tpu.vector_load %arg8[%get3A_345, %get3A_346] {strides = array<i32>} : memref<192x128xf32, #tpu.memory_space<vmem>>, vector<16xf32>,
      %mul3A_348 = arith.mulf %get3A_347, %gather3A_309 : vector<16xf32>
      %swap3A_349 = arith.index_cast %add3A_307 : i32 to index
      %swap3A_350 = arith.constant 80 : index
      %swap3A_351 = tpu.vector_load %arg8[%swap3A_349, %swap3A_350] {strides = array<i32>} : memref<192x128xf32, #tpu.memory_space<vmem>>, vector<16xf32>,
      tpu.vector_store %arg8[%swap3A_349, %swap3A_350], %mul3A_348 {strides = array<i32>} : memref<192x128xf32, #tpu.memory_space<vmem>>, vector<16xf32>,
      %get3A_352 = arith.index_cast %add3A_307 : i32 to index
      %get3A_353 = arith.constant 96 : index
      %get3A_354 = tpu.vector_load %arg8[%get3A_352, %get3A_353] {strides = array<i32>} : memref<192x128xf32, #tpu.memory_space<vmem>>, vector<16xf32>,
      %mul3A_355 = arith.mulf %get3A_354, %gather3A_309 : vector<16xf32>
      %swap3A_356 = arith.index_cast %add3A_307 : i32 to index
      %swap3A_357 = arith.constant 96 : index
      %swap3A_358 = tpu.vector_load %arg8[%swap3A_356, %swap3A_357] {strides = array<i32>} : memref<192x128xf32, #tpu.memory_space<vmem>>, vector<16xf32>,
      tpu.vector_store %arg8[%swap3A_356, %swap3A_357], %mul3A_355 {strides = array<i32>} : memref<192x128xf32, #tpu.memory_space<vmem>>, vector<16xf32>,
      %get3A_359 = arith.index_cast %add3A_307 : i32 to index
      %get3A_360 = arith.constant 112 : index
      %get3A_361 = tpu.vector_load %arg8[%get3A_359, %get3A_360] {strides = array<i32>} : memref<192x128xf32, #tpu.memory_space<vmem>>, vector<16xf32>,
      %mul3A_362 = arith.mulf %get3A_361, %gather3A_309 : vector<16xf32>
      %swap3A_363 = arith.index_cast %add3A_307 : i32 to index
      %swap3A_364 = arith.constant 112 : index
      %swap3A_365 = tpu.vector_load %arg8[%swap3A_363, %swap3A_364] {strides = array<i32>} : memref<192x128xf32, #tpu.memory_space<vmem>>, vector<16xf32>,
      tpu.vector_store %arg8[%swap3A_363, %swap3A_364], %mul3A_362 {strides = array<i32>} : memref<192x128xf32, #tpu.memory_space<vmem>>, vector<16xf32>,
      %add3A_366 = arith.constant 4 : i32
      %add3A_367 = arith.addi %mul3A_127, %add3A_366 : i32
      %broadcast_in_dim3A_368 = vector.broadcast %add3A_367 : i32 to vector<16xi32>
      %gather3A_369 = tpu.vector_load_idx %arg11[%broadcast_in_dim3A_368] : memref<192xf32, #tpu.memory_space<vmem>>[vector<16xi32>], vector<16xf32>,
      %get3A_370 = arith.index_cast %add3A_367 : i32 to index
      %get3A_371 = arith.constant 0 : index
      %get3A_372 = tpu.vector_load %arg8[%get3A_370, %get3A_371] {strides = array<i32>} : memref<192x128xf32, #tpu.memory_space<vmem>>, vector<16xf32>,
      %mul3A_373 = arith.mulf %get3A_372, %gather3A_369 : vector<16xf32>
      %swap3A_374 = arith.index_cast %add3A_367 : i32 to index
      %swap3A_375 = arith.constant 0 : index
      %swap3A_376 = tpu.vector_load %arg8[%swap3A_374, %swap3A_375] {strides = array<i32>} : memref<192x128xf32, #tpu.memory_space<vmem>>, vector<16xf32>,
      tpu.vector_store %arg8[%swap3A_374, %swap3A_375], %mul3A_373 {strides = array<i32>} : memref<192x128xf32, #tpu.memory_space<vmem>>, vector<16xf32>,
      %get3A_377 = arith.index_cast %add3A_367 : i32 to index
      %get3A_378 = arith.constant 16 : index
      %get3A_379 = tpu.vector_load %arg8[%get3A_377, %get3A_378] {strides = array<i32>} : memref<192x128xf32, #tpu.memory_space<vmem>>, vector<16xf32>,
      %mul3A_380 = arith.mulf %get3A_379, %gather3A_369 : vector<16xf32>
      %swap3A_381 = arith.index_cast %add3A_367 : i32 to index
      %swap3A_382 = arith.constant 16 : index
      %swap3A_383 = tpu.vector_load %arg8[%swap3A_381, %swap3A_382] {strides = array<i32>} : memref<192x128xf32, #tpu.memory_space<vmem>>, vector<16xf32>,
      tpu.vector_store %arg8[%swap3A_381, %swap3A_382], %mul3A_380 {strides = array<i32>} : memref<192x128xf32, #tpu.memory_space<vmem>>, vector<16xf32>,
      %get3A_384 = arith.index_cast %add3A_367 : i32 to index
      %get3A_385 = arith.constant 32 : index
      %get3A_386 = tpu.vector_load %arg8[%get3A_384, %get3A_385] {strides = array<i32>} : memref<192x128xf32, #tpu.memory_space<vmem>>, vector<16xf32>,
      %mul3A_387 = arith.mulf %get3A_386, %gather3A_369 : vector<16xf32>
      %swap3A_388 = arith.index_cast %add3A_367 : i32 to index
      %swap3A_389 = arith.constant 32 : index
      %swap3A_390 = tpu.vector_load %arg8[%swap3A_388, %swap3A_389] {strides = array<i32>} : memref<192x128xf32, #tpu.memory_space<vmem>>, vector<16xf32>,
      tpu.vector_store %arg8[%swap3A_388, %swap3A_389], %mul3A_387 {strides = array<i32>} : memref<192x128xf32, #tpu.memory_space<vmem>>, vector<16xf32>,
      %get3A_391 = arith.index_cast %add3A_367 : i32 to index
      %get3A_392 = arith.constant 48 : index
      %get3A_393 = tpu.vector_load %arg8[%get3A_391, %get3A_392] {strides = array<i32>} : memref<192x128xf32, #tpu.memory_space<vmem>>, vector<16xf32>,
      %mul3A_394 = arith.mulf %get3A_393, %gather3A_369 : vector<16xf32>
      %swap3A_395 = arith.index_cast %add3A_367 : i32 to index
      %swap3A_396 = arith.constant 48 : index
      %swap3A_397 = tpu.vector_load %arg8[%swap3A_395, %swap3A_396] {strides = array<i32>} : memref<192x128xf32, #tpu.memory_space<vmem>>, vector<16xf32>,
      tpu.vector_store %arg8[%swap3A_395, %swap3A_396], %mul3A_394 {strides = array<i32>} : memref<192x128xf32, #tpu.memory_space<vmem>>, vector<16xf32>,
      %get3A_398 = arith.index_cast %add3A_367 : i32 to index
      %get3A_399 = arith.constant 64 : index
      %get3A_400 = tpu.vector_load %arg8[%get3A_398, %get3A_399] {strides = array<i32>} : memref<192x128xf32, #tpu.memory_space<vmem>>, vector<16xf32>,
      %mul3A_401 = arith.mulf %get3A_400, %gather3A_369 : vector<16xf32>
      %swap3A_402 = arith.index_cast %add3A_367 : i32 to index
      %swap3A_403 = arith.constant 64 : index
      %swap3A_404 = tpu.vector_load %arg8[%swap3A_402, %swap3A_403] {strides = array<i32>} : memref<192x128xf32, #tpu.memory_space<vmem>>, vector<16xf32>,
      tpu.vector_store %arg8[%swap3A_402, %swap3A_403], %mul3A_401 {strides = array<i32>} : memref<192x128xf32, #tpu.memory_space<vmem>>, vector<16xf32>,
      %get3A_405 = arith.index_cast %add3A_367 : i32 to index
      %get3A_406 = arith.constant 80 : index
      %get3A_407 = tpu.vector_load %arg8[%get3A_405, %get3A_406] {strides = array<i32>} : memref<192x128xf32, #tpu.memory_space<vmem>>, vector<16xf32>,
      %mul3A_408 = arith.mulf %get3A_407, %gather3A_369 : vector<16xf32>
      %swap3A_409 = arith.index_cast %add3A_367 : i32 to index
      %swap3A_410 = arith.constant 80 : index
      %swap3A_411 = tpu.vector_load %arg8[%swap3A_409, %swap3A_410] {strides = array<i32>} : memref<192x128xf32, #tpu.memory_space<vmem>>, vector<16xf32>,
      tpu.vector_store %arg8[%swap3A_409, %swap3A_410], %mul3A_408 {strides = array<i32>} : memref<192x128xf32, #tpu.memory_space<vmem>>, vector<16xf32>,
      %get3A_412 = arith.index_cast %add3A_367 : i32 to index
      %get3A_413 = arith.constant 96 : index
      %get3A_414 = tpu.vector_load %arg8[%get3A_412, %get3A_413] {strides = array<i32>} : memref<192x128xf32, #tpu.memory_space<vmem>>, vector<16xf32>,
      %mul3A_415 = arith.mulf %get3A_414, %gather3A_369 : vector<16xf32>
      %swap3A_416 = arith.index_cast %add3A_367 : i32 to index
      %swap3A_417 = arith.constant 96 : index
      %swap3A_418 = tpu.vector_load %arg8[%swap3A_416, %swap3A_417] {strides = array<i32>} : memref<192x128xf32, #tpu.memory_space<vmem>>, vector<16xf32>,
      tpu.vector_store %arg8[%swap3A_416, %swap3A_417], %mul3A_415 {strides = array<i32>} : memref<192x128xf32, #tpu.memory_space<vmem>>, vector<16xf32>,
      %get3A_419 = arith.index_cast %add3A_367 : i32 to index
      %get3A_420 = arith.constant 112 : index
      %get3A_421 = tpu.vector_load %arg8[%get3A_419, %get3A_420] {strides = array<i32>} : memref<192x128xf32, #tpu.memory_space<vmem>>, vector<16xf32>,
      %mul3A_422 = arith.mulf %get3A_421, %gather3A_369 : vector<16xf32>
      %swap3A_423 = arith.index_cast %add3A_367 : i32 to index
      %swap3A_424 = arith.constant 112 : index
      %swap3A_425 = tpu.vector_load %arg8[%swap3A_423, %swap3A_424] {strides = array<i32>} : memref<192x128xf32, #tpu.memory_space<vmem>>, vector<16xf32>,
      tpu.vector_store %arg8[%swap3A_423, %swap3A_424], %mul3A_422 {strides = array<i32>} : memref<192x128xf32, #tpu.memory_space<vmem>>, vector<16xf32>,
      %add3A_426 = arith.constant 5 : i32
      %add3A_427 = arith.addi %mul3A_127, %add3A_426 : i32
      %broadcast_in_dim3A_428 = vector.broadcast %add3A_427 : i32 to vector<16xi32>
      %gather3A_429 = tpu.vector_load_idx %arg11[%broadcast_in_dim3A_428] : memref<192xf32, #tpu.memory_space<vmem>>[vector<16xi32>], vector<16xf32>,
      %get3A_430 = arith.index_cast %add3A_427 : i32 to index
      %get3A_431 = arith.constant 0 : index
      %get3A_432 = tpu.vector_load %arg8[%get3A_430, %get3A_431] {strides = array<i32>} : memref<192x128xf32, #tpu.memory_space<vmem>>, vector<16xf32>,
      %mul3A_433 = arith.mulf %get3A_432, %gather3A_429 : vector<16xf32>
      %swap3A_434 = arith.index_cast %add3A_427 : i32 to index
      %swap3A_435 = arith.constant 0 : index
      %swap3A_436 = tpu.vector_load %arg8[%swap3A_434, %swap3A_435] {strides = array<i32>} : memref<192x128xf32, #tpu.memory_space<vmem>>, vector<16xf32>,
      tpu.vector_store %arg8[%swap3A_434, %swap3A_435], %mul3A_433 {strides = array<i32>} : memref<192x128xf32, #tpu.memory_space<vmem>>, vector<16xf32>,
      %get3A_437 = arith.index_cast %add3A_427 : i32 to index
      %get3A_438 = arith.constant 16 : index
      %get3A_439 = tpu.vector_load %arg8[%get3A_437, %get3A_438] {strides = array<i32>} : memref<192x128xf32, #tpu.memory_space<vmem>>, vector<16xf32>,
      %mul3A_440 = arith.mulf %get3A_439, %gather3A_429 : vector<16xf32>
      %swap3A_441 = arith.index_cast %add3A_427 : i32 to index
      %swap3A_442 = arith.constant 16 : index
      %swap3A_443 = tpu.vector_load %arg8[%swap3A_441, %swap3A_442] {strides = array<i32>} : memref<192x128xf32, #tpu.memory_space<vmem>>, vector<16xf32>,
      tpu.vector_store %arg8[%swap3A_441, %swap3A_442], %mul3A_440 {strides = array<i32>} : memref<192x128xf32, #tpu.memory_space<vmem>>, vector<16xf32>,
      %get3A_444 = arith.index_cast %add3A_427 : i32 to index
      %get3A_445 = arith.constant 32 : index
      %get3A_446 = tpu.vector_load %arg8[%get3A_444, %get3A_445] {strides = array<i32>} : memref<192x128xf32, #tpu.memory_space<vmem>>, vector<16xf32>,
      %mul3A_447 = arith.mulf %get3A_446, %gather3A_429 : vector<16xf32>
      %swap3A_448 = arith.index_cast %add3A_427 : i32 to index
      %swap3A_449 = arith.constant 32 : index
      %swap3A_450 = tpu.vector_load %arg8[%swap3A_448, %swap3A_449] {strides = array<i32>} : memref<192x128xf32, #tpu.memory_space<vmem>>, vector<16xf32>,
      tpu.vector_store %arg8[%swap3A_448, %swap3A_449], %mul3A_447 {strides = array<i32>} : memref<192x128xf32, #tpu.memory_space<vmem>>, vector<16xf32>,
      %get3A_451 = arith.index_cast %add3A_427 : i32 to index
      %get3A_452 = arith.constant 48 : index
      %get3A_453 = tpu.vector_load %arg8[%get3A_451, %get3A_452] {strides = array<i32>} : memref<192x128xf32, #tpu.memory_space<vmem>>, vector<16xf32>,
      %mul3A_454 = arith.mulf %get3A_453, %gather3A_429 : vector<16xf32>
      %swap3A_455 = arith.index_cast %add3A_427 : i32 to index
      %swap3A_456 = arith.constant 48 : index
      %swap3A_457 = tpu.vector_load %arg8[%swap3A_455, %swap3A_456] {strides = array<i32>} : memref<192x128xf32, #tpu.memory_space<vmem>>, vector<16xf32>,
      tpu.vector_store %arg8[%swap3A_455, %swap3A_456], %mul3A_454 {strides = array<i32>} : memref<192x128xf32, #tpu.memory_space<vmem>>, vector<16xf32>,
      %get3A_458 = arith.index_cast %add3A_427 : i32 to index
      %get3A_459 = arith.constant 64 : index
      %get3A_460 = tpu.vector_load %arg8[%get3A_458, %get3A_459] {strides = array<i32>} : memref<192x128xf32, #tpu.memory_space<vmem>>, vector<16xf32>,
      %mul3A_461 = arith.mulf %get3A_460, %gather3A_429 : vector<16xf32>
      %swap3A_462 = arith.index_cast %add3A_427 : i32 to index
      %swap3A_463 = arith.constant 64 : index
      %swap3A_464 = tpu.vector_load %arg8[%swap3A_462, %swap3A_463] {strides = array<i32>} : memref<192x128xf32, #tpu.memory_space<vmem>>, vector<16xf32>,
      tpu.vector_store %arg8[%swap3A_462, %swap3A_463], %mul3A_461 {strides = array<i32>} : memref<192x128xf32, #tpu.memory_space<vmem>>, vector<16xf32>,
      %get3A_465 = arith.index_cast %add3A_427 : i32 to index
      %get3A_466 = arith.constant 80 : index
      %get3A_467 = tpu.vector_load %arg8[%get3A_465, %get3A_466] {strides = array<i32>} : memref<192x128xf32, #tpu.memory_space<vmem>>, vector<16xf32>,
      %mul3A_468 = arith.mulf %get3A_467, %gather3A_429 : vector<16xf32>
      %swap3A_469 = arith.index_cast %add3A_427 : i32 to index
      %swap3A_470 = arith.constant 80 : index
      %swap3A_471 = tpu.vector_load %arg8[%swap3A_469, %swap3A_470] {strides = array<i32>} : memref<192x128xf32, #tpu.memory_space<vmem>>, vector<16xf32>,
      tpu.vector_store %arg8[%swap3A_469, %swap3A_470], %mul3A_468 {strides = array<i32>} : memref<192x128xf32, #tpu.memory_space<vmem>>, vector<16xf32>,
      %get3A_472 = arith.index_cast %add3A_427 : i32 to index
      %get3A_473 = arith.constant 96 : index
      %get3A_474 = tpu.vector_load %arg8[%get3A_472, %get3A_473] {strides = array<i32>} : memref<192x128xf32, #tpu.memory_space<vmem>>, vector<16xf32>,
      %mul3A_475 = arith.mulf %get3A_474, %gather3A_429 : vector<16xf32>
      %swap3A_476 = arith.index_cast %add3A_427 : i32 to index
      %swap3A_477 = arith.constant 96 : index
      %swap3A_478 = tpu.vector_load %arg8[%swap3A_476, %swap3A_477] {strides = array<i32>} : memref<192x128xf32, #tpu.memory_space<vmem>>, vector<16xf32>,
      tpu.vector_store %arg8[%swap3A_476, %swap3A_477], %mul3A_475 {strides = array<i32>} : memref<192x128xf32, #tpu.memory_space<vmem>>, vector<16xf32>,
      %get3A_479 = arith.index_cast %add3A_427 : i32 to index
      %get3A_480 = arith.constant 112 : index
      %get3A_481 = tpu.vector_load %arg8[%get3A_479, %get3A_480] {strides = array<i32>} : memref<192x128xf32, #tpu.memory_space<vmem>>, vector<16xf32>,
      %mul3A_482 = arith.mulf %get3A_481, %gather3A_429 : vector<16xf32>
      %swap3A_483 = arith.index_cast %add3A_427 : i32 to index
      %swap3A_484 = arith.constant 112 : index
      %swap3A_485 = tpu.vector_load %arg8[%swap3A_483, %swap3A_484] {strides = array<i32>} : memref<192x128xf32, #tpu.memory_space<vmem>>, vector<16xf32>,
      tpu.vector_store %arg8[%swap3A_483, %swap3A_484], %mul3A_482 {strides = array<i32>} : memref<192x128xf32, #tpu.memory_space<vmem>>, vector<16xf32>,
      %add3A_486 = arith.constant 6 : i32
      %add3A_487 = arith.addi %mul3A_127, %add3A_486 : i32
      %broadcast_in_dim3A_488 = vector.broadcast %add3A_487 : i32 to vector<16xi32>
      %gather3A_489 = tpu.vector_load_idx %arg11[%broadcast_in_dim3A_488] : memref<192xf32, #tpu.memory_space<vmem>>[vector<16xi32>], vector<16xf32>,
      %get3A_490 = arith.index_cast %add3A_487 : i32 to index
      %get3A_491 = arith.constant 0 : index
      %get3A_492 = tpu.vector_load %arg8[%get3A_490, %get3A_491] {strides = array<i32>} : memref<192x128xf32, #tpu.memory_space<vmem>>, vector<16xf32>,
      %mul3A_493 = arith.mulf %get3A_492, %gather3A_489 : vector<16xf32>
      %swap3A_494 = arith.index_cast %add3A_487 : i32 to index
      %swap3A_495 = arith.constant 0 : index
      %swap3A_496 = tpu.vector_load %arg8[%swap3A_494, %swap3A_495] {strides = array<i32>} : memref<192x128xf32, #tpu.memory_space<vmem>>, vector<16xf32>,
      tpu.vector_store %arg8[%swap3A_494, %swap3A_495], %mul3A_493 {strides = array<i32>} : memref<192x128xf32, #tpu.memory_space<vmem>>, vector<16xf32>,
      %get3A_497 = arith.index_cast %add3A_487 : i32 to index
      %get3A_498 = arith.constant 16 : index
      %get3A_499 = tpu.vector_load %arg8[%get3A_497, %get3A_498] {strides = array<i32>} : memref<192x128xf32, #tpu.memory_space<vmem>>, vector<16xf32>,
      %mul3A_500 = arith.mulf %get3A_499, %gather3A_489 : vector<16xf32>
      %swap3A_501 = arith.index_cast %add3A_487 : i32 to index
      %swap3A_502 = arith.constant 16 : index
      %swap3A_503 = tpu.vector_load %arg8[%swap3A_501, %swap3A_502] {strides = array<i32>} : memref<192x128xf32, #tpu.memory_space<vmem>>, vector<16xf32>,
      tpu.vector_store %arg8[%swap3A_501, %swap3A_502], %mul3A_500 {strides = array<i32>} : memref<192x128xf32, #tpu.memory_space<vmem>>, vector<16xf32>,
      %get3A_504 = arith.index_cast %add3A_487 : i32 to index
      %get3A_505 = arith.constant 32 : index
      %get3A_506 = tpu.vector_load %arg8[%get3A_504, %get3A_505] {strides = array<i32>} : memref<192x128xf32, #tpu.memory_space<vmem>>, vector<16xf32>,
      %mul3A_507 = arith.mulf %get3A_506, %gather3A_489 : vector<16xf32>
      %swap3A_508 = arith.index_cast %add3A_487 : i32 to index
      %swap3A_509 = arith.constant 32 : index
      %swap3A_510 = tpu.vector_load %arg8[%swap3A_508, %swap3A_509] {strides = array<i32>} : memref<192x128xf32, #tpu.memory_space<vmem>>, vector<16xf32>,
      tpu.vector_store %arg8[%swap3A_508, %swap3A_509], %mul3A_507 {strides = array<i32>} : memref<192x128xf32, #tpu.memory_space<vmem>>, vector<16xf32>,
      %get3A_511 = arith.index_cast %add3A_487 : i32 to index
      %get3A_512 = arith.constant 48 : index
      %get3A_513 = tpu.vector_load %arg8[%get3A_511, %get3A_512] {strides = array<i32>} : memref<192x128xf32, #tpu.memory_space<vmem>>, vector<16xf32>,
      %mul3A_514 = arith.mulf %get3A_513, %gather3A_489 : vector<16xf32>
      %swap3A_515 = arith.index_cast %add3A_487 : i32 to index
      %swap3A_516 = arith.constant 48 : index
      %swap3A_517 = tpu.vector_load %arg8[%swap3A_515, %swap3A_516] {strides = array<i32>} : memref<192x128xf32, #tpu.memory_space<vmem>>, vector<16xf32>,
      tpu.vector_store %arg8[%swap3A_515, %swap3A_516], %mul3A_514 {strides = array<i32>} : memref<192x128xf32, #tpu.memory_space<vmem>>, vector<16xf32>,
      %get3A_518 = arith.index_cast %add3A_487 : i32 to index
      %get3A_519 = arith.constant 64 : index
      %get3A_520 = tpu.vector_load %arg8[%get3A_518, %get3A_519] {strides = array<i32>} : memref<192x128xf32, #tpu.memory_space<vmem>>, vector<16xf32>,
      %mul3A_521 = arith.mulf %get3A_520, %gather3A_489 : vector<16xf32>
      %swap3A_522 = arith.index_cast %add3A_487 : i32 to index
      %swap3A_523 = arith.constant 64 : index
      %swap3A_524 = tpu.vector_load %arg8[%swap3A_522, %swap3A_523] {strides = array<i32>} : memref<192x128xf32, #tpu.memory_space<vmem>>, vector<16xf32>,
      tpu.vector_store %arg8[%swap3A_522, %swap3A_523], %mul3A_521 {strides = array<i32>} : memref<192x128xf32, #tpu.memory_space<vmem>>, vector<16xf32>,
      %get3A_525 = arith.index_cast %add3A_487 : i32 to index
      %get3A_526 = arith.constant 80 : index
      %get3A_527 = tpu.vector_load %arg8[%get3A_525, %get3A_526] {strides = array<i32>} : memref<192x128xf32, #tpu.memory_space<vmem>>, vector<16xf32>,
      %mul3A_528 = arith.mulf %get3A_527, %gather3A_489 : vector<16xf32>
      %swap3A_529 = arith.index_cast %add3A_487 : i32 to index
      %swap3A_530 = arith.constant 80 : index
      %swap3A_531 = tpu.vector_load %arg8[%swap3A_529, %swap3A_530] {strides = array<i32>} : memref<192x128xf32, #tpu.memory_space<vmem>>, vector<16xf32>,
      tpu.vector_store %arg8[%swap3A_529, %swap3A_530], %mul3A_528 {strides = array<i32>} : memref<192x128xf32, #tpu.memory_space<vmem>>, vector<16xf32>,
      %get3A_532 = arith.index_cast %add3A_487 : i32 to index
      %get3A_533 = arith.constant 96 : index
      %get3A_534 = tpu.vector_load %arg8[%get3A_532, %get3A_533] {strides = array<i32>} : memref<192x128xf32, #tpu.memory_space<vmem>>, vector<16xf32>,
      %mul3A_535 = arith.mulf %get3A_534, %gather3A_489 : vector<16xf32>
      %swap3A_536 = arith.index_cast %add3A_487 : i32 to index
      %swap3A_537 = arith.constant 96 : index
      %swap3A_538 = tpu.vector_load %arg8[%swap3A_536, %swap3A_537] {strides = array<i32>} : memref<192x128xf32, #tpu.memory_space<vmem>>, vector<16xf32>,
      tpu.vector_store %arg8[%swap3A_536, %swap3A_537], %mul3A_535 {strides = array<i32>} : memref<192x128xf32, #tpu.memory_space<vmem>>, vector<16xf32>,
      %get3A_539 = arith.index_cast %add3A_487 : i32 to index
      %get3A_540 = arith.constant 112 : index
      %get3A_541 = tpu.vector_load %arg8[%get3A_539, %get3A_540] {strides = array<i32>} : memref<192x128xf32, #tpu.memory_space<vmem>>, vector<16xf32>,
      %mul3A_542 = arith.mulf %get3A_541, %gather3A_489 : vector<16xf32>
      %swap3A_543 = arith.index_cast %add3A_487 : i32 to index
      %swap3A_544 = arith.constant 112 : index
      %swap3A_545 = tpu.vector_load %arg8[%swap3A_543, %swap3A_544] {strides = array<i32>} : memref<192x128xf32, #tpu.memory_space<vmem>>, vector<16xf32>,
      tpu.vector_store %arg8[%swap3A_543, %swap3A_544], %mul3A_542 {strides = array<i32>} : memref<192x128xf32, #tpu.memory_space<vmem>>, vector<16xf32>,
      %add3A_546 = arith.constant 7 : i32
      %add3A_547 = arith.addi %mul3A_127, %add3A_546 : i32
      %broadcast_in_dim3A_548 = vector.broadcast %add3A_547 : i32 to vector<16xi32>
      %gather3A_549 = tpu.vector_load_idx %arg11[%broadcast_in_dim3A_548] : memref<192xf32, #tpu.memory_space<vmem>>[vector<16xi32>], vector<16xf32>,
      %get3A_550 = arith.index_cast %add3A_547 : i32 to index
      %get3A_551 = arith.constant 0 : index
      %get3A_552 = tpu.vector_load %arg8[%get3A_550, %get3A_551] {strides = array<i32>} : memref<192x128xf32, #tpu.memory_space<vmem>>, vector<16xf32>,
      %mul3A_553 = arith.mulf %get3A_552, %gather3A_549 : vector<16xf32>
      %swap3A_554 = arith.index_cast %add3A_547 : i32 to index
      %swap3A_555 = arith.constant 0 : index
      %swap3A_556 = tpu.vector_load %arg8[%swap3A_554, %swap3A_555] {strides = array<i32>} : memref<192x128xf32, #tpu.memory_space<vmem>>, vector<16xf32>,
      tpu.vector_store %arg8[%swap3A_554, %swap3A_555], %mul3A_553 {strides = array<i32>} : memref<192x128xf32, #tpu.memory_space<vmem>>, vector<16xf32>,
      %get3A_557 = arith.index_cast %add3A_547 : i32 to index
      %get3A_558 = arith.constant 16 : index
      %get3A_559 = tpu.vector_load %arg8[%get3A_557, %get3A_558] {strides = array<i32>} : memref<192x128xf32, #tpu.memory_space<vmem>>, vector<16xf32>,
      %mul3A_560 = arith.mulf %get3A_559, %gather3A_549 : vector<16xf32>
      %swap3A_561 = arith.index_cast %add3A_547 : i32 to index
      %swap3A_562 = arith.constant 16 : index
      %swap3A_563 = tpu.vector_load %arg8[%swap3A_561, %swap3A_562] {strides = array<i32>} : memref<192x128xf32, #tpu.memory_space<vmem>>, vector<16xf32>,
      tpu.vector_store %arg8[%swap3A_561, %swap3A_562], %mul3A_560 {strides = array<i32>} : memref<192x128xf32, #tpu.memory_space<vmem>>, vector<16xf32>,
      %get3A_564 = arith.index_cast %add3A_547 : i32 to index
      %get3A_565 = arith.constant 32 : index
      %get3A_566 = tpu.vector_load %arg8[%get3A_564, %get3A_565] {strides = array<i32>} : memref<192x128xf32, #tpu.memory_space<vmem>>, vector<16xf32>,
      %mul3A_567 = arith.mulf %get3A_566, %gather3A_549 : vector<16xf32>
      %swap3A_568 = arith.index_cast %add3A_547 : i32 to index
      %swap3A_569 = arith.constant 32 : index
      %swap3A_570 = tpu.vector_load %arg8[%swap3A_568, %swap3A_569] {strides = array<i32>} : memref<192x128xf32, #tpu.memory_space<vmem>>, vector<16xf32>,
      tpu.vector_store %arg8[%swap3A_568, %swap3A_569], %mul3A_567 {strides = array<i32>} : memref<192x128xf32, #tpu.memory_space<vmem>>, vector<16xf32>,
      %get3A_571 = arith.index_cast %add3A_547 : i32 to index
      %get3A_572 = arith.constant 48 : index
      %get3A_573 = tpu.vector_load %arg8[%get3A_571, %get3A_572] {strides = array<i32>} : memref<192x128xf32, #tpu.memory_space<vmem>>, vector<16xf32>,
      %mul3A_574 = arith.mulf %get3A_573, %gather3A_549 : vector<16xf32>
      %swap3A_575 = arith.index_cast %add3A_547 : i32 to index
      %swap3A_576 = arith.constant 48 : index
      %swap3A_577 = tpu.vector_load %arg8[%swap3A_575, %swap3A_576] {strides = array<i32>} : memref<192x128xf32, #tpu.memory_space<vmem>>, vector<16xf32>,
      tpu.vector_store %arg8[%swap3A_575, %swap3A_576], %mul3A_574 {strides = array<i32>} : memref<192x128xf32, #tpu.memory_space<vmem>>, vector<16xf32>,
      %get3A_578 = arith.index_cast %add3A_547 : i32 to index
      %get3A_579 = arith.constant 64 : index
      %get3A_580 = tpu.vector_load %arg8[%get3A_578, %get3A_579] {strides = array<i32>} : memref<192x128xf32, #tpu.memory_space<vmem>>, vector<16xf32>,
      %mul3A_581 = arith.mulf %get3A_580, %gather3A_549 : vector<16xf32>
      %swap3A_582 = arith.index_cast %add3A_547 : i32 to index
      %swap3A_583 = arith.constant 64 : index
      %swap3A_584 = tpu.vector_load %arg8[%swap3A_582, %swap3A_583] {strides = array<i32>} : memref<192x128xf32, #tpu.memory_space<vmem>>, vector<16xf32>,
      tpu.vector_store %arg8[%swap3A_582, %swap3A_583], %mul3A_581 {strides = array<i32>} : memref<192x128xf32, #tpu.memory_space<vmem>>, vector<16xf32>,
      %get3A_585 = arith.index_cast %add3A_547 : i32 to index
      %get3A_586 = arith.constant 80 : index
      %get3A_587 = tpu.vector_load %arg8[%get3A_585, %get3A_586] {strides = array<i32>} : memref<192x128xf32, #tpu.memory_space<vmem>>, vector<16xf32>,
      %mul3A_588 = arith.mulf %get3A_587, %gather3A_549 : vector<16xf32>
      %swap3A_589 = arith.index_cast %add3A_547 : i32 to index
      %swap3A_590 = arith.constant 80 : index
      %swap3A_591 = tpu.vector_load %arg8[%swap3A_589, %swap3A_590] {strides = array<i32>} : memref<192x128xf32, #tpu.memory_space<vmem>>, vector<16xf32>,
      tpu.vector_store %arg8[%swap3A_589, %swap3A_590], %mul3A_588 {strides = array<i32>} : memref<192x128xf32, #tpu.memory_space<vmem>>, vector<16xf32>,
      %get3A_592 = arith.index_cast %add3A_547 : i32 to index
      %get3A_593 = arith.constant 96 : index
      %get3A_594 = tpu.vector_load %arg8[%get3A_592, %get3A_593] {strides = array<i32>} : memref<192x128xf32, #tpu.memory_space<vmem>>, vector<16xf32>,
      %mul3A_595 = arith.mulf %get3A_594, %gather3A_549 : vector<16xf32>
      %swap3A_596 = arith.index_cast %add3A_547 : i32 to index
      %swap3A_597 = arith.constant 96 : index
      %swap3A_598 = tpu.vector_load %arg8[%swap3A_596, %swap3A_597] {strides = array<i32>} : memref<192x128xf32, #tpu.memory_space<vmem>>, vector<16xf32>,
      tpu.vector_store %arg8[%swap3A_596, %swap3A_597], %mul3A_595 {strides = array<i32>} : memref<192x128xf32, #tpu.memory_space<vmem>>, vector<16xf32>,
      %get3A_599 = arith.index_cast %add3A_547 : i32 to index
      %get3A_600 = arith.constant 112 : index
      %get3A_601 = tpu.vector_load %arg8[%get3A_599, %get3A_600] {strides = array<i32>} : memref<192x128xf32, #tpu.memory_space<vmem>>, vector<16xf32>,
      %mul3A_602 = arith.mulf %get3A_601, %gather3A_549 : vector<16xf32>
      %swap3A_603 = arith.index_cast %add3A_547 : i32 to index
      %swap3A_604 = arith.constant 112 : index
      %swap3A_605 = tpu.vector_load %arg8[%swap3A_603, %swap3A_604] {strides = array<i32>} : memref<192x128xf32, #tpu.memory_space<vmem>>, vector<16xf32>,
      tpu.vector_store %arg8[%swap3A_603, %swap3A_604], %mul3A_602 {strides = array<i32>} : memref<192x128xf32, #tpu.memory_space<vmem>>, vector<16xf32>,
      %add3A_606 = arith.constant 8 : i32
      %add3A_607 = arith.addi %mul3A_127, %add3A_606 : i32
      %broadcast_in_dim3A_608 = vector.broadcast %add3A_607 : i32 to vector<16xi32>
      %gather3A_609 = tpu.vector_load_idx %arg11[%broadcast_in_dim3A_608] : memref<192xf32, #tpu.memory_space<vmem>>[vector<16xi32>], vector<16xf32>,
      %get3A_610 = arith.index_cast %add3A_607 : i32 to index
      %get3A_611 = arith.constant 0 : index
      %get3A_612 = tpu.vector_load %arg8[%get3A_610, %get3A_611] {strides = array<i32>} : memref<192x128xf32, #tpu.memory_space<vmem>>, vector<16xf32>,
      %mul3A_613 = arith.mulf %get3A_612, %gather3A_609 : vector<16xf32>
      %swap3A_614 = arith.index_cast %add3A_607 : i32 to index
      %swap3A_615 = arith.constant 0 : index
      %swap3A_616 = tpu.vector_load %arg8[%swap3A_614, %swap3A_615] {strides = array<i32>} : memref<192x128xf32, #tpu.memory_space<vmem>>, vector<16xf32>,
      tpu.vector_store %arg8[%swap3A_614, %swap3A_615], %mul3A_613 {strides = array<i32>} : memref<192x128xf32, #tpu.memory_space<vmem>>, vector<16xf32>,
      %get3A_617 = arith.index_cast %add3A_607 : i32 to index
      %get3A_618 = arith.constant 16 : index
      %get3A_619 = tpu.vector_load %arg8[%get3A_617, %get3A_618] {strides = array<i32>} : memref<192x128xf32, #tpu.memory_space<vmem>>, vector<16xf32>,
      %mul3A_620 = arith.mulf %get3A_619, %gather3A_609 : vector<16xf32>
      %swap3A_621 = arith.index_cast %add3A_607 : i32 to index
      %swap3A_622 = arith.constant 16 : index
      %swap3A_623 = tpu.vector_load %arg8[%swap3A_621, %swap3A_622] {strides = array<i32>} : memref<192x128xf32, #tpu.memory_space<vmem>>, vector<16xf32>,
      tpu.vector_store %arg8[%swap3A_621, %swap3A_622], %mul3A_620 {strides = array<i32>} : memref<192x128xf32, #tpu.memory_space<vmem>>, vector<16xf32>,
      %get3A_624 = arith.index_cast %add3A_607 : i32 to index
      %get3A_625 = arith.constant 32 : index
      %get3A_626 = tpu.vector_load %arg8[%get3A_624, %get3A_625] {strides = array<i32>} : memref<192x128xf32, #tpu.memory_space<vmem>>, vector<16xf32>,
      %mul3A_627 = arith.mulf %get3A_626, %gather3A_609 : vector<16xf32>
      %swap3A_628 = arith.index_cast %add3A_607 : i32 to index
      %swap3A_629 = arith.constant 32 : index
      %swap3A_630 = tpu.vector_load %arg8[%swap3A_628, %swap3A_629] {strides = array<i32>} : memref<192x128xf32, #tpu.memory_space<vmem>>, vector<16xf32>,
      tpu.vector_store %arg8[%swap3A_628, %swap3A_629], %mul3A_627 {strides = array<i32>} : memref<192x128xf32, #tpu.memory_space<vmem>>, vector<16xf32>,
      %get3A_631 = arith.index_cast %add3A_607 : i32 to index
      %get3A_632 = arith.constant 48 : index
      %get3A_633 = tpu.vector_load %arg8[%get3A_631, %get3A_632] {strides = array<i32>} : memref<192x128xf32, #tpu.memory_space<vmem>>, vector<16xf32>,
      %mul3A_634 = arith.mulf %get3A_633, %gather3A_609 : vector<16xf32>
      %swap3A_635 = arith.index_cast %add3A_607 : i32 to index
      %swap3A_636 = arith.constant 48 : index
      %swap3A_637 = tpu.vector_load %arg8[%swap3A_635, %swap3A_636] {strides = array<i32>} : memref<192x128xf32, #tpu.memory_space<vmem>>, vector<16xf32>,
      tpu.vector_store %arg8[%swap3A_635, %swap3A_636], %mul3A_634 {strides = array<i32>} : memref<192x128xf32, #tpu.memory_space<vmem>>, vector<16xf32>,
      %get3A_638 = arith.index_cast %add3A_607 : i32 to index
      %get3A_639 = arith.constant 64 : index
      %get3A_640 = tpu.vector_load %arg8[%get3A_638, %get3A_639] {strides = array<i32>} : memref<192x128xf32, #tpu.memory_space<vmem>>, vector<16xf32>,
      %mul3A_641 = arith.mulf %get3A_640, %gather3A_609 : vector<16xf32>
      %swap3A_642 = arith.index_cast %add3A_607 : i32 to index
      %swap3A_643 = arith.constant 64 : index
      %swap3A_644 = tpu.vector_load %arg8[%swap3A_642, %swap3A_643] {strides = array<i32>} : memref<192x128xf32, #tpu.memory_space<vmem>>, vector<16xf32>,
      tpu.vector_store %arg8[%swap3A_642, %swap3A_643], %mul3A_641 {strides = array<i32>} : memref<192x128xf32, #tpu.memory_space<vmem>>, vector<16xf32>,
      %get3A_645 = arith.index_cast %add3A_607 : i32 to index
      %get3A_646 = arith.constant 80 : index
      %get3A_647 = tpu.vector_load %arg8[%get3A_645, %get3A_646] {strides = array<i32>} : memref<192x128xf32, #tpu.memory_space<vmem>>, vector<16xf32>,
      %mul3A_648 = arith.mulf %get3A_647, %gather3A_609 : vector<16xf32>
      %swap3A_649 = arith.index_cast %add3A_607 : i32 to index
      %swap3A_650 = arith.constant 80 : index
      %swap3A_651 = tpu.vector_load %arg8[%swap3A_649, %swap3A_650] {strides = array<i32>} : memref<192x128xf32, #tpu.memory_space<vmem>>, vector<16xf32>,
      tpu.vector_store %arg8[%swap3A_649, %swap3A_650], %mul3A_648 {strides = array<i32>} : memref<192x128xf32, #tpu.memory_space<vmem>>, vector<16xf32>,
      %get3A_652 = arith.index_cast %add3A_607 : i32 to index
      %get3A_653 = arith.constant 96 : index
      %get3A_654 = tpu.vector_load %arg8[%get3A_652, %get3A_653] {strides = array<i32>} : memref<192x128xf32, #tpu.memory_space<vmem>>, vector<16xf32>,
      %mul3A_655 = arith.mulf %get3A_654, %gather3A_609 : vector<16xf32>
      %swap3A_656 = arith.index_cast %add3A_607 : i32 to index
      %swap3A_657 = arith.constant 96 : index
      %swap3A_658 = tpu.vector_load %arg8[%swap3A_656, %swap3A_657] {strides = array<i32>} : memref<192x128xf32, #tpu.memory_space<vmem>>, vector<16xf32>,
      tpu.vector_store %arg8[%swap3A_656, %swap3A_657], %mul3A_655 {strides = array<i32>} : memref<192x128xf32, #tpu.memory_space<vmem>>, vector<16xf32>,
      %get3A_659 = arith.index_cast %add3A_607 : i32 to index
      %get3A_660 = arith.constant 112 : index
      %get3A_661 = tpu.vector_load %arg8[%get3A_659, %get3A_660] {strides = array<i32>} : memref<192x128xf32, #tpu.memory_space<vmem>>, vector<16xf32>,
      %mul3A_662 = arith.mulf %get3A_661, %gather3A_609 : vector<16xf32>
      %swap3A_663 = arith.index_cast %add3A_607 : i32 to index
      %swap3A_664 = arith.constant 112 : index
      %swap3A_665 = tpu.vector_load %arg8[%swap3A_663, %swap3A_664] {strides = array<i32>} : memref<192x128xf32, #tpu.memory_space<vmem>>, vector<16xf32>,
      tpu.vector_store %arg8[%swap3A_663, %swap3A_664], %mul3A_662 {strides = array<i32>} : memref<192x128xf32, #tpu.memory_space<vmem>>, vector<16xf32>,
      %add3A_666 = arith.constant 9 : i32
      %add3A_667 = arith.addi %mul3A_127, %add3A_666 : i32
      %broadcast_in_dim3A_668 = vector.broadcast %add3A_667 : i32 to vector<16xi32>
      %gather3A_669 = tpu.vector_load_idx %arg11[%broadcast_in_dim3A_668] : memref<192xf32, #tpu.memory_space<vmem>>[vector<16xi32>], vector<16xf32>,
      %get3A_670 = arith.index_cast %add3A_667 : i32 to index
      %get3A_671 = arith.constant 0 : index
      %get3A_672 = tpu.vector_load %arg8[%get3A_670, %get3A_671] {strides = array<i32>} : memref<192x128xf32, #tpu.memory_space<vmem>>, vector<16xf32>,
      %mul3A_673 = arith.mulf %get3A_672, %gather3A_669 : vector<16xf32>
      %swap3A_674 = arith.index_cast %add3A_667 : i32 to index
      %swap3A_675 = arith.constant 0 : index
      %swap3A_676 = tpu.vector_load %arg8[%swap3A_674, %swap3A_675] {strides = array<i32>} : memref<192x128xf32, #tpu.memory_space<vmem>>, vector<16xf32>,
      tpu.vector_store %arg8[%swap3A_674, %swap3A_675], %mul3A_673 {strides = array<i32>} : memref<192x128xf32, #tpu.memory_space<vmem>>, vector<16xf32>,
      %get3A_677 = arith.index_cast %add3A_667 : i32 to index
      %get3A_678 = arith.constant 16 : index
      %get3A_679 = tpu.vector_load %arg8[%get3A_677, %get3A_678] {strides = array<i32>} : memref<192x128xf32, #tpu.memory_space<vmem>>, vector<16xf32>,
      %mul3A_680 = arith.mulf %get3A_679, %gather3A_669 : vector<16xf32>
      %swap3A_681 = arith.index_cast %add3A_667 : i32 to index
      %swap3A_682 = arith.constant 16 : index
      %swap3A_683 = tpu.vector_load %arg8[%swap3A_681, %swap3A_682] {strides = array<i32>} : memref<192x128xf32, #tpu.memory_space<vmem>>, vector<16xf32>,
      tpu.vector_store %arg8[%swap3A_681, %swap3A_682], %mul3A_680 {strides = array<i32>} : memref<192x128xf32, #tpu.memory_space<vmem>>, vector<16xf32>,
      %get3A_684 = arith.index_cast %add3A_667 : i32 to index
      %get3A_685 = arith.constant 32 : index
      %get3A_686 = tpu.vector_load %arg8[%get3A_684, %get3A_685] {strides = array<i32>} : memref<192x128xf32, #tpu.memory_space<vmem>>, vector<16xf32>,
      %mul3A_687 = arith.mulf %get3A_686, %gather3A_669 : vector<16xf32>
      %swap3A_688 = arith.index_cast %add3A_667 : i32 to index
      %swap3A_689 = arith.constant 32 : index
      %swap3A_690 = tpu.vector_load %arg8[%swap3A_688, %swap3A_689] {strides = array<i32>} : memref<192x128xf32, #tpu.memory_space<vmem>>, vector<16xf32>,
      tpu.vector_store %arg8[%swap3A_688, %swap3A_689], %mul3A_687 {strides = array<i32>} : memref<192x128xf32, #tpu.memory_space<vmem>>, vector<16xf32>,
      %get3A_691 = arith.index_cast %add3A_667 : i32 to index
      %get3A_692 = arith.constant 48 : index
      %get3A_693 = tpu.vector_load %arg8[%get3A_691, %get3A_692] {strides = array<i32>} : memref<192x128xf32, #tpu.memory_space<vmem>>, vector<16xf32>,
      %mul3A_694 = arith.mulf %get3A_693, %gather3A_669 : vector<16xf32>
      %swap3A_695 = arith.index_cast %add3A_667 : i32 to index
      %swap3A_696 = arith.constant 48 : index
      %swap3A_697 = tpu.vector_load %arg8[%swap3A_695, %swap3A_696] {strides = array<i32>} : memref<192x128xf32, #tpu.memory_space<vmem>>, vector<16xf32>,
      tpu.vector_store %arg8[%swap3A_695, %swap3A_696], %mul3A_694 {strides = array<i32>} : memref<192x128xf32, #tpu.memory_space<vmem>>, vector<16xf32>,
      %get3A_698 = arith.index_cast %add3A_667 : i32 to index
      %get3A_699 = arith.constant 64 : index
      %get3A_700 = tpu.vector_load %arg8[%get3A_698, %get3A_699] {strides = array<i32>} : memref<192x128xf32, #tpu.memory_space<vmem>>, vector<16xf32>,
      %mul3A_701 = arith.mulf %get3A_700, %gather3A_669 : vector<16xf32>
      %swap3A_702 = arith.index_cast %add3A_667 : i32 to index
      %swap3A_703 = arith.constant 64 : index
      %swap3A_704 = tpu.vector_load %arg8[%swap3A_702, %swap3A_703] {strides = array<i32>} : memref<192x128xf32, #tpu.memory_space<vmem>>, vector<16xf32>,
      tpu.vector_store %arg8[%swap3A_702, %swap3A_703], %mul3A_701 {strides = array<i32>} : memref<192x128xf32, #tpu.memory_space<vmem>>, vector<16xf32>,
      %get3A_705 = arith.index_cast %add3A_667 : i32 to index
      %get3A_706 = arith.constant 80 : index
      %get3A_707 = tpu.vector_load %arg8[%get3A_705, %get3A_706] {strides = array<i32>} : memref<192x128xf32, #tpu.memory_space<vmem>>, vector<16xf32>,
      %mul3A_708 = arith.mulf %get3A_707, %gather3A_669 : vector<16xf32>
      %swap3A_709 = arith.index_cast %add3A_667 : i32 to index
      %swap3A_710 = arith.constant 80 : index
      %swap3A_711 = tpu.vector_load %arg8[%swap3A_709, %swap3A_710] {strides = array<i32>} : memref<192x128xf32, #tpu.memory_space<vmem>>, vector<16xf32>,
      tpu.vector_store %arg8[%swap3A_709, %swap3A_710], %mul3A_708 {strides = array<i32>} : memref<192x128xf32, #tpu.memory_space<vmem>>, vector<16xf32>,
      %get3A_712 = arith.index_cast %add3A_667 : i32 to index
      %get3A_713 = arith.constant 96 : index
      %get3A_714 = tpu.vector_load %arg8[%get3A_712, %get3A_713] {strides = array<i32>} : memref<192x128xf32, #tpu.memory_space<vmem>>, vector<16xf32>,
      %mul3A_715 = arith.mulf %get3A_714, %gather3A_669 : vector<16xf32>
      %swap3A_716 = arith.index_cast %add3A_667 : i32 to index
      %swap3A_717 = arith.constant 96 : index
      %swap3A_718 = tpu.vector_load %arg8[%swap3A_716, %swap3A_717] {strides = array<i32>} : memref<192x128xf32, #tpu.memory_space<vmem>>, vector<16xf32>,
      tpu.vector_store %arg8[%swap3A_716, %swap3A_717], %mul3A_715 {strides = array<i32>} : memref<192x128xf32, #tpu.memory_space<vmem>>, vector<16xf32>,
      %get3A_719 = arith.index_cast %add3A_667 : i32 to index
      %get3A_720 = arith.constant 112 : index
      %get3A_721 = tpu.vector_load %arg8[%get3A_719, %get3A_720] {strides = array<i32>} : memref<192x128xf32, #tpu.memory_space<vmem>>, vector<16xf32>,
      %mul3A_722 = arith.mulf %get3A_721, %gather3A_669 : vector<16xf32>
      %swap3A_723 = arith.index_cast %add3A_667 : i32 to index
      %swap3A_724 = arith.constant 112 : index
      %swap3A_725 = tpu.vector_load %arg8[%swap3A_723, %swap3A_724] {strides = array<i32>} : memref<192x128xf32, #tpu.memory_space<vmem>>, vector<16xf32>,
      tpu.vector_store %arg8[%swap3A_723, %swap3A_724], %mul3A_722 {strides = array<i32>} : memref<192x128xf32, #tpu.memory_space<vmem>>, vector<16xf32>,
      %add3A_726 = arith.constant 10 : i32
      %add3A_727 = arith.addi %mul3A_127, %add3A_726 : i32
      %broadcast_in_dim3A_728 = vector.broadcast %add3A_727 : i32 to vector<16xi32>
      %gather3A_729 = tpu.vector_load_idx %arg11[%broadcast_in_dim3A_728] : memref<192xf32, #tpu.memory_space<vmem>>[vector<16xi32>], vector<16xf32>,
      %get3A_730 = arith.index_cast %add3A_727 : i32 to index
      %get3A_731 = arith.constant 0 : index
      %get3A_732 = tpu.vector_load %arg8[%get3A_730, %get3A_731] {strides = array<i32>} : memref<192x128xf32, #tpu.memory_space<vmem>>, vector<16xf32>,
      %mul3A_733 = arith.mulf %get3A_732, %gather3A_729 : vector<16xf32>
      %swap3A_734 = arith.index_cast %add3A_727 : i32 to index
      %swap3A_735 = arith.constant 0 : index
      %swap3A_736 = tpu.vector_load %arg8[%swap3A_734, %swap3A_735] {strides = array<i32>} : memref<192x128xf32, #tpu.memory_space<vmem>>, vector<16xf32>,
      tpu.vector_store %arg8[%swap3A_734, %swap3A_735], %mul3A_733 {strides = array<i32>} : memref<192x128xf32, #tpu.memory_space<vmem>>, vector<16xf32>,
      %get3A_737 = arith.index_cast %add3A_727 : i32 to index
      %get3A_738 = arith.constant 16 : index
      %get3A_739 = tpu.vector_load %arg8[%get3A_737, %get3A_738] {strides = array<i32>} : memref<192x128xf32, #tpu.memory_space<vmem>>, vector<16xf32>,
      %mul3A_740 = arith.mulf %get3A_739, %gather3A_729 : vector<16xf32>
      %swap3A_741 = arith.index_cast %add3A_727 : i32 to index
      %swap3A_742 = arith.constant 16 : index
      %swap3A_743 = tpu.vector_load %arg8[%swap3A_741, %swap3A_742] {strides = array<i32>} : memref<192x128xf32, #tpu.memory_space<vmem>>, vector<16xf32>,
      tpu.vector_store %arg8[%swap3A_741, %swap3A_742], %mul3A_740 {strides = array<i32>} : memref<192x128xf32, #tpu.memory_space<vmem>>, vector<16xf32>,
      %get3A_744 = arith.index_cast %add3A_727 : i32 to index
      %get3A_745 = arith.constant 32 : index
      %get3A_746 = tpu.vector_load %arg8[%get3A_744, %get3A_745] {strides = array<i32>} : memref<192x128xf32, #tpu.memory_space<vmem>>, vector<16xf32>,
      %mul3A_747 = arith.mulf %get3A_746, %gather3A_729 : vector<16xf32>
      %swap3A_748 = arith.index_cast %add3A_727 : i32 to index
      %swap3A_749 = arith.constant 32 : index
      %swap3A_750 = tpu.vector_load %arg8[%swap3A_748, %swap3A_749] {strides = array<i32>} : memref<192x128xf32, #tpu.memory_space<vmem>>, vector<16xf32>,
      tpu.vector_store %arg8[%swap3A_748, %swap3A_749], %mul3A_747 {strides = array<i32>} : memref<192x128xf32, #tpu.memory_space<vmem>>, vector<16xf32>,
      %get3A_751 = arith.index_cast %add3A_727 : i32 to index
      %get3A_752 = arith.constant 48 : index
      %get3A_753 = tpu.vector_load %arg8[%get3A_751, %get3A_752] {strides = array<i32>} : memref<192x128xf32, #tpu.memory_space<vmem>>, vector<16xf32>,
      %mul3A_754 = arith.mulf %get3A_753, %gather3A_729 : vector<16xf32>
      %swap3A_755 = arith.index_cast %add3A_727 : i32 to index
      %swap3A_756 = arith.constant 48 : index
      %swap3A_757 = tpu.vector_load %arg8[%swap3A_755, %swap3A_756] {strides = array<i32>} : memref<192x128xf32, #tpu.memory_space<vmem>>, vector<16xf32>,
      tpu.vector_store %arg8[%swap3A_755, %swap3A_756], %mul3A_754 {strides = array<i32>} : memref<192x128xf32, #tpu.memory_space<vmem>>, vector<16xf32>,
      %get3A_758 = arith.index_cast %add3A_727 : i32 to index
      %get3A_759 = arith.constant 64 : index
      %get3A_760 = tpu.vector_load %arg8[%get3A_758, %get3A_759] {strides = array<i32>} : memref<192x128xf32, #tpu.memory_space<vmem>>, vector<16xf32>,
      %mul3A_761 = arith.mulf %get3A_760, %gather3A_729 : vector<16xf32>
      %swap3A_762 = arith.index_cast %add3A_727 : i32 to index
      %swap3A_763 = arith.constant 64 : index
      %swap3A_764 = tpu.vector_load %arg8[%swap3A_762, %swap3A_763] {strides = array<i32>} : memref<192x128xf32, #tpu.memory_space<vmem>>, vector<16xf32>,
      tpu.vector_store %arg8[%swap3A_762, %swap3A_763], %mul3A_761 {strides = array<i32>} : memref<192x128xf32, #tpu.memory_space<vmem>>, vector<16xf32>,
      %get3A_765 = arith.index_cast %add3A_727 : i32 to index
      %get3A_766 = arith.constant 80 : index
      %get3A_767 = tpu.vector_load %arg8[%get3A_765, %get3A_766] {strides = array<i32>} : memref<192x128xf32, #tpu.memory_space<vmem>>, vector<16xf32>,
      %mul3A_768 = arith.mulf %get3A_767, %gather3A_729 : vector<16xf32>
      %swap3A_769 = arith.index_cast %add3A_727 : i32 to index
      %swap3A_770 = arith.constant 80 : index
      %swap3A_771 = tpu.vector_load %arg8[%swap3A_769, %swap3A_770] {strides = array<i32>} : memref<192x128xf32, #tpu.memory_space<vmem>>, vector<16xf32>,
      tpu.vector_store %arg8[%swap3A_769, %swap3A_770], %mul3A_768 {strides = array<i32>} : memref<192x128xf32, #tpu.memory_space<vmem>>, vector<16xf32>,
      %get3A_772 = arith.index_cast %add3A_727 : i32 to index
      %get3A_773 = arith.constant 96 : index
      %get3A_774 = tpu.vector_load %arg8[%get3A_772, %get3A_773] {strides = array<i32>} : memref<192x128xf32, #tpu.memory_space<vmem>>, vector<16xf32>,
      %mul3A_775 = arith.mulf %get3A_774, %gather3A_729 : vector<16xf32>
      %swap3A_776 = arith.index_cast %add3A_727 : i32 to index
      %swap3A_777 = arith.constant 96 : index
      %swap3A_778 = tpu.vector_load %arg8[%swap3A_776, %swap3A_777] {strides = array<i32>} : memref<192x128xf32, #tpu.memory_space<vmem>>, vector<16xf32>,
      tpu.vector_store %arg8[%swap3A_776, %swap3A_777], %mul3A_775 {strides = array<i32>} : memref<192x128xf32, #tpu.memory_space<vmem>>, vector<16xf32>,
      %get3A_779 = arith.index_cast %add3A_727 : i32 to index
      %get3A_780 = arith.constant 112 : index
      %get3A_781 = tpu.vector_load %arg8[%get3A_779, %get3A_780] {strides = array<i32>} : memref<192x128xf32, #tpu.memory_space<vmem>>, vector<16xf32>,
      %mul3A_782 = arith.mulf %get3A_781, %gather3A_729 : vector<16xf32>
      %swap3A_783 = arith.index_cast %add3A_727 : i32 to index
      %swap3A_784 = arith.constant 112 : index
      %swap3A_785 = tpu.vector_load %arg8[%swap3A_783, %swap3A_784] {strides = array<i32>} : memref<192x128xf32, #tpu.memory_space<vmem>>, vector<16xf32>,
      tpu.vector_store %arg8[%swap3A_783, %swap3A_784], %mul3A_782 {strides = array<i32>} : memref<192x128xf32, #tpu.memory_space<vmem>>, vector<16xf32>,
      %add3A_786 = arith.constant 11 : i32
      %add3A_787 = arith.addi %mul3A_127, %add3A_786 : i32
      %broadcast_in_dim3A_788 = vector.broadcast %add3A_787 : i32 to vector<16xi32>
      %gather3A_789 = tpu.vector_load_idx %arg11[%broadcast_in_dim3A_788] : memref<192xf32, #tpu.memory_space<vmem>>[vector<16xi32>], vector<16xf32>,
      %get3A_790 = arith.index_cast %add3A_787 : i32 to index
      %get3A_791 = arith.constant 0 : index
      %get3A_792 = tpu.vector_load %arg8[%get3A_790, %get3A_791] {strides = array<i32>} : memref<192x128xf32, #tpu.memory_space<vmem>>, vector<16xf32>,
      %mul3A_793 = arith.mulf %get3A_792, %gather3A_789 : vector<16xf32>
      %swap3A_794 = arith.index_cast %add3A_787 : i32 to index
      %swap3A_795 = arith.constant 0 : index
      %swap3A_796 = tpu.vector_load %arg8[%swap3A_794, %swap3A_795] {strides = array<i32>} : memref<192x128xf32, #tpu.memory_space<vmem>>, vector<16xf32>,
      tpu.vector_store %arg8[%swap3A_794, %swap3A_795], %mul3A_793 {strides = array<i32>} : memref<192x128xf32, #tpu.memory_space<vmem>>, vector<16xf32>,
      %get3A_797 = arith.index_cast %add3A_787 : i32 to index
      %get3A_798 = arith.constant 16 : index
      %get3A_799 = tpu.vector_load %arg8[%get3A_797, %get3A_798] {strides = array<i32>} : memref<192x128xf32, #tpu.memory_space<vmem>>, vector<16xf32>,
      %mul3A_800 = arith.mulf %get3A_799, %gather3A_789 : vector<16xf32>
      %swap3A_801 = arith.index_cast %add3A_787 : i32 to index
      %swap3A_802 = arith.constant 16 : index
      %swap3A_803 = tpu.vector_load %arg8[%swap3A_801, %swap3A_802] {strides = array<i32>} : memref<192x128xf32, #tpu.memory_space<vmem>>, vector<16xf32>,
      tpu.vector_store %arg8[%swap3A_801, %swap3A_802], %mul3A_800 {strides = array<i32>} : memref<192x128xf32, #tpu.memory_space<vmem>>, vector<16xf32>,
      %get3A_804 = arith.index_cast %add3A_787 : i32 to index
      %get3A_805 = arith.constant 32 : index
      %get3A_806 = tpu.vector_load %arg8[%get3A_804, %get3A_805] {strides = array<i32>} : memref<192x128xf32, #tpu.memory_space<vmem>>, vector<16xf32>,
      %mul3A_807 = arith.mulf %get3A_806, %gather3A_789 : vector<16xf32>
      %swap3A_808 = arith.index_cast %add3A_787 : i32 to index
      %swap3A_809 = arith.constant 32 : index
      %swap3A_810 = tpu.vector_load %arg8[%swap3A_808, %swap3A_809] {strides = array<i32>} : memref<192x128xf32, #tpu.memory_space<vmem>>, vector<16xf32>,
      tpu.vector_store %arg8[%swap3A_808, %swap3A_809], %mul3A_807 {strides = array<i32>} : memref<192x128xf32, #tpu.memory_space<vmem>>, vector<16xf32>,
      %get3A_811 = arith.index_cast %add3A_787 : i32 to index
      %get3A_812 = arith.constant 48 : index
      %get3A_813 = tpu.vector_load %arg8[%get3A_811, %get3A_812] {strides = array<i32>} : memref<192x128xf32, #tpu.memory_space<vmem>>, vector<16xf32>,
      %mul3A_814 = arith.mulf %get3A_813, %gather3A_789 : vector<16xf32>
      %swap3A_815 = arith.index_cast %add3A_787 : i32 to index
      %swap3A_816 = arith.constant 48 : index
      %swap3A_817 = tpu.vector_load %arg8[%swap3A_815, %swap3A_816] {strides = array<i32>} : memref<192x128xf32, #tpu.memory_space<vmem>>, vector<16xf32>,
      tpu.vector_store %arg8[%swap3A_815, %swap3A_816], %mul3A_814 {strides = array<i32>} : memref<192x128xf32, #tpu.memory_space<vmem>>, vector<16xf32>,
      %get3A_818 = arith.index_cast %add3A_787 : i32 to index
      %get3A_819 = arith.constant 64 : index
      %get3A_820 = tpu.vector_load %arg8[%get3A_818, %get3A_819] {strides = array<i32>} : memref<192x128xf32, #tpu.memory_space<vmem>>, vector<16xf32>,
      %mul3A_821 = arith.mulf %get3A_820, %gather3A_789 : vector<16xf32>
      %swap3A_822 = arith.index_cast %add3A_787 : i32 to index
      %swap3A_823 = arith.constant 64 : index
      %swap3A_824 = tpu.vector_load %arg8[%swap3A_822, %swap3A_823] {strides = array<i32>} : memref<192x128xf32, #tpu.memory_space<vmem>>, vector<16xf32>,
      tpu.vector_store %arg8[%swap3A_822, %swap3A_823], %mul3A_821 {strides = array<i32>} : memref<192x128xf32, #tpu.memory_space<vmem>>, vector<16xf32>,
      %get3A_825 = arith.index_cast %add3A_787 : i32 to index
      %get3A_826 = arith.constant 80 : index
      %get3A_827 = tpu.vector_load %arg8[%get3A_825, %get3A_826] {strides = array<i32>} : memref<192x128xf32, #tpu.memory_space<vmem>>, vector<16xf32>,
      %mul3A_828 = arith.mulf %get3A_827, %gather3A_789 : vector<16xf32>
      %swap3A_829 = arith.index_cast %add3A_787 : i32 to index
      %swap3A_830 = arith.constant 80 : index
      %swap3A_831 = tpu.vector_load %arg8[%swap3A_829, %swap3A_830] {strides = array<i32>} : memref<192x128xf32, #tpu.memory_space<vmem>>, vector<16xf32>,
      tpu.vector_store %arg8[%swap3A_829, %swap3A_830], %mul3A_828 {strides = array<i32>} : memref<192x128xf32, #tpu.memory_space<vmem>>, vector<16xf32>,
      %get3A_832 = arith.index_cast %add3A_787 : i32 to index
      %get3A_833 = arith.constant 96 : index
      %get3A_834 = tpu.vector_load %arg8[%get3A_832, %get3A_833] {strides = array<i32>} : memref<192x128xf32, #tpu.memory_space<vmem>>, vector<16xf32>,
      %mul3A_835 = arith.mulf %get3A_834, %gather3A_789 : vector<16xf32>
      %swap3A_836 = arith.index_cast %add3A_787 : i32 to index
      %swap3A_837 = arith.constant 96 : index
      %swap3A_838 = tpu.vector_load %arg8[%swap3A_836, %swap3A_837] {strides = array<i32>} : memref<192x128xf32, #tpu.memory_space<vmem>>, vector<16xf32>,
      tpu.vector_store %arg8[%swap3A_836, %swap3A_837], %mul3A_835 {strides = array<i32>} : memref<192x128xf32, #tpu.memory_space<vmem>>, vector<16xf32>,
      %get3A_839 = arith.index_cast %add3A_787 : i32 to index
      %get3A_840 = arith.constant 112 : index
      %get3A_841 = tpu.vector_load %arg8[%get3A_839, %get3A_840] {strides = array<i32>} : memref<192x128xf32, #tpu.memory_space<vmem>>, vector<16xf32>,
      %mul3A_842 = arith.mulf %get3A_841, %gather3A_789 : vector<16xf32>
      %swap3A_843 = arith.index_cast %add3A_787 : i32 to index
      %swap3A_844 = arith.constant 112 : index
      %swap3A_845 = tpu.vector_load %arg8[%swap3A_843, %swap3A_844] {strides = array<i32>} : memref<192x128xf32, #tpu.memory_space<vmem>>, vector<16xf32>,
      tpu.vector_store %arg8[%swap3A_843, %swap3A_844], %mul3A_842 {strides = array<i32>} : memref<192x128xf32, #tpu.memory_space<vmem>>, vector<16xf32>,
      %add3A_846 = arith.constant 12 : i32
      %add3A_847 = arith.addi %mul3A_127, %add3A_846 : i32
      %broadcast_in_dim3A_848 = vector.broadcast %add3A_847 : i32 to vector<16xi32>
      %gather3A_849 = tpu.vector_load_idx %arg11[%broadcast_in_dim3A_848] : memref<192xf32, #tpu.memory_space<vmem>>[vector<16xi32>], vector<16xf32>,
      %get3A_850 = arith.index_cast %add3A_847 : i32 to index
      %get3A_851 = arith.constant 0 : index
      %get3A_852 = tpu.vector_load %arg8[%get3A_850, %get3A_851] {strides = array<i32>} : memref<192x128xf32, #tpu.memory_space<vmem>>, vector<16xf32>,
      %mul3A_853 = arith.mulf %get3A_852, %gather3A_849 : vector<16xf32>
      %swap3A_854 = arith.index_cast %add3A_847 : i32 to index
      %swap3A_855 = arith.constant 0 : index
      %swap3A_856 = tpu.vector_load %arg8[%swap3A_854, %swap3A_855] {strides = array<i32>} : memref<192x128xf32, #tpu.memory_space<vmem>>, vector<16xf32>,
      tpu.vector_store %arg8[%swap3A_854, %swap3A_855], %mul3A_853 {strides = array<i32>} : memref<192x128xf32, #tpu.memory_space<vmem>>, vector<16xf32>,
      %get3A_857 = arith.index_cast %add3A_847 : i32 to index
      %get3A_858 = arith.constant 16 : index
      %get3A_859 = tpu.vector_load %arg8[%get3A_857, %get3A_858] {strides = array<i32>} : memref<192x128xf32, #tpu.memory_space<vmem>>, vector<16xf32>,
      %mul3A_860 = arith.mulf %get3A_859, %gather3A_849 : vector<16xf32>
      %swap3A_861 = arith.index_cast %add3A_847 : i32 to index
      %swap3A_862 = arith.constant 16 : index
      %swap3A_863 = tpu.vector_load %arg8[%swap3A_861, %swap3A_862] {strides = array<i32>} : memref<192x128xf32, #tpu.memory_space<vmem>>, vector<16xf32>,
      tpu.vector_store %arg8[%swap3A_861, %swap3A_862], %mul3A_860 {strides = array<i32>} : memref<192x128xf32, #tpu.memory_space<vmem>>, vector<16xf32>,
      %get3A_864 = arith.index_cast %add3A_847 : i32 to index
      %get3A_865 = arith.constant 32 : index
      %get3A_866 = tpu.vector_load %arg8[%get3A_864, %get3A_865] {strides = array<i32>} : memref<192x128xf32, #tpu.memory_space<vmem>>, vector<16xf32>,
      %mul3A_867 = arith.mulf %get3A_866, %gather3A_849 : vector<16xf32>
      %swap3A_868 = arith.index_cast %add3A_847 : i32 to index
      %swap3A_869 = arith.constant 32 : index
      %swap3A_870 = tpu.vector_load %arg8[%swap3A_868, %swap3A_869] {strides = array<i32>} : memref<192x128xf32, #tpu.memory_space<vmem>>, vector<16xf32>,
      tpu.vector_store %arg8[%swap3A_868, %swap3A_869], %mul3A_867 {strides = array<i32>} : memref<192x128xf32, #tpu.memory_space<vmem>>, vector<16xf32>,
      %get3A_871 = arith.index_cast %add3A_847 : i32 to index
      %get3A_872 = arith.constant 48 : index
      %get3A_873 = tpu.vector_load %arg8[%get3A_871, %get3A_872] {strides = array<i32>} : memref<192x128xf32, #tpu.memory_space<vmem>>, vector<16xf32>,
      %mul3A_874 = arith.mulf %get3A_873, %gather3A_849 : vector<16xf32>
      %swap3A_875 = arith.index_cast %add3A_847 : i32 to index
      %swap3A_876 = arith.constant 48 : index
      %swap3A_877 = tpu.vector_load %arg8[%swap3A_875, %swap3A_876] {strides = array<i32>} : memref<192x128xf32, #tpu.memory_space<vmem>>, vector<16xf32>,
      tpu.vector_store %arg8[%swap3A_875, %swap3A_876], %mul3A_874 {strides = array<i32>} : memref<192x128xf32, #tpu.memory_space<vmem>>, vector<16xf32>,
      %get3A_878 = arith.index_cast %add3A_847 : i32 to index
      %get3A_879 = arith.constant 64 : index
      %get3A_880 = tpu.vector_load %arg8[%get3A_878, %get3A_879] {strides = array<i32>} : memref<192x128xf32, #tpu.memory_space<vmem>>, vector<16xf32>,
      %mul3A_881 = arith.mulf %get3A_880, %gather3A_849 : vector<16xf32>
      %swap3A_882 = arith.index_cast %add3A_847 : i32 to index
      %swap3A_883 = arith.constant 64 : index
      %swap3A_884 = tpu.vector_load %arg8[%swap3A_882, %swap3A_883] {strides = array<i32>} : memref<192x128xf32, #tpu.memory_space<vmem>>, vector<16xf32>,
      tpu.vector_store %arg8[%swap3A_882, %swap3A_883], %mul3A_881 {strides = array<i32>} : memref<192x128xf32, #tpu.memory_space<vmem>>, vector<16xf32>,
      %get3A_885 = arith.index_cast %add3A_847 : i32 to index
      %get3A_886 = arith.constant 80 : index
      %get3A_887 = tpu.vector_load %arg8[%get3A_885, %get3A_886] {strides = array<i32>} : memref<192x128xf32, #tpu.memory_space<vmem>>, vector<16xf32>,
      %mul3A_888 = arith.mulf %get3A_887, %gather3A_849 : vector<16xf32>
      %swap3A_889 = arith.index_cast %add3A_847 : i32 to index
      %swap3A_890 = arith.constant 80 : index
      %swap3A_891 = tpu.vector_load %arg8[%swap3A_889, %swap3A_890] {strides = array<i32>} : memref<192x128xf32, #tpu.memory_space<vmem>>, vector<16xf32>,
      tpu.vector_store %arg8[%swap3A_889, %swap3A_890], %mul3A_888 {strides = array<i32>} : memref<192x128xf32, #tpu.memory_space<vmem>>, vector<16xf32>,
      %get3A_892 = arith.index_cast %add3A_847 : i32 to index
      %get3A_893 = arith.constant 96 : index
      %get3A_894 = tpu.vector_load %arg8[%get3A_892, %get3A_893] {strides = array<i32>} : memref<192x128xf32, #tpu.memory_space<vmem>>, vector<16xf32>,
      %mul3A_895 = arith.mulf %get3A_894, %gather3A_849 : vector<16xf32>
      %swap3A_896 = arith.index_cast %add3A_847 : i32 to index
      %swap3A_897 = arith.constant 96 : index
      %swap3A_898 = tpu.vector_load %arg8[%swap3A_896, %swap3A_897] {strides = array<i32>} : memref<192x128xf32, #tpu.memory_space<vmem>>, vector<16xf32>,
      tpu.vector_store %arg8[%swap3A_896, %swap3A_897], %mul3A_895 {strides = array<i32>} : memref<192x128xf32, #tpu.memory_space<vmem>>, vector<16xf32>,
      %get3A_899 = arith.index_cast %add3A_847 : i32 to index
      %get3A_900 = arith.constant 112 : index
      %get3A_901 = tpu.vector_load %arg8[%get3A_899, %get3A_900] {strides = array<i32>} : memref<192x128xf32, #tpu.memory_space<vmem>>, vector<16xf32>,
      %mul3A_902 = arith.mulf %get3A_901, %gather3A_849 : vector<16xf32>
      %swap3A_903 = arith.index_cast %add3A_847 : i32 to index
      %swap3A_904 = arith.constant 112 : index
      %swap3A_905 = tpu.vector_load %arg8[%swap3A_903, %swap3A_904] {strides = array<i32>} : memref<192x128xf32, #tpu.memory_space<vmem>>, vector<16xf32>,
      tpu.vector_store %arg8[%swap3A_903, %swap3A_904], %mul3A_902 {strides = array<i32>} : memref<192x128xf32, #tpu.memory_space<vmem>>, vector<16xf32>,
      %add3A_906 = arith.constant 13 : i32
      %add3A_907 = arith.addi %mul3A_127, %add3A_906 : i32
      %broadcast_in_dim3A_908 = vector.broadcast %add3A_907 : i32 to vector<16xi32>
      %gather3A_909 = tpu.vector_load_idx %arg11[%broadcast_in_dim3A_908] : memref<192xf32, #tpu.memory_space<vmem>>[vector<16xi32>], vector<16xf32>,
      %get3A_910 = arith.index_cast %add3A_907 : i32 to index
      %get3A_911 = arith.constant 0 : index
      %get3A_912 = tpu.vector_load %arg8[%get3A_910, %get3A_911] {strides = array<i32>} : memref<192x128xf32, #tpu.memory_space<vmem>>, vector<16xf32>,
      %mul3A_913 = arith.mulf %get3A_912, %gather3A_909 : vector<16xf32>
      %swap3A_914 = arith.index_cast %add3A_907 : i32 to index
      %swap3A_915 = arith.constant 0 : index
      %swap3A_916 = tpu.vector_load %arg8[%swap3A_914, %swap3A_915] {strides = array<i32>} : memref<192x128xf32, #tpu.memory_space<vmem>>, vector<16xf32>,
      tpu.vector_store %arg8[%swap3A_914, %swap3A_915], %mul3A_913 {strides = array<i32>} : memref<192x128xf32, #tpu.memory_space<vmem>>, vector<16xf32>,
      %get3A_917 = arith.index_cast %add3A_907 : i32 to index
      %get3A_918 = arith.constant 16 : index
      %get3A_919 = tpu.vector_load %arg8[%get3A_917, %get3A_918] {strides = array<i32>} : memref<192x128xf32, #tpu.memory_space<vmem>>, vector<16xf32>,
      %mul3A_920 = arith.mulf %get3A_919, %gather3A_909 : vector<16xf32>
      %swap3A_921 = arith.index_cast %add3A_907 : i32 to index
      %swap3A_922 = arith.constant 16 : index
      %swap3A_923 = tpu.vector_load %arg8[%swap3A_921, %swap3A_922] {strides = array<i32>} : memref<192x128xf32, #tpu.memory_space<vmem>>, vector<16xf32>,
      tpu.vector_store %arg8[%swap3A_921, %swap3A_922], %mul3A_920 {strides = array<i32>} : memref<192x128xf32, #tpu.memory_space<vmem>>, vector<16xf32>,
      %get3A_924 = arith.index_cast %add3A_907 : i32 to index
      %get3A_925 = arith.constant 32 : index
      %get3A_926 = tpu.vector_load %arg8[%get3A_924, %get3A_925] {strides = array<i32>} : memref<192x128xf32, #tpu.memory_space<vmem>>, vector<16xf32>,
      %mul3A_927 = arith.mulf %get3A_926, %gather3A_909 : vector<16xf32>
      %swap3A_928 = arith.index_cast %add3A_907 : i32 to index
      %swap3A_929 = arith.constant 32 : index
      %swap3A_930 = tpu.vector_load %arg8[%swap3A_928, %swap3A_929] {strides = array<i32>} : memref<192x128xf32, #tpu.memory_space<vmem>>, vector<16xf32>,
      tpu.vector_store %arg8[%swap3A_928, %swap3A_929], %mul3A_927 {strides = array<i32>} : memref<192x128xf32, #tpu.memory_space<vmem>>, vector<16xf32>,
      %get3A_931 = arith.index_cast %add3A_907 : i32 to index
      %get3A_932 = arith.constant 48 : index
      %get3A_933 = tpu.vector_load %arg8[%get3A_931, %get3A_932] {strides = array<i32>} : memref<192x128xf32, #tpu.memory_space<vmem>>, vector<16xf32>,
      %mul3A_934 = arith.mulf %get3A_933, %gather3A_909 : vector<16xf32>
      %swap3A_935 = arith.index_cast %add3A_907 : i32 to index
      %swap3A_936 = arith.constant 48 : index
      %swap3A_937 = tpu.vector_load %arg8[%swap3A_935, %swap3A_936] {strides = array<i32>} : memref<192x128xf32, #tpu.memory_space<vmem>>, vector<16xf32>,
      tpu.vector_store %arg8[%swap3A_935, %swap3A_936], %mul3A_934 {strides = array<i32>} : memref<192x128xf32, #tpu.memory_space<vmem>>, vector<16xf32>,
      %get3A_938 = arith.index_cast %add3A_907 : i32 to index
      %get3A_939 = arith.constant 64 : index
      %get3A_940 = tpu.vector_load %arg8[%get3A_938, %get3A_939] {strides = array<i32>} : memref<192x128xf32, #tpu.memory_space<vmem>>, vector<16xf32>,
      %mul3A_941 = arith.mulf %get3A_940, %gather3A_909 : vector<16xf32>
      %swap3A_942 = arith.index_cast %add3A_907 : i32 to index
      %swap3A_943 = arith.constant 64 : index
      %swap3A_944 = tpu.vector_load %arg8[%swap3A_942, %swap3A_943] {strides = array<i32>} : memref<192x128xf32, #tpu.memory_space<vmem>>, vector<16xf32>,
      tpu.vector_store %arg8[%swap3A_942, %swap3A_943], %mul3A_941 {strides = array<i32>} : memref<192x128xf32, #tpu.memory_space<vmem>>, vector<16xf32>,
      %get3A_945 = arith.index_cast %add3A_907 : i32 to index
      %get3A_946 = arith.constant 80 : index
      %get3A_947 = tpu.vector_load %arg8[%get3A_945, %get3A_946] {strides = array<i32>} : memref<192x128xf32, #tpu.memory_space<vmem>>, vector<16xf32>,
      %mul3A_948 = arith.mulf %get3A_947, %gather3A_909 : vector<16xf32>
      %swap3A_949 = arith.index_cast %add3A_907 : i32 to index
      %swap3A_950 = arith.constant 80 : index
      %swap3A_951 = tpu.vector_load %arg8[%swap3A_949, %swap3A_950] {strides = array<i32>} : memref<192x128xf32, #tpu.memory_space<vmem>>, vector<16xf32>,
      tpu.vector_store %arg8[%swap3A_949, %swap3A_950], %mul3A_948 {strides = array<i32>} : memref<192x128xf32, #tpu.memory_space<vmem>>, vector<16xf32>,
      %get3A_952 = arith.index_cast %add3A_907 : i32 to index
      %get3A_953 = arith.constant 96 : index
      %get3A_954 = tpu.vector_load %arg8[%get3A_952, %get3A_953] {strides = array<i32>} : memref<192x128xf32, #tpu.memory_space<vmem>>, vector<16xf32>,
      %mul3A_955 = arith.mulf %get3A_954, %gather3A_909 : vector<16xf32>
      %swap3A_956 = arith.index_cast %add3A_907 : i32 to index
      %swap3A_957 = arith.constant 96 : index
      %swap3A_958 = tpu.vector_load %arg8[%swap3A_956, %swap3A_957] {strides = array<i32>} : memref<192x128xf32, #tpu.memory_space<vmem>>, vector<16xf32>,
      tpu.vector_store %arg8[%swap3A_956, %swap3A_957], %mul3A_955 {strides = array<i32>} : memref<192x128xf32, #tpu.memory_space<vmem>>, vector<16xf32>,
      %get3A_959 = arith.index_cast %add3A_907 : i32 to index
      %get3A_960 = arith.constant 112 : index
      %get3A_961 = tpu.vector_load %arg8[%get3A_959, %get3A_960] {strides = array<i32>} : memref<192x128xf32, #tpu.memory_space<vmem>>, vector<16xf32>,
      %mul3A_962 = arith.mulf %get3A_961, %gather3A_909 : vector<16xf32>
      %swap3A_963 = arith.index_cast %add3A_907 : i32 to index
      %swap3A_964 = arith.constant 112 : index
      %swap3A_965 = tpu.vector_load %arg8[%swap3A_963, %swap3A_964] {strides = array<i32>} : memref<192x128xf32, #tpu.memory_space<vmem>>, vector<16xf32>,
      tpu.vector_store %arg8[%swap3A_963, %swap3A_964], %mul3A_962 {strides = array<i32>} : memref<192x128xf32, #tpu.memory_space<vmem>>, vector<16xf32>,
      %add3A_966 = arith.constant 14 : i32
      %add3A_967 = arith.addi %mul3A_127, %add3A_966 : i32
      %broadcast_in_dim3A_968 = vector.broadcast %add3A_967 : i32 to vector<16xi32>
      %gather3A_969 = tpu.vector_load_idx %arg11[%broadcast_in_dim3A_968] : memref<192xf32, #tpu.memory_space<vmem>>[vector<16xi32>], vector<16xf32>,
      %get3A_970 = arith.index_cast %add3A_967 : i32 to index
      %get3A_971 = arith.constant 0 : index
      %get3A_972 = tpu.vector_load %arg8[%get3A_970, %get3A_971] {strides = array<i32>} : memref<192x128xf32, #tpu.memory_space<vmem>>, vector<16xf32>,
      %mul3A_973 = arith.mulf %get3A_972, %gather3A_969 : vector<16xf32>
      %swap3A_974 = arith.index_cast %add3A_967 : i32 to index
      %swap3A_975 = arith.constant 0 : index
      %swap3A_976 = tpu.vector_load %arg8[%swap3A_974, %swap3A_975] {strides = array<i32>} : memref<192x128xf32, #tpu.memory_space<vmem>>, vector<16xf32>,
      tpu.vector_store %arg8[%swap3A_974, %swap3A_975], %mul3A_973 {strides = array<i32>} : memref<192x128xf32, #tpu.memory_space<vmem>>, vector<16xf32>,
      %get3A_977 = arith.index_cast %add3A_967 : i32 to index
      %get3A_978 = arith.constant 16 : index
      %get3A_979 = tpu.vector_load %arg8[%get3A_977, %get3A_978] {strides = array<i32>} : memref<192x128xf32, #tpu.memory_space<vmem>>, vector<16xf32>,
      %mul3A_980 = arith.mulf %get3A_979, %gather3A_969 : vector<16xf32>
      %swap3A_981 = arith.index_cast %add3A_967 : i32 to index
      %swap3A_982 = arith.constant 16 : index
      %swap3A_983 = tpu.vector_load %arg8[%swap3A_981, %swap3A_982] {strides = array<i32>} : memref<192x128xf32, #tpu.memory_space<vmem>>, vector<16xf32>,
      tpu.vector_store %arg8[%swap3A_981, %swap3A_982], %mul3A_980 {strides = array<i32>} : memref<192x128xf32, #tpu.memory_space<vmem>>, vector<16xf32>,
      %get3A_984 = arith.index_cast %add3A_967 : i32 to index
      %get3A_985 = arith.constant 32 : index
      %get3A_986 = tpu.vector_load %arg8[%get3A_984, %get3A_985] {strides = array<i32>} : memref<192x128xf32, #tpu.memory_space<vmem>>, vector<16xf32>,
      %mul3A_987 = arith.mulf %get3A_986, %gather3A_969 : vector<16xf32>
      %swap3A_988 = arith.index_cast %add3A_967 : i32 to index
      %swap3A_989 = arith.constant 32 : index
      %swap3A_990 = tpu.vector_load %arg8[%swap3A_988, %swap3A_989] {strides = array<i32>} : memref<192x128xf32, #tpu.memory_space<vmem>>, vector<16xf32>,
      tpu.vector_store %arg8[%swap3A_988, %swap3A_989], %mul3A_987 {strides = array<i32>} : memref<192x128xf32, #tpu.memory_space<vmem>>, vector<16xf32>,
      %get3A_991 = arith.index_cast %add3A_967 : i32 to index
      %get3A_992 = arith.constant 48 : index
      %get3A_993 = tpu.vector_load %arg8[%get3A_991, %get3A_992] {strides = array<i32>} : memref<192x128xf32, #tpu.memory_space<vmem>>, vector<16xf32>,
      %mul3A_994 = arith.mulf %get3A_993, %gather3A_969 : vector<16xf32>
      %swap3A_995 = arith.index_cast %add3A_967 : i32 to index
      %swap3A_996 = arith.constant 48 : index
      %swap3A_997 = tpu.vector_load %arg8[%swap3A_995, %swap3A_996] {strides = array<i32>} : memref<192x128xf32, #tpu.memory_space<vmem>>, vector<16xf32>,
      tpu.vector_store %arg8[%swap3A_995, %swap3A_996], %mul3A_994 {strides = array<i32>} : memref<192x128xf32, #tpu.memory_space<vmem>>, vector<16xf32>,
      %get3A_998 = arith.index_cast %add3A_967 : i32 to index
      %get3A_999 = arith.constant 64 : index
      %get3A_1000 = tpu.vector_load %arg8[%get3A_998, %get3A_999] {strides = array<i32>} : memref<192x128xf32, #tpu.memory_space<vmem>>, vector<16xf32>,
      %mul3A_1001 = arith.mulf %get3A_1000, %gather3A_969 : vector<16xf32>
      %swap3A_1002 = arith.index_cast %add3A_967 : i32 to index
      %swap3A_1003 = arith.constant 64 : index
      %swap3A_1004 = tpu.vector_load %arg8[%swap3A_1002, %swap3A_1003] {strides = array<i32>} : memref<192x128xf32, #tpu.memory_space<vmem>>, vector<16xf32>,
      tpu.vector_store %arg8[%swap3A_1002, %swap3A_1003], %mul3A_1001 {strides = array<i32>} : memref<192x128xf32, #tpu.memory_space<vmem>>, vector<16xf32>,
      %get3A_1005 = arith.index_cast %add3A_967 : i32 to index
      %get3A_1006 = arith.constant 80 : index
      %get3A_1007 = tpu.vector_load %arg8[%get3A_1005, %get3A_1006] {strides = array<i32>} : memref<192x128xf32, #tpu.memory_space<vmem>>, vector<16xf32>,
      %mul3A_1008 = arith.mulf %get3A_1007, %gather3A_969 : vector<16xf32>
      %swap3A_1009 = arith.index_cast %add3A_967 : i32 to index
      %swap3A_1010 = arith.constant 80 : index
      %swap3A_1011 = tpu.vector_load %arg8[%swap3A_1009, %swap3A_1010] {strides = array<i32>} : memref<192x128xf32, #tpu.memory_space<vmem>>, vector<16xf32>,
      tpu.vector_store %arg8[%swap3A_1009, %swap3A_1010], %mul3A_1008 {strides = array<i32>} : memref<192x128xf32, #tpu.memory_space<vmem>>, vector<16xf32>,
      %get3A_1012 = arith.index_cast %add3A_967 : i32 to index
      %get3A_1013 = arith.constant 96 : index
      %get3A_1014 = tpu.vector_load %arg8[%get3A_1012, %get3A_1013] {strides = array<i32>} : memref<192x128xf32, #tpu.memory_space<vmem>>, vector<16xf32>,
      %mul3A_1015 = arith.mulf %get3A_1014, %gather3A_969 : vector<16xf32>
      %swap3A_1016 = arith.index_cast %add3A_967 : i32 to index
      %swap3A_1017 = arith.constant 96 : index
      %swap3A_1018 = tpu.vector_load %arg8[%swap3A_1016, %swap3A_1017] {strides = array<i32>} : memref<192x128xf32, #tpu.memory_space<vmem>>, vector<16xf32>,
      tpu.vector_store %arg8[%swap3A_1016, %swap3A_1017], %mul3A_1015 {strides = array<i32>} : memref<192x128xf32, #tpu.memory_space<vmem>>, vector<16xf32>,
      %get3A_1019 = arith.index_cast %add3A_967 : i32 to index
      %get3A_1020 = arith.constant 112 : index
      %get3A_1021 = tpu.vector_load %arg8[%get3A_1019, %get3A_1020] {strides = array<i32>} : memref<192x128xf32, #tpu.memory_space<vmem>>, vector<16xf32>,
      %mul3A_1022 = arith.mulf %get3A_1021, %gather3A_969 : vector<16xf32>
      %swap3A_1023 = arith.index_cast %add3A_967 : i32 to index
      %swap3A_1024 = arith.constant 112 : index
      %swap3A_1025 = tpu.vector_load %arg8[%swap3A_1023, %swap3A_1024] {strides = array<i32>} : memref<192x128xf32, #tpu.memory_space<vmem>>, vector<16xf32>,
      tpu.vector_store %arg8[%swap3A_1023, %swap3A_1024], %mul3A_1022 {strides = array<i32>} : memref<192x128xf32, #tpu.memory_space<vmem>>, vector<16xf32>,
      %add3A_1026 = arith.constant 15 : i32
      %add3A_1027 = arith.addi %mul3A_127, %add3A_1026 : i32
      %broadcast_in_dim3A_1028 = vector.broadcast %add3A_1027 : i32 to vector<16xi32>
      %gather3A_1029 = tpu.vector_load_idx %arg11[%broadcast_in_dim3A_1028] : memref<192xf32, #tpu.memory_space<vmem>>[vector<16xi32>], vector<16xf32>,
      %get3A_1030 = arith.index_cast %add3A_1027 : i32 to index
      %get3A_1031 = arith.constant 0 : index
      %get3A_1032 = tpu.vector_load %arg8[%get3A_1030, %get3A_1031] {strides = array<i32>} : memref<192x128xf32, #tpu.memory_space<vmem>>, vector<16xf32>,
      %mul3A_1033 = arith.mulf %get3A_1032, %gather3A_1029 : vector<16xf32>
      %swap3A_1034 = arith.index_cast %add3A_1027 : i32 to index
      %swap3A_1035 = arith.constant 0 : index
      %swap3A_1036 = tpu.vector_load %arg8[%swap3A_1034, %swap3A_1035] {strides = array<i32>} : memref<192x128xf32, #tpu.memory_space<vmem>>, vector<16xf32>,
      tpu.vector_store %arg8[%swap3A_1034, %swap3A_1035], %mul3A_1033 {strides = array<i32>} : memref<192x128xf32, #tpu.memory_space<vmem>>, vector<16xf32>,
      %get3A_1037 = arith.index_cast %add3A_1027 : i32 to index
      %get3A_1038 = arith.constant 16 : index
      %get3A_1039 = tpu.vector_load %arg8[%get3A_1037, %get3A_1038] {strides = array<i32>} : memref<192x128xf32, #tpu.memory_space<vmem>>, vector<16xf32>,
      %mul3A_1040 = arith.mulf %get3A_1039, %gather3A_1029 : vector<16xf32>
      %swap3A_1041 = arith.index_cast %add3A_1027 : i32 to index
      %swap3A_1042 = arith.constant 16 : index
      %swap3A_1043 = tpu.vector_load %arg8[%swap3A_1041, %swap3A_1042] {strides = array<i32>} : memref<192x128xf32, #tpu.memory_space<vmem>>, vector<16xf32>,
      tpu.vector_store %arg8[%swap3A_1041, %swap3A_1042], %mul3A_1040 {strides = array<i32>} : memref<192x128xf32, #tpu.memory_space<vmem>>, vector<16xf32>,
      %get3A_1044 = arith.index_cast %add3A_1027 : i32 to index
      %get3A_1045 = arith.constant 32 : index
      %get3A_1046 = tpu.vector_load %arg8[%get3A_1044, %get3A_1045] {strides = array<i32>} : memref<192x128xf32, #tpu.memory_space<vmem>>, vector<16xf32>,
      %mul3A_1047 = arith.mulf %get3A_1046, %gather3A_1029 : vector<16xf32>
      %swap3A_1048 = arith.index_cast %add3A_1027 : i32 to index
      %swap3A_1049 = arith.constant 32 : index
      %swap3A_1050 = tpu.vector_load %arg8[%swap3A_1048, %swap3A_1049] {strides = array<i32>} : memref<192x128xf32, #tpu.memory_space<vmem>>, vector<16xf32>,
      tpu.vector_store %arg8[%swap3A_1048, %swap3A_1049], %mul3A_1047 {strides = array<i32>} : memref<192x128xf32, #tpu.memory_space<vmem>>, vector<16xf32>,
      %get3A_1051 = arith.index_cast %add3A_1027 : i32 to index
      %get3A_1052 = arith.constant 48 : index
      %get3A_1053 = tpu.vector_load %arg8[%get3A_1051, %get3A_1052] {strides = array<i32>} : memref<192x128xf32, #tpu.memory_space<vmem>>, vector<16xf32>,
      %mul3A_1054 = arith.mulf %get3A_1053, %gather3A_1029 : vector<16xf32>
      %swap3A_1055 = arith.index_cast %add3A_1027 : i32 to index
      %swap3A_1056 = arith.constant 48 : index
      %swap3A_1057 = tpu.vector_load %arg8[%swap3A_1055, %swap3A_1056] {strides = array<i32>} : memref<192x128xf32, #tpu.memory_space<vmem>>, vector<16xf32>,
      tpu.vector_store %arg8[%swap3A_1055, %swap3A_1056], %mul3A_1054 {strides = array<i32>} : memref<192x128xf32, #tpu.memory_space<vmem>>, vector<16xf32>,
      %get3A_1058 = arith.index_cast %add3A_1027 : i32 to index
      %get3A_1059 = arith.constant 64 : index
      %get3A_1060 = tpu.vector_load %arg8[%get3A_1058, %get3A_1059] {strides = array<i32>} : memref<192x128xf32, #tpu.memory_space<vmem>>, vector<16xf32>,
      %mul3A_1061 = arith.mulf %get3A_1060, %gather3A_1029 : vector<16xf32>
      %swap3A_1062 = arith.index_cast %add3A_1027 : i32 to index
      %swap3A_1063 = arith.constant 64 : index
      %swap3A_1064 = tpu.vector_load %arg8[%swap3A_1062, %swap3A_1063] {strides = array<i32>} : memref<192x128xf32, #tpu.memory_space<vmem>>, vector<16xf32>,
      tpu.vector_store %arg8[%swap3A_1062, %swap3A_1063], %mul3A_1061 {strides = array<i32>} : memref<192x128xf32, #tpu.memory_space<vmem>>, vector<16xf32>,
      %get3A_1065 = arith.index_cast %add3A_1027 : i32 to index
      %get3A_1066 = arith.constant 80 : index
      %get3A_1067 = tpu.vector_load %arg8[%get3A_1065, %get3A_1066] {strides = array<i32>} : memref<192x128xf32, #tpu.memory_space<vmem>>, vector<16xf32>,
      %mul3A_1068 = arith.mulf %get3A_1067, %gather3A_1029 : vector<16xf32>
      %swap3A_1069 = arith.index_cast %add3A_1027 : i32 to index
      %swap3A_1070 = arith.constant 80 : index
      %swap3A_1071 = tpu.vector_load %arg8[%swap3A_1069, %swap3A_1070] {strides = array<i32>} : memref<192x128xf32, #tpu.memory_space<vmem>>, vector<16xf32>,
      tpu.vector_store %arg8[%swap3A_1069, %swap3A_1070], %mul3A_1068 {strides = array<i32>} : memref<192x128xf32, #tpu.memory_space<vmem>>, vector<16xf32>,
      %get3A_1072 = arith.index_cast %add3A_1027 : i32 to index
      %get3A_1073 = arith.constant 96 : index
      %get3A_1074 = tpu.vector_load %arg8[%get3A_1072, %get3A_1073] {strides = array<i32>} : memref<192x128xf32, #tpu.memory_space<vmem>>, vector<16xf32>,
      %mul3A_1075 = arith.mulf %get3A_1074, %gather3A_1029 : vector<16xf32>
      %swap3A_1076 = arith.index_cast %add3A_1027 : i32 to index
      %swap3A_1077 = arith.constant 96 : index
      %swap3A_1078 = tpu.vector_load %arg8[%swap3A_1076, %swap3A_1077] {strides = array<i32>} : memref<192x128xf32, #tpu.memory_space<vmem>>, vector<16xf32>,
      tpu.vector_store %arg8[%swap3A_1076, %swap3A_1077], %mul3A_1075 {strides = array<i32>} : memref<192x128xf32, #tpu.memory_space<vmem>>, vector<16xf32>,
      %get3A_1079 = arith.index_cast %add3A_1027 : i32 to index
      %get3A_1080 = arith.constant 112 : index
      %get3A_1081 = tpu.vector_load %arg8[%get3A_1079, %get3A_1080] {strides = array<i32>} : memref<192x128xf32, #tpu.memory_space<vmem>>, vector<16xf32>,
      %mul3A_1082 = arith.mulf %get3A_1081, %gather3A_1029 : vector<16xf32>
      %swap3A_1083 = arith.index_cast %add3A_1027 : i32 to index
      %swap3A_1084 = arith.constant 112 : index
      %swap3A_1085 = tpu.vector_load %arg8[%swap3A_1083, %swap3A_1084] {strides = array<i32>} : memref<192x128xf32, #tpu.memory_space<vmem>>, vector<16xf32>,
      tpu.vector_store %arg8[%swap3A_1083, %swap3A_1084], %mul3A_1082 {strides = array<i32>} : memref<192x128xf32, #tpu.memory_space<vmem>>, vector<16xf32>,
    }
    %scan3A_123 = arith.constant 12 : i32
    "tpu.region"() ({
      %run_scoped3A = tpu.sem_alloc : memref<!tpu.dma_semaphore, #tpu.memory_space<semaphore_mem>>
      %dma_start3A_125 = arith.constant 0 : i32
      %dma_start3A_126 = arith.constant 0 : i32
      %dma_start3A_127 = tpu.memref_slice %arg7[%dma_start3A_125, %dma_start3A_126] : memref<10008x128xf32, #tpu.memory_space<vmem_shared>> -> memref<10008x128xf32, #tpu.memory_space<vmem_shared>>
      tpu.enqueue_indirect_dma source(%arg8 : memref<192x128xf32, #tpu.memory_space<vmem>>) target(%dma_start3A_127 : memref<10008x128xf32, #tpu.memory_space<vmem_shared>>) offsets(%arg10 : memref<192xi32, #tpu.memory_space<vmem>>) semaphore(%run_scoped3A : memref<!tpu.dma_semaphore, #tpu.memory_space<semaphore_mem>>) {add = true}
      %dma_wait3A_128 = arith.constant 0 : i32
      %dma_wait3A_129 = arith.constant 0 : i32
      %dma_wait3A_130 = tpu.memref_slice %arg7[%dma_wait3A_128, %dma_wait3A_129] : memref<10008x128xf32, #tpu.memory_space<vmem_shared>> -> memref<10008x128xf32, #tpu.memory_space<vmem_shared>>
      tpu.wait_indirect_dma semaphore(%run_scoped3A : memref<!tpu.dma_semaphore, #tpu.memory_space<semaphore_mem>>) src(%arg8 : memref<192x128xf32, #tpu.memory_space<vmem>>) dst(%dma_wait3A_130 : memref<10008x128xf32, #tpu.memory_space<vmem_shared>>)
      tpu.yield
    }) : () -> ()
    %barrier3A_124 = arith.constant 0 : index
    tpu.barrier barrier_id(%barrier3A_124)
    "tpu.region"() ({
      %run_scoped3A = tpu.sem_alloc : memref<!tpu.dma_semaphore, #tpu.memory_space<semaphore_mem>>
      %dma_start3A_125 = arith.constant 0 : i32
      %dma_start3A_126 = tpu.memref_slice %arg6[%arg0, %mul3A_7, %dma_start3A_125] : memref<2x10000x128xf32, #tpu.memory_space<hbm>> -> memref<1x625x128xf32, #tpu.memory_space<hbm>>
      %dma_start3A_127 = tpu.memref_squeeze %dma_start3A_126 : memref<1x625x128xf32, #tpu.memory_space<hbm>> -> memref<625x128xf32, #tpu.memory_space<hbm>>
      %dma_start3A_128 = arith.constant 0 : i32
      %dma_start3A_129 = tpu.memref_slice %arg7[%mul3A_7, %dma_start3A_128] : memref<10008x128xf32, #tpu.memory_space<vmem_shared>> -> memref<625x128xf32, #tpu.memory_space<vmem_shared>>
      tpu.enqueue_dma source(%dma_start3A_129 : memref<625x128xf32, #tpu.memory_space<vmem_shared>>) target(%dma_start3A_127 : memref<625x128xf32, #tpu.memory_space<hbm>>) target_semaphore(%run_scoped3A : memref<!tpu.dma_semaphore, #tpu.memory_space<semaphore_mem>>)
      %dma_wait3A_130 = arith.constant 0 : i32
      %dma_wait3A_131 = tpu.memref_slice %arg6[%arg0, %mul3A_7, %dma_wait3A_130] : memref<2x10000x128xf32, #tpu.memory_space<hbm>> -> memref<1x625x128xf32, #tpu.memory_space<hbm>>
      %dma_wait3A_132 = tpu.memref_squeeze %dma_wait3A_131 : memref<1x625x128xf32, #tpu.memory_space<hbm>> -> memref<625x128xf32, #tpu.memory_space<hbm>>
      %dma_wait3A_133 = arith.constant 0 : i32
      %dma_wait3A_134 = tpu.memref_slice %arg7[%mul3A_7, %dma_wait3A_133] : memref<10008x128xf32, #tpu.memory_space<vmem_shared>> -> memref<625x128xf32, #tpu.memory_space<vmem_shared>>
      tpu.wait_dma2 semaphore(%run_scoped3A : memref<!tpu.dma_semaphore, #tpu.memory_space<semaphore_mem>>) src(%dma_wait3A_134 : memref<625x128xf32, #tpu.memory_space<vmem_shared>>) dst(%dma_wait3A_132 : memref<625x128xf32, #tpu.memory_space<hbm>>)
      tpu.yield
    }) : () -> ()
    return
  }
}

module attributes {stable_mosaic.version = 14 : i64} {
  func.func @tc_body(%arg0: i32, %arg1: memref<2x1000x128xf32, #tpu.memory_space<vmem>>, %arg2: memref<128x128xf32, #tpu.memory_space<vmem>>, %arg3: memref<1000x128xf32, #tpu.memory_space<vmem>>) attributes {dimension_semantics = [#tpu.dimension_semantics<arbitrary>], iteration_bounds = array<i64: 10>, scalar_prefetch = 0 : i64, scratch_operands = 0 : i64, tpu.core_type = #tpu.core_type<tc>, window_params = [{transform_indices = @transform_0, window_bounds = array<i64: 2, 1000, 128>}, {pipeline_mode = #tpu.pipeline_mode<synchronous>, transform_indices = @transform_1, window_bounds = array<i64: 128, 128>}, {transform_indices = @transform_2, window_bounds = array<i64: 1000, 128>}]} {
    %get3A = arith.constant 0 : index
    %get3A_0 = arith.constant 0 : index
    %get3A_1 = arith.constant 0 : index
    %get3A_2 = vector.load %arg1[%get3A, %get3A_0, %get3A_1] : memref<2x1000x128xf32, #tpu.memory_space<vmem>>, vector<1x1000x128xf32>
    %get3A_3 = vector.shape_cast %get3A_2 : vector<1x1000x128xf32> to vector<1000x128xf32>
    %get3A_4 = arith.constant 1 : index
    %get3A_5 = arith.constant 0 : index
    %get3A_6 = arith.constant 0 : index
    %get3A_7 = vector.load %arg1[%get3A_4, %get3A_5, %get3A_6] : memref<2x1000x128xf32, #tpu.memory_space<vmem>>, vector<1x1000x128xf32>
    %get3A_8 = vector.shape_cast %get3A_7 : vector<1x1000x128xf32> to vector<1000x128xf32>
    %add3A = arith.addf %get3A_3, %get3A_8 : vector<1000x128xf32>
    %get3A_9 = arith.constant 0 : index
    %get3A_10 = arith.constant 0 : index
    %get3A_11 = vector.load %arg2[%get3A_9, %get3A_10] : memref<128x128xf32, #tpu.memory_space<vmem>>, vector<128x128xf32>
    %dot_general3A = arith.constant dense<0.000000e+00> : vector<1000x128xf32>
    %dot_general3A_12 = tpu.matmul %add3A, %get3A_11, %dot_general3A {dimension_numbers = #tpu.dot_dimension_numbers<[1], [0], [0], [1], [0, 0, 1, 1], [], []>, transpose_lhs_hint = false} : vector<1000x128xf32>, vector<128x128xf32>, vector<1000x128xf32> -> vector<1000x128xf32>
    %max3A = arith.constant 0.000000e+00 : f32
    %max3A_13 = vector.broadcast %max3A : f32 to vector<1000x128xf32>
    %max3A_14 = arith.maximumf %dot_general3A_12, %max3A_13 : vector<1000x128xf32>
    %swap3A = arith.constant 0 : index
    %swap3A_15 = arith.constant 0 : index
    %swap3A_16 = vector.load %arg3[%swap3A, %swap3A_15] : memref<1000x128xf32, #tpu.memory_space<vmem>>, vector<1000x128xf32>
    tpu.vector_store %arg3[%swap3A, %swap3A_15], %max3A_14 {strides = array<i32>} : memref<1000x128xf32, #tpu.memory_space<vmem>>, vector<1000x128xf32>,
    return
  }
  func.func @transform_0(%arg0: i32) -> (i32, i32, i32) {
    %c0_i32 = arith.constant 0 : i32
    %c0_i32_0 = arith.constant 0 : i32
    %c0_i32_1 = arith.constant 0 : i32
    return %c0_i32, %arg0, %c0_i32_0 : i32, i32, i32
  }
  func.func @transform_1(%arg0: i32) -> (i32, i32) {
    %c0_i32 = arith.constant 0 : i32
    %c0_i32_0 = arith.constant 0 : i32
    %c0_i32_1 = arith.constant 0 : i32
    return %c0_i32, %c0_i32_0 : i32, i32
  }
  func.func @transform_2(%arg0: i32) -> (i32, i32) {
    %c0_i32 = arith.constant 0 : i32
    %c0_i32_0 = arith.constant 0 : i32
    return %arg0, %c0_i32 : i32, i32
  }
}

</mosaic_0001>

<sc_bundles>
// kernel: kernel.4.cloned.1.call-start
scs
__scs_entry_jumppad:
0x0: {  	(pc) =	sbr.rel $0x88, $3  }
0x1: {  	(tag) =	ssettag $0x0;
	lr =	simm.s32 $0x1  }
0x2: {  	[smem:$0x3F9D] =	sst lr;
	_ =	strace $0xD0000000  }
0x3: {  	_ = 	snop  }
0x4: {  	_ = 	snop  }
0x5: {  	_ = 	snop  }
0x6: {  	_ = 	snop  }
0x7: {  	_ = 	snop  }
__scs_overlays_trampoline_lowered:
0x8: {  	[smem:$0x3FAC] =	sst s0  }
0x9: {  	[smem:$0x3FAD] =	sst s1  }
0xa: {  	[smem:$0x3FAE] =	sst s2  }
0xb: {  	[smem:$0x3FAF] =	sst s3  }
0xc: {  	[smem:$0x3FB0] =	sst s4  }
0xd: {  	[smem:$0x3FB1] =	sst s5  }
0xe: {  	[smem:$0x3FB2] =	sst s6  }
0xf: {  	[smem:$0x3FB3] =	sst s7  }
0x10: {  	[smem:$0x3FB4] =	sst s8  }
0x11: {  	[smem:$0x3FB5] =	sst s9;
	s0 =	simm.s32 @!p0 $0x0  }
0x12: {  	s1 =	sld [smem:$0x3F9B];
	s0 =	simm.s32 @p0 $0x1  }
0x13: {  	[smem:$0x3FB6] =	sst s0;
	s0 =	simm.s32 @!p1 $0x0  }
0x14: {  	s2 =	sld [smem:$0x3F9A];
	s0 =	simm.s32 @p1 $0x1  }
0x15: {  	[smem:$0x3FB7] =	sst s0;
	s0 =	simm.s32 @!p2 $0x0  }
0x16: {  	s3 =	sld [smem:$0x3FDB];
	s0 =	simm.s32 @p2 $0x1  }
0x17: {  	s4 =	simm.s32 $0x1BF5;
	[smem:$0x3FB9] =	sst s0  }
0x18: {  	s0 =	sld [smem:$0x3F9C];
	_ =	swait.ge [sflag:s4], $0x0  }
0x19: {  	s7 =	sld [smem:$0x3F9D]  }
0x1a: {  	s8 =	sadd.s32 $0xFFFFE003, lr  }
0x1b: {  	s9 =	sadd.s32 $0xFFFFFEF7, lr;
	s5 =	simm.s32 $0xFFFFFFFF;
	p2 =	slt.u32 s8, $0xFFFFF086  }
0x1c: {  	p1 =	slt.u32 s9, $0xF7A;
	s5 =	simm.s32 @!p2 $0x0  }
0x1d: {  	s5 =	simm.s32 @p1 $0x1;
	p0 =	seq.s32 s7, s2  }
0x1e: {  	s7 =	smul.u32 @!p0 $0xF7A, s2;
	p2 =	seq.s32 @!p0 s5, $0x0  }
0x1f: {  	s9 =	smul.u32 $0xF7A, s1;
	s8 =	simm.s32 @!p0 $0x1BF5;
	p2 =	por !p2, p0  }
0x20: {  	[sflag:s8] =	ssyncset.s32 @!p0 $0xFFFFF086;
	s6 =	sadd.s32 @!p0 s3, s7;
	s7 =	simm.s32 @!p0 $0x108  }
0x21: {  	s3 =	sadd.s32 s3, s9;
	s6 =	sadd.s32 @!p0 $0x88, s6;
	s7 =	simm.s32 @p2 $0x1082  }
0x22: {  	[simem:s7], [sflag:s8] =	dma.local @!p0 [hbm:s6], $0xF7A  }
0x23: {  	s9 =	sor.u32 $0xD0000000, s2;
	s6 =	simm.s32 $0x108;
	_ =	swait.ge @!p0 [sflag:s8], $0x0  }
0x24: {  	s3 =	sadd.s32 $0x88, s3;
	s6 =	simm.s32 @!p1 $0x1082;
	[sflag:s4] =	ssyncset.s32 $0xFFFFF086  }
0x25: {  	[simem:s6], [sflag:s4] =	dma.local [hbm:s3], $0xF7A  }
0x26: {  	[smem:$0x3F9D] =	sst s1;
	(tag) =	ssettag s2;
	_ =	strace s9  }
0x27: {  	s1 =	sld [smem:$0x3FAD]  }
0x28: {  	s2 =	sld [smem:$0x3FAE]  }
0x29: {  	s4 =	sld [smem:$0x3FB0]  }
0x2a: {  	p0 =	seq.s32 s5, $0x0;
	s5 =	sld [smem:$0x3FB1]  }
0x2b: {  	s6 =	sld [smem:$0x3FB2]  }
0x2c: {  	s7 =	sld [smem:$0x3FB3]  }
0x2d: {  	s3 =	simm.s32 $0x108;
	s8 =	sld [smem:$0x3FB4]  }
0x2e: {  	s3 =	simm.s32 @!p0 $0x1082;
	s9 =	sld [smem:$0x3FB5]  }
0x2f: {  	lr =	sadd.s32 s0, s3;
	s0 =	sld [smem:$0x3FAC]  }
0x30: {  	s3 =	sld [smem:$0x3FAF]  }
0x31: {  	[smem:$0x3FB8] =	sst s10  }
0x32: {  	s10 =	sld [smem:$0x3FB6];
	_ =	sdelay $0x3  }
0x33: {  	p0 =	seq.s32 s10, $0x1;
	s10 =	sld [smem:$0x3FB8];
	_ =	sdelay $0x3  }
0x34: {  	[smem:$0x3FB8] =	sst s10  }
0x35: {  	s10 =	sld [smem:$0x3FB7];
	_ =	sdelay $0x3  }
0x36: {  	p1 =	seq.s32 s10, $0x1;
	s10 =	sld [smem:$0x3FB8];
	_ =	sdelay $0x3  }
0x37: {  	[smem:$0x3FB8] =	sst s10  }
0x38: {  	s10 =	sld [smem:$0x3FB9]  }
0x39: {  	_ = 	snop;
	(pc) =	sbr.ind lr, $3  }
0x3a: {  	_ = 	snop  }
0x3b: {  	_ = 	snop  }
0x3c: {  	p2 =	seq.s32 s10, $0x1;
	s10 =	sld [smem:$0x3FB8]  }
0x3d: {  	_ =	shalt  }
0x3e: {  	_ =	shalt  }
0x3f: {  	_ =	shalt  }
0x40: {  	_ =	shalt  }
0x41: {  	_ =	shalt  }
0x42: {  	_ =	shalt  }
0x43: {  	_ =	shalt  }
0x44: {  	_ =	shalt  }
0x45: {  	_ =	shalt  }
0x46: {  	_ =	shalt  }
0x47: {  	_ =	shalt  }
0x48: {  	_ =	shalt  }
0x49: {  	_ =	shalt  }
0x4a: {  	_ =	shalt  }
0x4b: {  	_ =	shalt  }
0x4c: {  	_ =	shalt  }
0x4d: {  	_ =	shalt  }
0x4e: {  	_ =	shalt  }
0x4f: {  	_ =	shalt  }
0x50: {  	_ =	shalt  }
0x51: {  	_ =	shalt  }
0x52: {  	_ =	shalt  }
0x53: {  	_ =	shalt  }
0x54: {  	_ =	shalt  }
0x55: {  	_ =	shalt  }
0x56: {  	_ =	shalt  }
0x57: {  	_ =	shalt  }
0x58: {  	_ =	shalt  }
0x59: {  	_ =	shalt  }
0x5a: {  	_ =	shalt  }
0x5b: {  	_ =	shalt  }
0x5c: {  	_ =	shalt  }
0x5d: {  	_ =	shalt  }
0x5e: {  	_ =	shalt  }
0x5f: {  	_ =	shalt  }
0x60: {  	_ =	shalt  }
0x61: {  	_ =	shalt  }
0x62: {  	_ =	shalt  }
0x63: {  	_ =	shalt  }
0x64: {  	_ =	shalt  }
0x65: {  	_ =	shalt  }
0x66: {  	_ =	shalt  }
0x67: {  	_ =	shalt  }
0x68: {  	_ =	shalt  }
0x69: {  	_ =	shalt  }
0x6a: {  	_ =	shalt  }
0x6b: {  	_ =	shalt  }
0x6c: {  	_ =	shalt  }
0x6d: {  	_ =	shalt  }
0x6e: {  	_ =	shalt  }
0x6f: {  	_ =	shalt  }
0x70: {  	_ =	shalt  }
0x71: {  	_ =	shalt  }
0x72: {  	_ =	shalt  }
0x73: {  	_ =	shalt  }
0x74: {  	_ =	shalt  }
0x75: {  	_ =	shalt  }
0x76: {  	_ =	shalt  }
0x77: {  	_ =	shalt  }
0x78: {  	_ =	shalt  }
0x79: {  	_ =	shalt  }
0x7a: {  	_ =	shalt  }
0x7b: {  	_ =	shalt  }
0x7c: {  	_ =	shalt  }
0x7d: {  	_ =	shalt  }
0x7e: {  	_ =	shalt  }
0x7f: {  	_ =	shalt  }
0x80: {  	_ =	shalt  }
0x81: {  	_ =	shalt  }
0x82: {  	_ =	shalt  }
0x83: {  	_ =	shalt  }
0x84: {  	_ =	shalt  }
0x85: {  	_ =	shalt  }
0x86: {  	_ =	shalt  }
0x87: {  	_ =	shalt  }
.Lfunc_end0:
.L_simem_size_0:
called_computation_lowered:
.L_overlay_start_0:
0x88: {  	s2 =	sld [smem:$0x3FD9]  }
0x89: {  	s3 =	sld [smem:$0x3FFE];
	_ =	sdelay $0x1  }
0x8a: {  	s1 =	srdreg.scid  }
0x8b: {  	s0 =	sand.u32 $0x1, s1  }
0x8c: {  	s17 =	sshll.u32 s0, $0xA;
	s2 =	sadd.s32 s3, s2  }
0x8d: {  	s2 =	sadd.s32 s2, s17  }
0x8e: {  	[smem:$0x3FC4] =	sst s2  }
0x8f: {  	_ = 	snop  }
0x90: {  	s2 =	sld [smem:$0x3FC9]  }
0x91: {  	s18 =	sld [smem:$0x3FC7]  }
0x92: {  	s4 =	sld [smem:$0x3FD0];
	(tm) =	ssettm $0x1  }
0x93: {  	s5 =	sld [smem:$0x3FFB];
	_ =	sdelay $0x3  }
0x94: {  	_ =	strace s5  }
0x95: {  	s5 =	sld [smem:$0x3FFC];
	_ =	sdelay $0x3  }
0x96: {  	_ =	strace s5  }
0x97: {  	s5 =	sld [smem:$0x3FFD];
	_ =	sdelay $0x3  }
0x98: {  	_ =	strace s5  }
0x99: {  	_ =	strace $0x8FFFFFFF  }
0x9a: {  	s19 =	sld [smem:$0x3FDB];
	_ =	sdelay $0x1  }
0x9b: {  	s6 =	simm.s32 $_scs_section_size  }
0x9c: {  	s7 =	simm.s32 $_size__tile_overlayer_lowered;
	s8 =	simm.s32 $_tile_overlayer_lowered  }
0x9d: {  	s22 =	simm.s32 $0x1BFF;
	s21 =	sshll.u32 s8, $0x1;
	s5 =	sadd.s32 s6, s19  }
0x9e: {  	s9 =	simm.s32 $0x0;
	s20 =	sshll.u32 s7, $0x1;
	s7 =	sadd.s32 s21, s5  }
0x9f: {  	[timem:s9], [sflag:s22] =	dma.local [hbm:s7], s20  }
0xa0: {  	_ =	swait.ge [sflag:s22], s20  }
0xa1: {  	s6 =	ssub.s32 $0x0, s20;
	[sflag:s22] =	ssyncset.done $0x0  }
0xa2: {  	[sflag:s22] =	ssyncadd.s32 s6;
	_ =	sdelay $0x1  }
0xa3: {  	s23 =	simm.s32 $0x1B8B  }
0xa4: {  	_ =	swait.ge [sflag:s23], $0x1  }
0xa5: {  	[sflag:s23] =	ssyncset.done $0x0  }
0xa6: {  	s25 =	simm.s32 $0x1B8E;
	s24 =	sld [smem:$0x3FFE];
	[sflag:s23] =	ssyncadd.s32 $0xFFFFFFFF  }
0xa7: {  	s26 =	simm.s32 $execute0_lowered;
	[smem:$0x3FD2] =	sst s25  }
0xa8: {  	s7 =	sshll.u32 s26, $0x1;
	_ =	strace $0x80000046;
	[dreg:$0x1] =	wrdreg $0xFFFFFFFF  }
0xa9: {  	s28 =	simm.s32 $_size_execute0_lowered;
	s5 =	sadd.s32 s5, s7;
	[dreg:$0x0] =	wrdreg $0x0  }
0xaa: {  	s7 =	sshll.u32 s28, $0x1;
	[dreg:$0x2] =	wrdreg s5  }
0xab: {  	[dreg:$0x3] =	wrdreg s7  }
0xac: {  	[dreg:$0x4] =	wrdreg $0xC0  }
0xad: {  	_ =	task [dreg:s9], $0x5FFFF  }
0xae: {  	[dreg:$0x1] =	wrdreg $0xFFFFFFFF  }
0xaf: {  	[dreg:$0x0] =	wrdreg $0x60  }
0xb0: {  	[dreg:$0x2] =	wrdreg s24  }
0xb1: {  	[dreg:$0x3] =	wrdreg s4  }
0xb2: {  	[dreg:$0x4] =	wrdreg s18  }
0xb3: {  	[dreg:$0x5] =	wrdreg s2  }
0xb4: {  	[dreg:$0x6] =	wrdreg $0x0  }
0xb5: {  	[dreg:$0x7] =	wrdreg $0x9  }
0xb6: {  	_ =	task.clear_ibuf [dreg:s9], $0x8FFFF;
	_ =	strace $0x90000046  }
0xb7: {  	s29 =	simm.s32 $0x9;
	_ =	strace $0x8000004D  }
0xb8: {  	_ =	swait.ge [sflag:s29], $0x1  }
0xb9: {  	[sflag:s29] =	ssyncadd.s32 $0xFFFFFFFF  }
0xba: {  	_ =	strace $0x9000004D  }
0xbb: {  	_ =	sfence  }
0xbc: {  	s30 =	sld [smem:$0x0];
	_ =	sdelay $0x2  }
0xbd: {  	s31 =	sshll.u32 s1, $0xD;
	s1 =	sshrl.u32 s1, $0x2  }
0xbe: {  	s3 =	sand.u32 $0x4000, s31;
	s1 =	sadd.s32 s1, s30  }
0xbf: {  	s0 =	sor.u32 s3, s0;
	s1 =	sshll.u32 s1, $0x11  }
0xc0: {  	s0 =	sor.u32 s1, s0  }
0xc1: {  	s0 =	sadd.s32 $0x8F2B, s0  }
0xc2: {  	[sflag:s0] =	ssyncadd.remote.s32 $0x1  }
0xc3: {  	_ =	sfence.sel $0xFFFF  }
0xc4: {  	[dreg:$0x0] =	wrdreg $0xFFFFFFFF;
	(pc) =	sbr.abs _section_cstart, $3  }
0xc5: {  	[dreg:$0x1] =	wrdreg $0xFFFFFFFF  }
0xc6: {  	_ =	task.clear_ibuf [dreg:s9], $0x2FFFF;
	_ =	strace $0x9FFFFFFF  }
0xc7: {  	(tm) =	ssettm $0x7FFFFFFF  }
tec
execute0_lowered:
.L_overlay_start_1:
0x0: {  	(tag) =	ssettag $0x1  }
0x1: {  	s0 =	rddreg [dreg:$0x0]  }
0x2: {  	s2 =	rddreg [dreg:$0x1]  }
0x3: {  	s3 =	rddreg [dreg:$0x2]  }
0x4: {  	s5 =	rddreg [dreg:$0x3];
	s4 =	srdreg.scid  }
0x5: {  	s1 =	stileid.u32;
	s6 =	rddreg [dreg:$0x4];
	s7 =	simm.s32 $0x0  }
0x6: {  	s19 =	simm.s32 $0x138C0;
	s20 =	simm.s32 $0x2;
	s21 =	simm.s32 $0x198C0  }
0x7: {  	s22 =	simm.s32 $0x19980;
	s23 =	simm.s32 $0x19A40;
	s24 =	simm.s32 $0xC0  }
0x8: {  	s25 =	simm.s32 $0x1;
	s8 =	sand.u32 $0x1, s4;
	s9 =	smul.u32 $0x13880, s1  }
0x9: {  	[smem:$0x7FF] =	sst s7;
	s11 =	sshll.u32 s1, $0x1;
	s12 =	smul.u32 $0x4E200, s1  }
0xa: {  	s10 =	smul.u32 $0x138800, s8;
	_ =	strace $0x80000047;
	s30 =	ssub.s32 $0x2, s8  }
0xb: {  	s8 =	sor.u32 s8, s11;
	s31 =	sshrl.u32 s30, $0x1;
	s12 =	sshrl.u32 s12, $0x2  }
0xc: {  	s8 =	smul.u32 $0x2710, s8;
	s10 =	sadd.s32 s9, s10;
	s18 =	ssub.s32 s30, s31  }
0xd: {  	s9 =	sadd.s32 s9, s6;
	s13 =	sadd.s32 s12, s6;
	s10 =	sshrl.u32 s10, $0x3  }
0xe: {  	s11 =	sadd.s32 $0x7D00, s13;
	s14 =	sshrl.u32 s8, $0x3;
	s12 =	sadd.s32 $0xBB80, s13  }
0xf: {  	s18 =	smax.u32 s18, $0x1;
	s17 =	sadd.s32 s10, s0;
	s16 =	sadd.s32 $0x4E0, s14  }
0x10: {  	v1 =	vimm.s32 $0x0;
	vm0 =	vcmask $0x300;
	s10 =	sadd.s32 $0x3E80, s13;
	s13 =	sadd.s32 $0xFA00, s13;
	s14 =	sadd.s32 s0, s16  }
0x11: {  	v0 =	vimm.f32 $0.0e+00;
	v2 =	vimm.s32 $0x2710;
	v1 =	vsel vm0, $0x3, v1;
	s15 =	sadd.s32 s2, s16;
	s16 =	sadd.s32 s3, s16;
	s17 =	sadd.s32 $0x9E00, s17  }
.LBB2_1:
0x12: {  	_ =	strace $0x80000048;
	s26 =	simm.s32 $0x0;
	s28 =	simm.s32 $0x200  }
.LBB2_2:
0x13: {  	p0 =	sne.s32 s28, $0xF800;
	[tilespmem:s26+$0x13930] =	vst v0  }
0x14: {  	[tilespmem:s26+$0x138C0] =	vst v0  }
0x15: {  	[tilespmem:s26+$0x138D0] =	vst v0  }
.Ltmp0:
0x16: {  	[tilespmem:s26+$0x138E0] =	vst v0;
	(pc) =	sbr.rel @p0 .LBB2_2-.Ltmp0, $4  }
0x17: {  	[tilespmem:s26+$0x138F0] =	vst v0  }
0x18: {  	[tilespmem:s26+$0x13900] =	vst v0  }
0x19: {  	[tilespmem:s26+$0x13910] =	vst v0  }
0x1a: {  	[tilespmem:s26+$0x13920] =	vst v0;
	s26 =	sshra.s32 s28, $0x2;
	s28 =	sadd.s32 $0x200, s28  }
0x1b: {  	[tilespmem:s26+$0x13930] =	vst v0  }
0x1c: {  	[tilespmem:s26+$0x138C0] =	vst v0  }
0x1d: {  	[tilespmem:s26+$0x138D0] =	vst v0  }
0x1e: {  	[tilespmem:s26+$0x138E0] =	vst v0  }
0x1f: {  	[tilespmem:s26+$0x138F0] =	vst v0  }
0x20: {  	[tilespmem:s26+$0x13900] =	vst v0  }
0x21: {  	[tilespmem:s26+$0x13910] =	vst v0  }
0x22: {  	[tilespmem:s26+$0x13920] =	vst v0  }
0x23: {  	[spmem:s9] =	stream.linear.scatter [tilespmem:s19], [sflag:$0x2], $0x3E80, $0x200038;
	[tilespmem:$0x19B00] =	vst v63  }
0x24: {  	_ =	swait.ge [sflag:s20], $0x3E80  }
0x25: {  	[sflag:s20] =	ssyncset.done $0x0  }
0x26: {  	[sflag:s20] =	ssyncadd.s32 $0xFFFFC180  }
0x27: {  	[spmem:s10] =	stream.linear.scatter [tilespmem:s19], [sflag:$0x2], $0x3E80, $0x200038;
	[tilespmem:$0x19B00] =	vst v63  }
0x28: {  	_ =	swait.ge [sflag:s20], $0x3E80  }
0x29: {  	[sflag:s20] =	ssyncset.done $0x0  }
0x2a: {  	[sflag:s20] =	ssyncadd.s32 $0xFFFFC180  }
0x2b: {  	[spmem:s11] =	stream.linear.scatter [tilespmem:s19], [sflag:$0x2], $0x3E80, $0x200038;
	[tilespmem:$0x19B00] =	vst v63  }
0x2c: {  	_ =	swait.ge [sflag:s20], $0x3E80  }
0x2d: {  	[sflag:s20] =	ssyncset.done $0x0  }
0x2e: {  	[sflag:s20] =	ssyncadd.s32 $0xFFFFC180  }
0x2f: {  	[spmem:s12] =	stream.linear.scatter [tilespmem:s19], [sflag:$0x2], $0x3E80, $0x200038;
	[tilespmem:$0x19B00] =	vst v63  }
0x30: {  	_ =	swait.ge [sflag:s20], $0x3E80  }
0x31: {  	[sflag:s20] =	ssyncset.done $0x0  }
0x32: {  	[sflag:s20] =	ssyncadd.s32 $0xFFFFC180  }
0x33: {  	[spmem:s13] =	stream.linear.scatter [tilespmem:s19], [sflag:$0x2], $0x3E80, $0x200038;
	[tilespmem:$0x19B00] =	vst v63  }
0x34: {  	_ =	swait.ge [sflag:s20], $0x3E80  }
0x35: {  	[sflag:s20] =	ssyncset.done $0x0  }
0x36: {  	[sflag:s20] =	ssyncadd.s32 $0xFFFFC180  }
0x37: {  	[bflag:$0x0] =	sbarrier.arrive $0xFFFF  }
0x38: {  	s26 =	simm.s32 $0x0;
	s28 =	simm.s32 $0x0;
	_ =	strace $0x90000048  }
.LBB2_4:
0x39: {  	s29 =	smul.u32 $0xC0, s28;
	_ =	sdelay $0x1  }
0x3a: {  	s29 =	sadd.s32 s8, s29  }
0x3b: {  	s29 =	sshrl.u32 s29, $0x3  }
0x3c: {  	_ =	strace $0x80000049;
	s30 =	sadd.s32 s0, s29  }
0x3d: {  	[tilespmem:s21], [sflag:$0x2] =	stream.linear.gather [hbm4b:s30+s26], $0xC0, $0x200038;
	[tilespmem:$0x19B00] =	vst v63  }
0x3e: {  	_ =	swait.ge [sflag:s20], $0xC0  }
0x3f: {  	[sflag:s20] =	ssyncset.done $0x0  }
0x40: {  	s31 =	sadd.s32 s2, s29;
	[sflag:s20] =	ssyncadd.s32 $0xFFFFFF40  }
0x41: {  	[tilespmem:s22], [sflag:$0x2] =	stream.linear.gather [hbm4b:s31+s26], $0xC0, $0x200038;
	[tilespmem:$0x19B00] =	vst v63  }
0x42: {  	_ =	swait.ge [sflag:s20], $0xC0  }
0x43: {  	[sflag:s20] =	ssyncset.done $0x0  }
0x44: {  	s29 =	sadd.s32 s3, s29;
	[sflag:s20] =	ssyncadd.s32 $0xFFFFFF40  }
0x45: {  	[tilespmem:s23], [sflag:$0x2] =	stream.linear.gather [hbm4b:s29+s26], $0xC0, $0x200038;
	[tilespmem:$0x19B00] =	vst v63  }
0x46: {  	_ =	swait.ge [sflag:s20], $0xC0  }
0x47: {  	[sflag:s20] =	ssyncset.done $0x0  }
0x48: {  	[sflag:s20] =	ssyncadd.s32 $0xFFFFFF40  }
0x49: {  	_ =	strace $0x90000049  }
0x4a: {  	_ =	strace $0x8000004A  }
0x4b: {  	[tilespmem:s19], [sflag:$0x1] =	stream.indirect.gather [hbm4b:s5+s24], $0x80, s21, s24, $0x2000b8;
	[tilespmem:$0x19B00] =	vst v63  }
0x4c: {  	_ =	swait.ge [sflag:s25], $0x6000  }
0x4d: {  	[sflag:s25] =	ssyncset.done $0x0  }
0x4e: {  	[sflag:s25] =	ssyncadd.s32 $0xFFFFA000  }
0x4f: {  	_ =	strace $0x9000004A  }
0x50: {  	s29 =	simm.s32 $0x0;
	_ =	strace $0x8000004B  }
.LBB2_5:
0x51: {  	s30 =	sshll.u32 s29, $0x4  }
0x52: {  	v3 =	vmov s30  }
0x53: {  	v3 =	vshrl.u32 v3, $0x3  }
0x54: {  	v3 =	vshll.u32 v3, v1  }
0x55: {  	v3 =	vbroadcast v3, $0x0;
	_ =	sdelay $0x2  }
0x56: {  	s31 =	sshll.u32 s29, $0xB  }
0x57: {  	s31 =	sand.u32 $0x3FFFF800, s31  }
0x58: {  	v4 =	vld [tilespmem:s31+$0x138C0]  }
0x59: {  	v3 =	vld.idx.msk [tilespmem:v3+s23+$0x0], $0xffff  }
0x5a: {  	v5 =	vld [tilespmem:s31+$0x138D0]  }
0x5b: {  	v6 =	vld [tilespmem:s31+$0x138E0]  }
0x5c: {  	v7 =	vld [tilespmem:s31+$0x138F0]  }
0x5d: {  	v8 =	vld [tilespmem:s31+$0x13900]  }
0x5e: {  	s4 =	sor.u32 $0x1, s30;
	v9 =	vld [tilespmem:s31+$0x13910];
	v4 =	vmul.f32 v4, v3  }
0x5f: {  	v10 =	vmov s4;
	v11 =	vld [tilespmem:s31+$0x13920];
	v5 =	vmul.f32 v5, v3  }
0x60: {  	v23 =	vld [tilespmem:s31+$0x13930];
	v10 =	vshrl.u32 v10, $0x3;
	v22 =	vmul.f32 v6, v3;
	[tilespmem:s31+$0x138C0] =	vst v4  }
0x61: {  	v10 =	vshll.u32 v10, v1;
	v24 =	vmul.f32 v7, v3;
	[tilespmem:s31+$0x138D0] =	vst v5  }
0x62: {  	v25 =	vor.u32 $0x1, v10;
	v26 =	vmul.f32 v8, v3;
	[tilespmem:s31+$0x138E0] =	vst v22  }
0x63: {  	v7 =	vbroadcast v25, $0x0;
	v27 =	vmul.f32 v9, v3;
	[tilespmem:s31+$0x138F0] =	vst v24  }
0x64: {  	v28 =	vmul.f32 v11, v3;
	[tilespmem:s31+$0x13900] =	vst v26  }
0x65: {  	v3 =	vmul.f32 v23, v3;
	[tilespmem:s31+$0x13910] =	vst v27  }
0x66: {  	s4 =	sshll.u32 s4, $0x7;
	[tilespmem:s31+$0x13920] =	vst v28  }
0x67: {  	s4 =	sand.u32 $0x3FFFF880, s4;
	[tilespmem:s31+$0x13930] =	vst v3  }
0x68: {  	v4 =	vld [tilespmem:s4+$0x138C0]  }
0x69: {  	v3 =	vld.idx.msk [tilespmem:v7+s23+$0x0], $0xffff  }
0x6a: {  	v5 =	vld [tilespmem:s4+$0x138D0]  }
0x6b: {  	v29 =	vld [tilespmem:s4+$0x138E0]  }
0x6c: {  	v30 =	vld [tilespmem:s4+$0x138F0]  }
0x6d: {  	s31 =	sor.u32 $0x2, s30;
	v31 =	vld [tilespmem:s4+$0x13900]  }
0x6e: {  	v32 =	vld [tilespmem:s4+$0x13910];
	v33 =	vmov s31;
	v4 =	vmul.f32 v4, v3  }
0x6f: {  	v34 =	vld [tilespmem:s4+$0x13920];
	v10 =	vshrl.u32 v33, $0x3;
	v5 =	vmul.f32 v5, v3  }
0x70: {  	v36 =	vld [tilespmem:s4+$0x13930];
	v10 =	vshll.u32 v10, v1;
	v35 =	vmul.f32 v29, v3;
	[tilespmem:s4+$0x138C0] =	vst v4  }
0x71: {  	v38 =	vadd.s32 $0x2, v10;
	v37 =	vmul.f32 v30, v3;
	[tilespmem:s4+$0x138D0] =	vst v5  }
0x72: {  	v7 =	vbroadcast v38, $0x0;
	v39 =	vmul.f32 v31, v3;
	[tilespmem:s4+$0x138E0] =	vst v35  }
0x73: {  	v40 =	vmul.f32 v32, v3;
	[tilespmem:s4+$0x138F0] =	vst v37  }
0x74: {  	v41 =	vmul.f32 v34, v3;
	[tilespmem:s4+$0x13900] =	vst v39  }
0x75: {  	v3 =	vmul.f32 v36, v3;
	[tilespmem:s4+$0x13910] =	vst v40  }
0x76: {  	[tilespmem:s4+$0x13920] =	vst v41  }
0x77: {  	s31 =	sshll.u32 s31, $0x7;
	[tilespmem:s4+$0x13930] =	vst v3  }
0x78: {  	s4 =	sand.u32 $0x3FFFF900, s31;
	v3 =	vld.idx.msk [tilespmem:v7+s23+$0x0], $0xffff  }
0x79: {  	v4 =	vld [tilespmem:s4+$0x138C0]  }
0x7a: {  	v5 =	vld [tilespmem:s4+$0x138D0]  }
0x7b: {  	v42 =	vld [tilespmem:s4+$0x138E0]  }
0x7c: {  	v43 =	vld [tilespmem:s4+$0x138F0]  }
0x7d: {  	v44 =	vld [tilespmem:s4+$0x13900]  }
0x7e: {  	s31 =	sor.u32 $0x3, s30;
	v45 =	vld [tilespmem:s4+$0x13910];
	v4 =	vmul.f32 v4, v3  }
0x7f: {  	v46 =	vmov s31;
	v47 =	vld [tilespmem:s4+$0x13920];
	v5 =	vmul.f32 v5, v3  }
0x80: {  	v49 =	vld [tilespmem:s4+$0x13930];
	v10 =	vshrl.u32 v46, $0x3;
	v48 =	vmul.f32 v42, v3;
	[tilespmem:s4+$0x138C0] =	vst v4  }
0x81: {  	v10 =	vshll.u32 v10, v1;
	v50 =	vmul.f32 v43, v3;
	[tilespmem:s4+$0x138D0] =	vst v5  }
0x82: {  	v51 =	vadd.s32 $0x3, v10;
	v52 =	vmul.f32 v44, v3;
	[tilespmem:s4+$0x138E0] =	vst v48  }
0x83: {  	v7 =	vbroadcast v51, $0x0;
	v53 =	vmul.f32 v45, v3;
	[tilespmem:s4+$0x138F0] =	vst v50  }
0x84: {  	v54 =	vmul.f32 v47, v3;
	[tilespmem:s4+$0x13900] =	vst v52  }
0x85: {  	v3 =	vmul.f32 v49, v3;
	[tilespmem:s4+$0x13910] =	vst v53  }
0x86: {  	s31 =	sshll.u32 s31, $0x7;
	[tilespmem:s4+$0x13920] =	vst v54  }
0x87: {  	[tilespmem:s4+$0x13930] =	vst v3;
	s4 =	sand.u32 $0x3FFFF980, s31  }
0x88: {  	v4 =	vld [tilespmem:s4+$0x138C0]  }
0x89: {  	v3 =	vld.idx.msk [tilespmem:v7+s23+$0x0], $0xffff  }
0x8a: {  	v5 =	vld [tilespmem:s4+$0x138D0]  }
0x8b: {  	v55 =	vld [tilespmem:s4+$0x138E0]  }
0x8c: {  	v56 =	vld [tilespmem:s4+$0x138F0]  }
0x8d: {  	s31 =	sor.u32 $0x4, s30;
	v57 =	vld [tilespmem:s4+$0x13900]  }
0x8e: {  	v58 =	vld [tilespmem:s4+$0x13910];
	v59 =	vmov s31;
	v4 =	vmul.f32 v4, v3  }
0x8f: {  	v60 =	vld [tilespmem:s4+$0x13920];
	v10 =	vshrl.u32 v59, $0x3;
	v5 =	vmul.f32 v5, v3  }
0x90: {  	v62 =	vld [tilespmem:s4+$0x13930];
	v10 =	vshll.u32 v10, v1;
	v61 =	vmul.f32 v55, v3;
	[tilespmem:s4+$0x138C0] =	vst v4  }
0x91: {  	v12 =	vadd.s32 $0x4, v10;
	v63 =	vmul.f32 v56, v3;
	[tilespmem:s4+$0x138D0] =	vst v5  }
0x92: {  	v7 =	vbroadcast v12, $0x0;
	v13 =	vmul.f32 v57, v3;
	[tilespmem:s4+$0x138E0] =	vst v61  }
0x93: {  	v14 =	vmul.f32 v58, v3;
	[tilespmem:s4+$0x138F0] =	vst v63  }
0x94: {  	v15 =	vmul.f32 v60, v3;
	[tilespmem:s4+$0x13900] =	vst v13  }
0x95: {  	v3 =	vmul.f32 v62, v3;
	[tilespmem:s4+$0x13910] =	vst v14  }
0x96: {  	[tilespmem:s4+$0x13920] =	vst v15  }
0x97: {  	s31 =	sshll.u32 s31, $0x7;
	[tilespmem:s4+$0x13930] =	vst v3  }
0x98: {  	s4 =	sand.u32 $0x3FFFFA00, s31;
	v3 =	vld.idx.msk [tilespmem:v7+s23+$0x0], $0xffff  }
0x99: {  	v4 =	vld [tilespmem:s4+$0x138C0]  }
0x9a: {  	v5 =	vld [tilespmem:s4+$0x138D0]  }
0x9b: {  	v16 =	vld [tilespmem:s4+$0x138E0]  }
0x9c: {  	v17 =	vld [tilespmem:s4+$0x138F0]  }
0x9d: {  	v18 =	vld [tilespmem:s4+$0x13900]  }
0x9e: {  	s31 =	sor.u32 $0x5, s30;
	v19 =	vld [tilespmem:s4+$0x13910];
	v4 =	vmul.f32 v4, v3  }
0x9f: {  	v20 =	vmov s31;
	v21 =	vld [tilespmem:s4+$0x13920];
	v5 =	vmul.f32 v5, v3  }
0xa0: {  	v23 =	vld [tilespmem:s4+$0x13930];
	v10 =	vshrl.u32 v20, $0x3;
	v22 =	vmul.f32 v16, v3;
	[tilespmem:s4+$0x138C0] =	vst v4  }
0xa1: {  	v10 =	vshll.u32 v10, v1;
	v24 =	vmul.f32 v17, v3;
	[tilespmem:s4+$0x138D0] =	vst v5  }
0xa2: {  	v25 =	vadd.s32 $0x5, v10;
	v26 =	vmul.f32 v18, v3;
	[tilespmem:s4+$0x138E0] =	vst v22  }
0xa3: {  	v7 =	vbroadcast v25, $0x0;
	v27 =	vmul.f32 v19, v3;
	[tilespmem:s4+$0x138F0] =	vst v24  }
0xa4: {  	v28 =	vmul.f32 v21, v3;
	[tilespmem:s4+$0x13900] =	vst v26  }
0xa5: {  	v3 =	vmul.f32 v23, v3;
	[tilespmem:s4+$0x13910] =	vst v27  }
0xa6: {  	s31 =	sshll.u32 s31, $0x7;
	[tilespmem:s4+$0x13920] =	vst v28  }
0xa7: {  	[tilespmem:s4+$0x13930] =	vst v3;
	s4 =	sand.u32 $0x3FFFFA80, s31  }
0xa8: {  	v4 =	vld [tilespmem:s4+$0x138C0]  }
0xa9: {  	v3 =	vld.idx.msk [tilespmem:v7+s23+$0x0], $0xffff  }
0xaa: {  	v5 =	vld [tilespmem:s4+$0x138D0]  }
0xab: {  	v29 =	vld [tilespmem:s4+$0x138E0]  }
0xac: {  	v30 =	vld [tilespmem:s4+$0x138F0]  }
0xad: {  	s31 =	sor.u32 $0x6, s30;
	v31 =	vld [tilespmem:s4+$0x13900]  }
0xae: {  	v32 =	vld [tilespmem:s4+$0x13910];
	v33 =	vmov s31;
	v4 =	vmul.f32 v4, v3  }
0xaf: {  	v34 =	vld [tilespmem:s4+$0x13920];
	v10 =	vshrl.u32 v33, $0x3;
	v5 =	vmul.f32 v5, v3  }
0xb0: {  	v36 =	vld [tilespmem:s4+$0x13930];
	v10 =	vshll.u32 v10, v1;
	v35 =	vmul.f32 v29, v3;
	[tilespmem:s4+$0x138C0] =	vst v4  }
0xb1: {  	v38 =	vadd.s32 $0x6, v10;
	v37 =	vmul.f32 v30, v3;
	[tilespmem:s4+$0x138D0] =	vst v5  }
0xb2: {  	v7 =	vbroadcast v38, $0x0;
	v39 =	vmul.f32 v31, v3;
	[tilespmem:s4+$0x138E0] =	vst v35  }
0xb3: {  	v40 =	vmul.f32 v32, v3;
	[tilespmem:s4+$0x138F0] =	vst v37  }
0xb4: {  	v41 =	vmul.f32 v34, v3;
	[tilespmem:s4+$0x13900] =	vst v39  }
0xb5: {  	v3 =	vmul.f32 v36, v3;
	[tilespmem:s4+$0x13910] =	vst v40  }
0xb6: {  	[tilespmem:s4+$0x13920] =	vst v41  }
0xb7: {  	s31 =	sshll.u32 s31, $0x7;
	[tilespmem:s4+$0x13930] =	vst v3  }
0xb8: {  	s4 =	sand.u32 $0x3FFFFB00, s31;
	v3 =	vld.idx.msk [tilespmem:v7+s23+$0x0], $0xffff  }
0xb9: {  	v4 =	vld [tilespmem:s4+$0x138C0]  }
0xba: {  	v5 =	vld [tilespmem:s4+$0x138D0]  }
0xbb: {  	v42 =	vld [tilespmem:s4+$0x138E0]  }
0xbc: {  	v43 =	vld [tilespmem:s4+$0x138F0]  }
0xbd: {  	v44 =	vld [tilespmem:s4+$0x13900]  }
0xbe: {  	s31 =	sor.u32 $0x7, s30;
	v45 =	vld [tilespmem:s4+$0x13910];
	v4 =	vmul.f32 v4, v3  }
0xbf: {  	v46 =	vmov s31;
	v47 =	vld [tilespmem:s4+$0x13920];
	v5 =	vmul.f32 v5, v3  }
0xc0: {  	v49 =	vld [tilespmem:s4+$0x13930];
	v10 =	vshrl.u32 v46, $0x3;
	v48 =	vmul.f32 v42, v3;
	[tilespmem:s4+$0x138C0] =	vst v4  }
0xc1: {  	v10 =	vshll.u32 v10, v1;
	v50 =	vmul.f32 v43, v3;
	[tilespmem:s4+$0x138D0] =	vst v5  }
0xc2: {  	v51 =	vadd.s32 $0x7, v10;
	v52 =	vmul.f32 v44, v3;
	[tilespmem:s4+$0x138E0] =	vst v48  }
0xc3: {  	v7 =	vbroadcast v51, $0x0;
	v53 =	vmul.f32 v45, v3;
	[tilespmem:s4+$0x138F0] =	vst v50  }
0xc4: {  	v54 =	vmul.f32 v47, v3;
	[tilespmem:s4+$0x13900] =	vst v52  }
0xc5: {  	v3 =	vmul.f32 v49, v3;
	[tilespmem:s4+$0x13910] =	vst v53  }
0xc6: {  	s31 =	sshll.u32 s31, $0x7;
	[tilespmem:s4+$0x13920] =	vst v54  }
0xc7: {  	[tilespmem:s4+$0x13930] =	vst v3;
	s4 =	sand.u32 $0x3FFFFB80, s31  }
0xc8: {  	v4 =	vld [tilespmem:s4+$0x138C0]  }
0xc9: {  	v3 =	vld.idx.msk [tilespmem:v7+s23+$0x0], $0xffff  }
0xca: {  	v5 =	vld [tilespmem:s4+$0x138D0]  }
0xcb: {  	v55 =	vld [tilespmem:s4+$0x138E0]  }
0xcc: {  	v56 =	vld [tilespmem:s4+$0x138F0]  }
0xcd: {  	v57 =	vld [tilespmem:s4+$0x13900]  }
0xce: {  	s31 =	sor.u32 $0x8, s30;
	v58 =	vld [tilespmem:s4+$0x13910];
	v4 =	vmul.f32 v4, v3  }
0xcf: {  	v59 =	vld [tilespmem:s4+$0x13920];
	v60 =	vmov s31;
	v5 =	vmul.f32 v5, v3  }
0xd0: {  	v62 =	vld [tilespmem:s4+$0x13930];
	v11 =	vshrl.u32 v60, $0x3;
	v61 =	vmul.f32 v55, v3;
	[tilespmem:s4+$0x138C0] =	vst v4  }
0xd1: {  	v11 =	vshll.u32 v11, v1;
	v63 =	vmul.f32 v56, v3;
	[tilespmem:s4+$0x138D0] =	vst v5  }
0xd2: {  	v7 =	vbroadcast v11, $0x0;
	v12 =	vmul.f32 v57, v3;
	[tilespmem:s4+$0x138E0] =	vst v61  }
0xd3: {  	v13 =	vmul.f32 v58, v3;
	[tilespmem:s4+$0x138F0] =	vst v63  }
0xd4: {  	v14 =	vmul.f32 v59, v3;
	[tilespmem:s4+$0x13900] =	vst v12  }
0xd5: {  	v3 =	vmul.f32 v62, v3;
	[tilespmem:s4+$0x13910] =	vst v13  }
0xd6: {  	[tilespmem:s4+$0x13920] =	vst v14  }
0xd7: {  	s31 =	sshll.u32 s31, $0x7;
	[tilespmem:s4+$0x13930] =	vst v3  }
0xd8: {  	s4 =	sand.u32 $0x3FFFFC00, s31;
	v3 =	vld.idx.msk [tilespmem:v7+s23+$0x0], $0xffff  }
0xd9: {  	v4 =	vld [tilespmem:s4+$0x138C0]  }
0xda: {  	v5 =	vld [tilespmem:s4+$0x138D0]  }
0xdb: {  	v15 =	vld [tilespmem:s4+$0x138E0]  }
0xdc: {  	v16 =	vld [tilespmem:s4+$0x138F0]  }
0xdd: {  	v17 =	vld [tilespmem:s4+$0x13900]  }
0xde: {  	s31 =	sor.u32 $0x9, s30;
	v18 =	vld [tilespmem:s4+$0x13910];
	v4 =	vmul.f32 v4, v3  }
0xdf: {  	v19 =	vmov s31;
	v20 =	vld [tilespmem:s4+$0x13920];
	v5 =	vmul.f32 v5, v3  }
0xe0: {  	v22 =	vld [tilespmem:s4+$0x13930];
	v10 =	vshrl.u32 v19, $0x3;
	v21 =	vmul.f32 v15, v3;
	[tilespmem:s4+$0x138C0] =	vst v4  }
0xe1: {  	v10 =	vshll.u32 v10, v1;
	v23 =	vmul.f32 v16, v3;
	[tilespmem:s4+$0x138D0] =	vst v5  }
0xe2: {  	v24 =	vadd.s32 $0x1, v10;
	v25 =	vmul.f32 v17, v3;
	[tilespmem:s4+$0x138E0] =	vst v21  }
0xe3: {  	v7 =	vbroadcast v24, $0x0;
	v26 =	vmul.f32 v18, v3;
	[tilespmem:s4+$0x138F0] =	vst v23  }
0xe4: {  	v27 =	vmul.f32 v20, v3;
	[tilespmem:s4+$0x13900] =	vst v25  }
0xe5: {  	v3 =	vmul.f32 v22, v3;
	[tilespmem:s4+$0x13910] =	vst v26  }
0xe6: {  	s31 =	sshll.u32 s31, $0x7;
	[tilespmem:s4+$0x13920] =	vst v27  }
0xe7: {  	[tilespmem:s4+$0x13930] =	vst v3;
	s4 =	sand.u32 $0x3FFFFC80, s31  }
0xe8: {  	v4 =	vld [tilespmem:s4+$0x138C0]  }
0xe9: {  	v3 =	vld.idx.msk [tilespmem:v7+s23+$0x0], $0xffff  }
0xea: {  	v5 =	vld [tilespmem:s4+$0x138D0]  }
0xeb: {  	v28 =	vld [tilespmem:s4+$0x138E0]  }
0xec: {  	v29 =	vld [tilespmem:s4+$0x138F0]  }
0xed: {  	s31 =	sor.u32 $0xA, s30;
	v30 =	vld [tilespmem:s4+$0x13900]  }
0xee: {  	v31 =	vld [tilespmem:s4+$0x13910];
	v32 =	vmov s31;
	v4 =	vmul.f32 v4, v3  }
0xef: {  	v33 =	vld [tilespmem:s4+$0x13920];
	v10 =	vshrl.u32 v32, $0x3;
	v5 =	vmul.f32 v5, v3  }
0xf0: {  	v35 =	vld [tilespmem:s4+$0x13930];
	v10 =	vshll.u32 v10, v1;
	v34 =	vmul.f32 v28, v3;
	[tilespmem:s4+$0x138C0] =	vst v4  }
0xf1: {  	v37 =	vadd.s32 $0x2, v10;
	v36 =	vmul.f32 v29, v3;
	[tilespmem:s4+$0x138D0] =	vst v5  }
0xf2: {  	v7 =	vbroadcast v37, $0x0;
	v38 =	vmul.f32 v30, v3;
	[tilespmem:s4+$0x138E0] =	vst v34  }
0xf3: {  	v39 =	vmul.f32 v31, v3;
	[tilespmem:s4+$0x138F0] =	vst v36  }
0xf4: {  	v40 =	vmul.f32 v33, v3;
	[tilespmem:s4+$0x13900] =	vst v38  }
0xf5: {  	v3 =	vmul.f32 v35, v3;
	[tilespmem:s4+$0x13910] =	vst v39  }
0xf6: {  	[tilespmem:s4+$0x13920] =	vst v40  }
0xf7: {  	s31 =	sshll.u32 s31, $0x7;
	[tilespmem:s4+$0x13930] =	vst v3  }
0xf8: {  	s4 =	sand.u32 $0x3FFFFD00, s31;
	v3 =	vld.idx.msk [tilespmem:v7+s23+$0x0], $0xffff  }
0xf9: {  	v4 =	vld [tilespmem:s4+$0x138C0]  }
0xfa: {  	v5 =	vld [tilespmem:s4+$0x138D0]  }
0xfb: {  	v41 =	vld [tilespmem:s4+$0x138E0]  }
0xfc: {  	v42 =	vld [tilespmem:s4+$0x138F0]  }
0xfd: {  	v43 =	vld [tilespmem:s4+$0x13900]  }
0xfe: {  	s31 =	sor.u32 $0xB, s30;
	v44 =	vld [tilespmem:s4+$0x13910];
	v4 =	vmul.f32 v4, v3  }
0xff: {  	v45 =	vmov s31;
	v46 =	vld [tilespmem:s4+$0x13920];
	v5 =	vmul.f32 v5, v3  }
0x100: {  	v48 =	vld [tilespmem:s4+$0x13930];
	v10 =	vshrl.u32 v45, $0x3;
	v47 =	vmul.f32 v41, v3;
	[tilespmem:s4+$0x138C0] =	vst v4  }
0x101: {  	v10 =	vshll.u32 v10, v1;
	v49 =	vmul.f32 v42, v3;
	[tilespmem:s4+$0x138D0] =	vst v5  }
0x102: {  	v50 =	vadd.s32 $0x3, v10;
	v51 =	vmul.f32 v43, v3;
	[tilespmem:s4+$0x138E0] =	vst v47  }
0x103: {  	v7 =	vbroadcast v50, $0x0;
	v52 =	vmul.f32 v44, v3;
	[tilespmem:s4+$0x138F0] =	vst v49  }
0x104: {  	v53 =	vmul.f32 v46, v3;
	[tilespmem:s4+$0x13900] =	vst v51  }
0x105: {  	v3 =	vmul.f32 v48, v3;
	[tilespmem:s4+$0x13910] =	vst v52  }
0x106: {  	s31 =	sshll.u32 s31, $0x7;
	[tilespmem:s4+$0x13920] =	vst v53  }
0x107: {  	[tilespmem:s4+$0x13930] =	vst v3;
	s4 =	sand.u32 $0x3FFFFD80, s31  }
0x108: {  	v4 =	vld [tilespmem:s4+$0x138C0]  }
0x109: {  	v3 =	vld.idx.msk [tilespmem:v7+s23+$0x0], $0xffff  }
0x10a: {  	v5 =	vld [tilespmem:s4+$0x138D0]  }
0x10b: {  	v54 =	vld [tilespmem:s4+$0x138E0]  }
0x10c: {  	v55 =	vld [tilespmem:s4+$0x138F0]  }
0x10d: {  	s31 =	sor.u32 $0xC, s30;
	v56 =	vld [tilespmem:s4+$0x13900]  }
0x10e: {  	v57 =	vld [tilespmem:s4+$0x13910];
	v58 =	vmov s31;
	v4 =	vmul.f32 v4, v3  }
0x10f: {  	v59 =	vld [tilespmem:s4+$0x13920];
	v10 =	vshrl.u32 v58, $0x3;
	v5 =	vmul.f32 v5, v3  }
0x110: {  	v61 =	vld [tilespmem:s4+$0x13930];
	v10 =	vshll.u32 v10, v1;
	v60 =	vmul.f32 v54, v3;
	[tilespmem:s4+$0x138C0] =	vst v4  }
0x111: {  	v63 =	vadd.s32 $0x4, v10;
	v62 =	vmul.f32 v55, v3;
	[tilespmem:s4+$0x138D0] =	vst v5  }
0x112: {  	v7 =	vbroadcast v63, $0x0;
	v10 =	vmul.f32 v56, v3;
	[tilespmem:s4+$0x138E0] =	vst v60  }
0x113: {  	v12 =	vmul.f32 v57, v3;
	[tilespmem:s4+$0x138F0] =	vst v62  }
0x114: {  	v13 =	vmul.f32 v59, v3;
	[tilespmem:s4+$0x13900] =	vst v10  }
0x115: {  	v3 =	vmul.f32 v61, v3;
	[tilespmem:s4+$0x13910] =	vst v12  }
0x116: {  	[tilespmem:s4+$0x13920] =	vst v13  }
0x117: {  	s31 =	sshll.u32 s31, $0x7;
	[tilespmem:s4+$0x13930] =	vst v3  }
0x118: {  	s4 =	sand.u32 $0x3FFFFE00, s31;
	v3 =	vld.idx.msk [tilespmem:v7+s23+$0x0], $0xffff  }
0x119: {  	v4 =	vld [tilespmem:s4+$0x138C0]  }
0x11a: {  	v5 =	vld [tilespmem:s4+$0x138D0]  }
0x11b: {  	v14 =	vld [tilespmem:s4+$0x138E0]  }
0x11c: {  	v15 =	vld [tilespmem:s4+$0x138F0]  }
0x11d: {  	v16 =	vld [tilespmem:s4+$0x13900]  }
0x11e: {  	s31 =	sor.u32 $0xD, s30;
	v17 =	vld [tilespmem:s4+$0x13910];
	v4 =	vmul.f32 v4, v3  }
0x11f: {  	v18 =	vmov s31;
	v19 =	vld [tilespmem:s4+$0x13920];
	v5 =	vmul.f32 v5, v3  }
0x120: {  	v21 =	vld [tilespmem:s4+$0x13930];
	v10 =	vshrl.u32 v18, $0x3;
	v20 =	vmul.f32 v14, v3;
	[tilespmem:s4+$0x138C0] =	vst v4  }
0x121: {  	v10 =	vshll.u32 v10, v1;
	v22 =	vmul.f32 v15, v3;
	[tilespmem:s4+$0x138D0] =	vst v5  }
0x122: {  	v23 =	vadd.s32 $0x5, v10;
	v24 =	vmul.f32 v16, v3;
	[tilespmem:s4+$0x138E0] =	vst v20  }
0x123: {  	v7 =	vbroadcast v23, $0x0;
	v25 =	vmul.f32 v17, v3;
	[tilespmem:s4+$0x138F0] =	vst v22  }
0x124: {  	v26 =	vmul.f32 v19, v3;
	[tilespmem:s4+$0x13900] =	vst v24  }
0x125: {  	v3 =	vmul.f32 v21, v3;
	[tilespmem:s4+$0x13910] =	vst v25  }
0x126: {  	s31 =	sshll.u32 s31, $0x7;
	[tilespmem:s4+$0x13920] =	vst v26  }
0x127: {  	[tilespmem:s4+$0x13930] =	vst v3;
	s4 =	sand.u32 $0x3FFFFE80, s31  }
0x128: {  	v4 =	vld [tilespmem:s4+$0x138C0]  }
0x129: {  	v3 =	vld.idx.msk [tilespmem:v7+s23+$0x0], $0xffff  }
0x12a: {  	v5 =	vld [tilespmem:s4+$0x138D0]  }
0x12b: {  	v27 =	vld [tilespmem:s4+$0x138E0]  }
0x12c: {  	v28 =	vld [tilespmem:s4+$0x138F0]  }
0x12d: {  	s30 =	sor.u32 $0xE, s30;
	v29 =	vld [tilespmem:s4+$0x13900]  }
0x12e: {  	v31 =	vmov s30;
	v30 =	vld [tilespmem:s4+$0x13910];
	v4 =	vmul.f32 v4, v3  }
0x12f: {  	v10 =	vshrl.u32 v31, $0x3;
	v32 =	vld [tilespmem:s4+$0x13920];
	v5 =	vmul.f32 v5, v3  }
0x130: {  	v10 =	vshll.u32 v10, v1;
	v34 =	vld [tilespmem:s4+$0x13930];
	v33 =	vmul.f32 v27, v3;
	[tilespmem:s4+$0x138C0] =	vst v4  }
0x131: {  	v36 =	vadd.s32 $0x6, v10;
	v35 =	vmul.f32 v28, v3;
	[tilespmem:s4+$0x138D0] =	vst v5  }
0x132: {  	v7 =	vbroadcast v36, $0x0;
	v37 =	vmul.f32 v29, v3;
	[tilespmem:s4+$0x138E0] =	vst v33  }
0x133: {  	v38 =	vmul.f32 v30, v3;
	[tilespmem:s4+$0x138F0] =	vst v35  }
0x134: {  	v39 =	vmul.f32 v32, v3;
	[tilespmem:s4+$0x13900] =	vst v37  }
0x135: {  	v3 =	vmul.f32 v34, v3;
	[tilespmem:s4+$0x13910] =	vst v38  }
0x136: {  	[tilespmem:s4+$0x13920] =	vst v39  }
0x137: {  	s30 =	sshll.u32 s30, $0x7;
	[tilespmem:s4+$0x13930] =	vst v3  }
0x138: {  	s4 =	sand.u32 $0x3FFFFF00, s30;
	v3 =	vld.idx.msk [tilespmem:v7+s23+$0x0], $0xffff  }
0x139: {  	v4 =	vld [tilespmem:s4+$0x138C0]  }
0x13a: {  	v5 =	vld [tilespmem:s4+$0x138D0]  }
0x13b: {  	v40 =	vld [tilespmem:s4+$0x138E0]  }
0x13c: {  	v41 =	vld [tilespmem:s4+$0x138F0]  }
0x13d: {  	s31 =	sshllo.u32 s29, $0x4;
	v42 =	vld [tilespmem:s4+$0x13900]  }
0x13e: {  	v44 =	vmov s31;
	v43 =	vld [tilespmem:s4+$0x13910];
	v4 =	vmul.f32 v4, v3  }
0x13f: {  	v10 =	vshrl.u32 v44, $0x3;
	v45 =	vld [tilespmem:s4+$0x13920];
	v5 =	vmul.f32 v5, v3  }
0x140: {  	v10 =	vshll.u32 v10, v1;
	v47 =	vld [tilespmem:s4+$0x13930];
	v46 =	vmul.f32 v40, v3;
	[tilespmem:s4+$0x138C0] =	vst v4  }
0x141: {  	v49 =	vadd.s32 $0x7, v10;
	v48 =	vmul.f32 v41, v3;
	[tilespmem:s4+$0x138D0] =	vst v5  }
0x142: {  	v7 =	vbroadcast v49, $0x0;
	v50 =	vmul.f32 v42, v3;
	[tilespmem:s4+$0x138E0] =	vst v46  }
0x143: {  	v51 =	vmul.f32 v43, v3;
	[tilespmem:s4+$0x138F0] =	vst v48  }
0x144: {  	v52 =	vmul.f32 v45, v3;
	[tilespmem:s4+$0x13900] =	vst v50  }
0x145: {  	v3 =	vmul.f32 v47, v3;
	[tilespmem:s4+$0x13910] =	vst v51  }
0x146: {  	[tilespmem:s4+$0x13920] =	vst v52  }
0x147: {  	s31 =	sshll.u32 s31, $0x7;
	[tilespmem:s4+$0x13930] =	vst v3  }
0x148: {  	s4 =	sand.u32 $0x3FFFFF80, s31;
	v3 =	vld.idx.msk [tilespmem:v7+s23+$0x0], $0xffff  }
0x149: {  	v4 =	vld [tilespmem:s4+$0x138C0]  }
0x14a: {  	v5 =	vld [tilespmem:s4+$0x138D0]  }
0x14b: {  	v53 =	vld [tilespmem:s4+$0x138E0]  }
0x14c: {  	v54 =	vld [tilespmem:s4+$0x138F0]  }
0x14d: {  	v55 =	vld [tilespmem:s4+$0x13900]  }
0x14e: {  	v56 =	vld [tilespmem:s4+$0x13910];
	v4 =	vmul.f32 v4, v3  }
0x14f: {  	v57 =	vld [tilespmem:s4+$0x13920];
	v5 =	vmul.f32 v5, v3  }
0x150: {  	v59 =	vld [tilespmem:s4+$0x13930];
	v58 =	vmul.f32 v53, v3;
	[tilespmem:s4+$0x138C0] =	vst v4  }
0x151: {  	v60 =	vmul.f32 v54, v3;
	[tilespmem:s4+$0x138D0] =	vst v5  }
0x152: {  	p0 =	sne.s32 s29, $0xB;
	v61 =	vmul.f32 v55, v3;
	[tilespmem:s4+$0x138E0] =	vst v58  }
.Ltmp1:
0x153: {  	v62 =	vmul.f32 v56, v3;
	[tilespmem:s4+$0x138F0] =	vst v60;
	(pc) =	sbr.rel @p0 .LBB2_5-.Ltmp1, $4  }
0x154: {  	v63 =	vmul.f32 v57, v3;
	[tilespmem:s4+$0x13900] =	vst v61  }
0x155: {  	v3 =	vmul.f32 v59, v3;
	[tilespmem:s4+$0x13910] =	vst v62  }
0x156: {  	[tilespmem:s4+$0x13920] =	vst v63  }
0x157: {  	s29 =	sadd.s32 $0x1, s29;
	[tilespmem:s4+$0x13930] =	vst v3  }
0x158: {  	_ =	strace $0x9000004B;
	s28 =	sadd.s32 $0x1, s28  }
0x159: {  	_ =	strace $0x8000004C;
	p0 =	sne.s32 s28, $0x34  }
0x15a: {  	[spmem:s6] =	stream.indirect.scatter.add.f32 [tilespmem:s19], [sflag:$0x2], $0x80, s22, s24, $0x2000b8;
	[tilespmem:$0x19B00] =	vst v63  }
.Ltmp2:
0x15b: {  	_ = 	snop;
	(pc) =	sbr.rel @p0 .LBB2_4-.Ltmp2, $4  }
0x15c: {  	_ =	swait.ge [sflag:s20], $0x6000  }
0x15d: {  	[sflag:s20] =	ssyncset.done $0x0  }
0x15e: {  	[sflag:s20] =	ssyncadd.s32 $0xFFFFA000  }
0x15f: {  	_ =	strace $0x9000004C  }
0x160: {  	s26 =	simm.s32 $0x0  }
0x161: {  	[tilespmem:s21], [sflag:$0x2] =	stream.linear.gather [hbm4b:s14+s26], $0x10, $0x38;
	[tilespmem:$0x19B00] =	vst v63  }
0x162: {  	_ =	swait.ge [sflag:s20], $0x10  }
0x163: {  	[sflag:s20] =	ssyncset.done $0x0  }
0x164: {  	[sflag:s20] =	ssyncadd.s32 $0xFFFFFFF0  }
0x165: {  	[tilespmem:s22], [sflag:$0x2] =	stream.linear.gather [hbm4b:s15+s26], $0x10, $0x38;
	[tilespmem:$0x19B00] =	vst v63  }
0x166: {  	_ =	swait.ge [sflag:s20], $0x10  }
0x167: {  	[sflag:s20] =	ssyncset.done $0x0  }
0x168: {  	[sflag:s20] =	ssyncadd.s32 $0xFFFFFFF0  }
0x169: {  	[tilespmem:s23], [sflag:$0x2] =	stream.linear.gather [hbm4b:s16+s26], $0x10, $0x38;
	[tilespmem:$0x19B00] =	vst v63  }
0x16a: {  	_ =	swait.ge [sflag:s20], $0x10  }
0x16b: {  	[sflag:s20] =	ssyncset.done $0x0  }
0x16c: {  	[sflag:s20] =	ssyncadd.s32 $0xFFFFFFF0  }
0x16d: {  	[tilespmem:$0x19990] =	vst v2  }
0x16e: {  	[tilespmem:$0x19A50] =	vst v0  }
0x16f: {  	[tilespmem:$0x199A0] =	vst v2  }
0x170: {  	[tilespmem:$0x19A60] =	vst v0  }
0x171: {  	[tilespmem:$0x199B0] =	vst v2  }
0x172: {  	[tilespmem:$0x19A70] =	vst v0  }
0x173: {  	[tilespmem:$0x199C0] =	vst v2  }
0x174: {  	[tilespmem:$0x19A80] =	vst v0  }
0x175: {  	[tilespmem:$0x199D0] =	vst v2  }
0x176: {  	[tilespmem:$0x19A90] =	vst v0  }
0x177: {  	[tilespmem:$0x199E0] =	vst v2  }
0x178: {  	[tilespmem:$0x19AA0] =	vst v0  }
0x179: {  	[tilespmem:$0x199F0] =	vst v2  }
0x17a: {  	[tilespmem:$0x19AB0] =	vst v0  }
0x17b: {  	[tilespmem:$0x19A00] =	vst v2  }
0x17c: {  	[tilespmem:$0x19AC0] =	vst v0  }
0x17d: {  	[tilespmem:$0x19A10] =	vst v2  }
0x17e: {  	[tilespmem:$0x19AD0] =	vst v0  }
0x17f: {  	[tilespmem:$0x19A20] =	vst v2  }
0x180: {  	[tilespmem:$0x19AE0] =	vst v0  }
0x181: {  	[tilespmem:$0x19A30] =	vst v2  }
0x182: {  	[tilespmem:$0x19AF0] =	vst v0  }
0x183: {  	[tilespmem:s19], [sflag:$0x1] =	stream.indirect.gather [hbm4b:s5+s24], $0x80, s21, s24, $0xb8;
	[tilespmem:$0x19B00] =	vst v63  }
0x184: {  	_ =	swait.ge [sflag:s25], $0x6000  }
0x185: {  	[sflag:s25] =	ssyncset.done $0x0  }
0x186: {  	[sflag:s25] =	ssyncadd.s32 $0xFFFFA000  }
.LBB2_8:
0x187: {  	s28 =	sshll.u32 s26, $0x4  }
0x188: {  	v3 =	vmov s28  }
0x189: {  	v3 =	vshrl.u32 v3, $0x3  }
0x18a: {  	v3 =	vshll.u32 v3, v1  }
0x18b: {  	v3 =	vbroadcast v3, $0x0;
	_ =	sdelay $0x2  }
0x18c: {  	s4 =	sshll.u32 s26, $0xB  }
0x18d: {  	s4 =	sand.u32 $0x3FFFF800, s4  }
0x18e: {  	v4 =	vld [tilespmem:s4+$0x138C0]  }
0x18f: {  	v3 =	vld.idx.msk [tilespmem:v3+s23+$0x0], $0xffff  }
0x190: {  	v5 =	vld [tilespmem:s4+$0x138D0]  }
0x191: {  	v6 =	vld [tilespmem:s4+$0x138E0]  }
0x192: {  	v7 =	vld [tilespmem:s4+$0x138F0]  }
0x193: {  	v8 =	vld [tilespmem:s4+$0x13900]  }
0x194: {  	s29 =	sor.u32 $0x1, s28;
	v9 =	vld [tilespmem:s4+$0x13910];
	v4 =	vmul.f32 v4, v3  }
0x195: {  	v10 =	vmov s29;
	v11 =	vld [tilespmem:s4+$0x13920];
	v5 =	vmul.f32 v5, v3  }
0x196: {  	v23 =	vld [tilespmem:s4+$0x13930];
	v10 =	vshrl.u32 v10, $0x3;
	v22 =	vmul.f32 v6, v3;
	[tilespmem:s4+$0x138C0] =	vst v4  }
0x197: {  	v10 =	vshll.u32 v10, v1;
	v24 =	vmul.f32 v7, v3;
	[tilespmem:s4+$0x138D0] =	vst v5  }
0x198: {  	v25 =	vor.u32 $0x1, v10;
	v26 =	vmul.f32 v8, v3;
	[tilespmem:s4+$0x138E0] =	vst v22  }
0x199: {  	v7 =	vbroadcast v25, $0x0;
	v27 =	vmul.f32 v9, v3;
	[tilespmem:s4+$0x138F0] =	vst v24  }
0x19a: {  	v28 =	vmul.f32 v11, v3;
	[tilespmem:s4+$0x13900] =	vst v26  }
0x19b: {  	v3 =	vmul.f32 v23, v3;
	[tilespmem:s4+$0x13910] =	vst v27  }
0x19c: {  	s30 =	sshll.u32 s29, $0x7;
	[tilespmem:s4+$0x13920] =	vst v28  }
0x19d: {  	[tilespmem:s4+$0x13930] =	vst v3;
	s4 =	sand.u32 $0x3FFFF880, s30  }
0x19e: {  	v4 =	vld [tilespmem:s4+$0x138C0]  }
0x19f: {  	v3 =	vld.idx.msk [tilespmem:v7+s23+$0x0], $0xffff  }
0x1a0: {  	v5 =	vld [tilespmem:s4+$0x138D0]  }
0x1a1: {  	v29 =	vld [tilespmem:s4+$0x138E0]  }
0x1a2: {  	v30 =	vld [tilespmem:s4+$0x138F0]  }
0x1a3: {  	s31 =	sor.u32 $0x2, s28;
	v31 =	vld [tilespmem:s4+$0x13900]  }
0x1a4: {  	v33 =	vmov s31;
	v32 =	vld [tilespmem:s4+$0x13910];
	v4 =	vmul.f32 v4, v3  }
0x1a5: {  	v10 =	vshrl.u32 v33, $0x3;
	v34 =	vld [tilespmem:s4+$0x13920];
	v5 =	vmul.f32 v5, v3  }
0x1a6: {  	v10 =	vshll.u32 v10, v1;
	v36 =	vld [tilespmem:s4+$0x13930];
	v35 =	vmul.f32 v29, v3;
	[tilespmem:s4+$0x138C0] =	vst v4  }
0x1a7: {  	v38 =	vadd.s32 $0x2, v10;
	v37 =	vmul.f32 v30, v3;
	[tilespmem:s4+$0x138D0] =	vst v5  }
0x1a8: {  	v7 =	vbroadcast v38, $0x0;
	v39 =	vmul.f32 v31, v3;
	[tilespmem:s4+$0x138E0] =	vst v35  }
0x1a9: {  	v40 =	vmul.f32 v32, v3;
	[tilespmem:s4+$0x138F0] =	vst v37  }
0x1aa: {  	v41 =	vmul.f32 v34, v3;
	[tilespmem:s4+$0x13900] =	vst v39  }
0x1ab: {  	v3 =	vmul.f32 v36, v3;
	[tilespmem:s4+$0x13910] =	vst v40  }
0x1ac: {  	[tilespmem:s4+$0x13920] =	vst v41  }
0x1ad: {  	s30 =	sshll.u32 s31, $0x7;
	[tilespmem:s4+$0x13930] =	vst v3  }
0x1ae: {  	s4 =	sand.u32 $0x3FFFF900, s30;
	v3 =	vld.idx.msk [tilespmem:v7+s23+$0x0], $0xffff  }
0x1af: {  	v4 =	vld [tilespmem:s4+$0x138C0]  }
0x1b0: {  	v5 =	vld [tilespmem:s4+$0x138D0]  }
0x1b1: {  	v42 =	vld [tilespmem:s4+$0x138E0]  }
0x1b2: {  	v43 =	vld [tilespmem:s4+$0x138F0]  }
0x1b3: {  	s31 =	sor.u32 $0x3, s28;
	v44 =	vld [tilespmem:s4+$0x13900]  }
0x1b4: {  	v46 =	vmov s31;
	v45 =	vld [tilespmem:s4+$0x13910];
	v4 =	vmul.f32 v4, v3  }
0x1b5: {  	v10 =	vshrl.u32 v46, $0x3;
	v47 =	vld [tilespmem:s4+$0x13920];
	v5 =	vmul.f32 v5, v3  }
0x1b6: {  	v10 =	vshll.u32 v10, v1;
	v49 =	vld [tilespmem:s4+$0x13930];
	v48 =	vmul.f32 v42, v3;
	[tilespmem:s4+$0x138C0] =	vst v4  }
0x1b7: {  	v51 =	vadd.s32 $0x3, v10;
	v50 =	vmul.f32 v43, v3;
	[tilespmem:s4+$0x138D0] =	vst v5  }
0x1b8: {  	v7 =	vbroadcast v51, $0x0;
	v52 =	vmul.f32 v44, v3;
	[tilespmem:s4+$0x138E0] =	vst v48  }
0x1b9: {  	v53 =	vmul.f32 v45, v3;
	[tilespmem:s4+$0x138F0] =	vst v50  }
0x1ba: {  	v54 =	vmul.f32 v47, v3;
	[tilespmem:s4+$0x13900] =	vst v52  }
0x1bb: {  	v3 =	vmul.f32 v49, v3;
	[tilespmem:s4+$0x13910] =	vst v53  }
0x1bc: {  	[tilespmem:s4+$0x13920] =	vst v54  }
0x1bd: {  	s30 =	sshll.u32 s31, $0x7;
	[tilespmem:s4+$0x13930] =	vst v3  }
0x1be: {  	s4 =	sand.u32 $0x3FFFF980, s30;
	v3 =	vld.idx.msk [tilespmem:v7+s23+$0x0], $0xffff  }
0x1bf: {  	v4 =	vld [tilespmem:s4+$0x138C0]  }
0x1c0: {  	v5 =	vld [tilespmem:s4+$0x138D0]  }
0x1c1: {  	v55 =	vld [tilespmem:s4+$0x138E0]  }
0x1c2: {  	v56 =	vld [tilespmem:s4+$0x138F0]  }
0x1c3: {  	s31 =	sor.u32 $0x4, s28;
	v57 =	vld [tilespmem:s4+$0x13900]  }
0x1c4: {  	v59 =	vmov s31;
	v58 =	vld [tilespmem:s4+$0x13910];
	v4 =	vmul.f32 v4, v3  }
0x1c5: {  	v10 =	vshrl.u32 v59, $0x3;
	v60 =	vld [tilespmem:s4+$0x13920];
	v5 =	vmul.f32 v5, v3  }
0x1c6: {  	v10 =	vshll.u32 v10, v1;
	v62 =	vld [tilespmem:s4+$0x13930];
	v61 =	vmul.f32 v55, v3;
	[tilespmem:s4+$0x138C0] =	vst v4  }
0x1c7: {  	v12 =	vadd.s32 $0x4, v10;
	v63 =	vmul.f32 v56, v3;
	[tilespmem:s4+$0x138D0] =	vst v5  }
0x1c8: {  	v7 =	vbroadcast v12, $0x0;
	v13 =	vmul.f32 v57, v3;
	[tilespmem:s4+$0x138E0] =	vst v61  }
0x1c9: {  	v14 =	vmul.f32 v58, v3;
	[tilespmem:s4+$0x138F0] =	vst v63  }
0x1ca: {  	v15 =	vmul.f32 v60, v3;
	[tilespmem:s4+$0x13900] =	vst v13  }
0x1cb: {  	v3 =	vmul.f32 v62, v3;
	[tilespmem:s4+$0x13910] =	vst v14  }
0x1cc: {  	[tilespmem:s4+$0x13920] =	vst v15  }
0x1cd: {  	s30 =	sshll.u32 s31, $0x7;
	[tilespmem:s4+$0x13930] =	vst v3  }
0x1ce: {  	s4 =	sand.u32 $0x3FFFFA00, s30;
	v3 =	vld.idx.msk [tilespmem:v7+s23+$0x0], $0xffff  }
0x1cf: {  	v4 =	vld [tilespmem:s4+$0x138C0]  }
0x1d0: {  	v5 =	vld [tilespmem:s4+$0x138D0]  }
0x1d1: {  	v16 =	vld [tilespmem:s4+$0x138E0]  }
0x1d2: {  	v17 =	vld [tilespmem:s4+$0x138F0]  }
0x1d3: {  	s31 =	sor.u32 $0x5, s28;
	v18 =	vld [tilespmem:s4+$0x13900]  }
0x1d4: {  	v20 =	vmov s31;
	v19 =	vld [tilespmem:s4+$0x13910];
	v4 =	vmul.f32 v4, v3  }
0x1d5: {  	v10 =	vshrl.u32 v20, $0x3;
	v21 =	vld [tilespmem:s4+$0x13920];
	v5 =	vmul.f32 v5, v3  }
0x1d6: {  	v10 =	vshll.u32 v10, v1;
	v23 =	vld [tilespmem:s4+$0x13930];
	v22 =	vmul.f32 v16, v3;
	[tilespmem:s4+$0x138C0] =	vst v4  }
0x1d7: {  	v25 =	vadd.s32 $0x5, v10;
	v24 =	vmul.f32 v17, v3;
	[tilespmem:s4+$0x138D0] =	vst v5  }
0x1d8: {  	v7 =	vbroadcast v25, $0x0;
	v26 =	vmul.f32 v18, v3;
	[tilespmem:s4+$0x138E0] =	vst v22  }
0x1d9: {  	v27 =	vmul.f32 v19, v3;
	[tilespmem:s4+$0x138F0] =	vst v24  }
0x1da: {  	v28 =	vmul.f32 v21, v3;
	[tilespmem:s4+$0x13900] =	vst v26  }
0x1db: {  	v3 =	vmul.f32 v23, v3;
	[tilespmem:s4+$0x13910] =	vst v27  }
0x1dc: {  	[tilespmem:s4+$0x13920] =	vst v28  }
0x1dd: {  	s30 =	sshll.u32 s31, $0x7;
	[tilespmem:s4+$0x13930] =	vst v3  }
0x1de: {  	s4 =	sand.u32 $0x3FFFFA80, s30;
	v3 =	vld.idx.msk [tilespmem:v7+s23+$0x0], $0xffff  }
0x1df: {  	v4 =	vld [tilespmem:s4+$0x138C0]  }
0x1e0: {  	v5 =	vld [tilespmem:s4+$0x138D0]  }
0x1e1: {  	v29 =	vld [tilespmem:s4+$0x138E0]  }
0x1e2: {  	v30 =	vld [tilespmem:s4+$0x138F0]  }
0x1e3: {  	s31 =	sor.u32 $0x6, s28;
	v31 =	vld [tilespmem:s4+$0x13900]  }
0x1e4: {  	v33 =	vmov s31;
	v32 =	vld [tilespmem:s4+$0x13910];
	v4 =	vmul.f32 v4, v3  }
0x1e5: {  	v10 =	vshrl.u32 v33, $0x3;
	v34 =	vld [tilespmem:s4+$0x13920];
	v5 =	vmul.f32 v5, v3  }
0x1e6: {  	v10 =	vshll.u32 v10, v1;
	v36 =	vld [tilespmem:s4+$0x13930];
	v35 =	vmul.f32 v29, v3;
	[tilespmem:s4+$0x138C0] =	vst v4  }
0x1e7: {  	v38 =	vadd.s32 $0x6, v10;
	v37 =	vmul.f32 v30, v3;
	[tilespmem:s4+$0x138D0] =	vst v5  }
0x1e8: {  	v7 =	vbroadcast v38, $0x0;
	v39 =	vmul.f32 v31, v3;
	[tilespmem:s4+$0x138E0] =	vst v35  }
0x1e9: {  	v40 =	vmul.f32 v32, v3;
	[tilespmem:s4+$0x138F0] =	vst v37  }
0x1ea: {  	v41 =	vmul.f32 v34, v3;
	[tilespmem:s4+$0x13900] =	vst v39  }
0x1eb: {  	v3 =	vmul.f32 v36, v3;
	[tilespmem:s4+$0x13910] =	vst v40  }
0x1ec: {  	[tilespmem:s4+$0x13920] =	vst v41  }
0x1ed: {  	s30 =	sshll.u32 s31, $0x7;
	[tilespmem:s4+$0x13930] =	vst v3  }
0x1ee: {  	s4 =	sand.u32 $0x3FFFFB00, s30;
	v3 =	vld.idx.msk [tilespmem:v7+s23+$0x0], $0xffff  }
0x1ef: {  	v4 =	vld [tilespmem:s4+$0x138C0]  }
0x1f0: {  	v5 =	vld [tilespmem:s4+$0x138D0]  }
0x1f1: {  	v42 =	vld [tilespmem:s4+$0x138E0]  }
0x1f2: {  	v43 =	vld [tilespmem:s4+$0x138F0]  }
0x1f3: {  	s31 =	sor.u32 $0x7, s28;
	v44 =	vld [tilespmem:s4+$0x13900]  }
0x1f4: {  	v46 =	vmov s31;
	v45 =	vld [tilespmem:s4+$0x13910];
	v4 =	vmul.f32 v4, v3  }
0x1f5: {  	v10 =	vshrl.u32 v46, $0x3;
	v47 =	vld [tilespmem:s4+$0x13920];
	v5 =	vmul.f32 v5, v3  }
0x1f6: {  	v10 =	vshll.u32 v10, v1;
	v49 =	vld [tilespmem:s4+$0x13930];
	v48 =	vmul.f32 v42, v3;
	[tilespmem:s4+$0x138C0] =	vst v4  }
0x1f7: {  	v51 =	vadd.s32 $0x7, v10;
	v50 =	vmul.f32 v43, v3;
	[tilespmem:s4+$0x138D0] =	vst v5  }
0x1f8: {  	v7 =	vbroadcast v51, $0x0;
	v52 =	vmul.f32 v44, v3;
	[tilespmem:s4+$0x138E0] =	vst v48  }
0x1f9: {  	v53 =	vmul.f32 v45, v3;
	[tilespmem:s4+$0x138F0] =	vst v50  }
0x1fa: {  	v54 =	vmul.f32 v47, v3;
	[tilespmem:s4+$0x13900] =	vst v52  }
0x1fb: {  	v3 =	vmul.f32 v49, v3;
	[tilespmem:s4+$0x13910] =	vst v53  }
0x1fc: {  	[tilespmem:s4+$0x13920] =	vst v54  }
0x1fd: {  	s30 =	sshll.u32 s31, $0x7;
	[tilespmem:s4+$0x13930] =	vst v3  }
0x1fe: {  	s4 =	sand.u32 $0x3FFFFB80, s30;
	v3 =	vld.idx.msk [tilespmem:v7+s23+$0x0], $0xffff  }
0x1ff: {  	v4 =	vld [tilespmem:s4+$0x138C0]  }
0x200: {  	v5 =	vld [tilespmem:s4+$0x138D0]  }
0x201: {  	v55 =	vld [tilespmem:s4+$0x138E0]  }
0x202: {  	v56 =	vld [tilespmem:s4+$0x138F0]  }
0x203: {  	v57 =	vld [tilespmem:s4+$0x13900]  }
0x204: {  	s31 =	sor.u32 $0x8, s28;
	v58 =	vld [tilespmem:s4+$0x13910];
	v4 =	vmul.f32 v4, v3  }
0x205: {  	v60 =	vmov s31;
	v59 =	vld [tilespmem:s4+$0x13920];
	v5 =	vmul.f32 v5, v3  }
0x206: {  	v11 =	vshrl.u32 v60, $0x3;
	v62 =	vld [tilespmem:s4+$0x13930];
	v61 =	vmul.f32 v55, v3;
	[tilespmem:s4+$0x138C0] =	vst v4  }
0x207: {  	v11 =	vshll.u32 v11, v1;
	v63 =	vmul.f32 v56, v3;
	[tilespmem:s4+$0x138D0] =	vst v5  }
0x208: {  	v7 =	vbroadcast v11, $0x0;
	v12 =	vmul.f32 v57, v3;
	[tilespmem:s4+$0x138E0] =	vst v61  }
0x209: {  	v13 =	vmul.f32 v58, v3;
	[tilespmem:s4+$0x138F0] =	vst v63  }
0x20a: {  	v14 =	vmul.f32 v59, v3;
	[tilespmem:s4+$0x13900] =	vst v12  }
0x20b: {  	v3 =	vmul.f32 v62, v3;
	[tilespmem:s4+$0x13910] =	vst v13  }
0x20c: {  	[tilespmem:s4+$0x13920] =	vst v14  }
0x20d: {  	s30 =	sshll.u32 s31, $0x7;
	[tilespmem:s4+$0x13930] =	vst v3  }
0x20e: {  	s4 =	sand.u32 $0x3FFFFC00, s30;
	v3 =	vld.idx.msk [tilespmem:v7+s23+$0x0], $0xffff  }
0x20f: {  	v4 =	vld [tilespmem:s4+$0x138C0]  }
0x210: {  	v5 =	vld [tilespmem:s4+$0x138D0]  }
0x211: {  	v15 =	vld [tilespmem:s4+$0x138E0]  }
0x212: {  	v16 =	vld [tilespmem:s4+$0x138F0]  }
0x213: {  	s31 =	sor.u32 $0x9, s28;
	v17 =	vld [tilespmem:s4+$0x13900]  }
0x214: {  	v19 =	vmov s31;
	v18 =	vld [tilespmem:s4+$0x13910];
	v4 =	vmul.f32 v4, v3  }
0x215: {  	v10 =	vshrl.u32 v19, $0x3;
	v20 =	vld [tilespmem:s4+$0x13920];
	v5 =	vmul.f32 v5, v3  }
0x216: {  	v10 =	vshll.u32 v10, v1;
	v22 =	vld [tilespmem:s4+$0x13930];
	v21 =	vmul.f32 v15, v3;
	[tilespmem:s4+$0x138C0] =	vst v4  }
0x217: {  	v24 =	vadd.s32 $0x1, v10;
	v23 =	vmul.f32 v16, v3;
	[tilespmem:s4+$0x138D0] =	vst v5  }
0x218: {  	v7 =	vbroadcast v24, $0x0;
	v25 =	vmul.f32 v17, v3;
	[tilespmem:s4+$0x138E0] =	vst v21  }
0x219: {  	v26 =	vmul.f32 v18, v3;
	[tilespmem:s4+$0x138F0] =	vst v23  }
0x21a: {  	v27 =	vmul.f32 v20, v3;
	[tilespmem:s4+$0x13900] =	vst v25  }
0x21b: {  	v3 =	vmul.f32 v22, v3;
	[tilespmem:s4+$0x13910] =	vst v26  }
0x21c: {  	[tilespmem:s4+$0x13920] =	vst v27  }
0x21d: {  	s30 =	sshll.u32 s31, $0x7;
	[tilespmem:s4+$0x13930] =	vst v3  }
0x21e: {  	s4 =	sand.u32 $0x3FFFFC80, s30;
	v3 =	vld.idx.msk [tilespmem:v7+s23+$0x0], $0xffff  }
0x21f: {  	v4 =	vld [tilespmem:s4+$0x138C0]  }
0x220: {  	v5 =	vld [tilespmem:s4+$0x138D0]  }
0x221: {  	v28 =	vld [tilespmem:s4+$0x138E0]  }
0x222: {  	v29 =	vld [tilespmem:s4+$0x138F0]  }
0x223: {  	s31 =	sor.u32 $0xA, s28;
	v30 =	vld [tilespmem:s4+$0x13900]  }
0x224: {  	v32 =	vmov s31;
	v31 =	vld [tilespmem:s4+$0x13910];
	v4 =	vmul.f32 v4, v3  }
0x225: {  	v10 =	vshrl.u32 v32, $0x3;
	v33 =	vld [tilespmem:s4+$0x13920];
	v5 =	vmul.f32 v5, v3  }
0x226: {  	v10 =	vshll.u32 v10, v1;
	v35 =	vld [tilespmem:s4+$0x13930];
	v34 =	vmul.f32 v28, v3;
	[tilespmem:s4+$0x138C0] =	vst v4  }
0x227: {  	v37 =	vadd.s32 $0x2, v10;
	v36 =	vmul.f32 v29, v3;
	[tilespmem:s4+$0x138D0] =	vst v5  }
0x228: {  	v7 =	vbroadcast v37, $0x0;
	v38 =	vmul.f32 v30, v3;
	[tilespmem:s4+$0x138E0] =	vst v34  }
0x229: {  	v39 =	vmul.f32 v31, v3;
	[tilespmem:s4+$0x138F0] =	vst v36  }
0x22a: {  	v40 =	vmul.f32 v33, v3;
	[tilespmem:s4+$0x13900] =	vst v38  }
0x22b: {  	v3 =	vmul.f32 v35, v3;
	[tilespmem:s4+$0x13910] =	vst v39  }
0x22c: {  	[tilespmem:s4+$0x13920] =	vst v40  }
0x22d: {  	s30 =	sshll.u32 s31, $0x7;
	[tilespmem:s4+$0x13930] =	vst v3  }
0x22e: {  	s4 =	sand.u32 $0x3FFFFD00, s30;
	v3 =	vld.idx.msk [tilespmem:v7+s23+$0x0], $0xffff  }
0x22f: {  	v4 =	vld [tilespmem:s4+$0x138C0]  }
0x230: {  	v5 =	vld [tilespmem:s4+$0x138D0]  }
0x231: {  	v41 =	vld [tilespmem:s4+$0x138E0]  }
0x232: {  	v42 =	vld [tilespmem:s4+$0x138F0]  }
0x233: {  	s31 =	sor.u32 $0xB, s28;
	v43 =	vld [tilespmem:s4+$0x13900]  }
0x234: {  	v45 =	vmov s31;
	v44 =	vld [tilespmem:s4+$0x13910];
	v4 =	vmul.f32 v4, v3  }
0x235: {  	v10 =	vshrl.u32 v45, $0x3;
	v46 =	vld [tilespmem:s4+$0x13920];
	v5 =	vmul.f32 v5, v3  }
0x236: {  	v10 =	vshll.u32 v10, v1;
	v48 =	vld [tilespmem:s4+$0x13930];
	v47 =	vmul.f32 v41, v3;
	[tilespmem:s4+$0x138C0] =	vst v4  }
0x237: {  	v50 =	vadd.s32 $0x3, v10;
	v49 =	vmul.f32 v42, v3;
	[tilespmem:s4+$0x138D0] =	vst v5  }
0x238: {  	v7 =	vbroadcast v50, $0x0;
	v51 =	vmul.f32 v43, v3;
	[tilespmem:s4+$0x138E0] =	vst v47  }
0x239: {  	v52 =	vmul.f32 v44, v3;
	[tilespmem:s4+$0x138F0] =	vst v49  }
0x23a: {  	v53 =	vmul.f32 v46, v3;
	[tilespmem:s4+$0x13900] =	vst v51  }
0x23b: {  	v3 =	vmul.f32 v48, v3;
	[tilespmem:s4+$0x13910] =	vst v52  }
0x23c: {  	[tilespmem:s4+$0x13920] =	vst v53  }
0x23d: {  	s30 =	sshll.u32 s31, $0x7;
	[tilespmem:s4+$0x13930] =	vst v3  }
0x23e: {  	s4 =	sand.u32 $0x3FFFFD80, s30;
	v3 =	vld.idx.msk [tilespmem:v7+s23+$0x0], $0xffff  }
0x23f: {  	v4 =	vld [tilespmem:s4+$0x138C0]  }
0x240: {  	v5 =	vld [tilespmem:s4+$0x138D0]  }
0x241: {  	v54 =	vld [tilespmem:s4+$0x138E0]  }
0x242: {  	v55 =	vld [tilespmem:s4+$0x138F0]  }
0x243: {  	s31 =	sor.u32 $0xC, s28;
	v56 =	vld [tilespmem:s4+$0x13900]  }
0x244: {  	v58 =	vmov s31;
	v57 =	vld [tilespmem:s4+$0x13910];
	v4 =	vmul.f32 v4, v3  }
0x245: {  	v10 =	vshrl.u32 v58, $0x3;
	v59 =	vld [tilespmem:s4+$0x13920];
	v5 =	vmul.f32 v5, v3  }
0x246: {  	v10 =	vshll.u32 v10, v1;
	v61 =	vld [tilespmem:s4+$0x13930];
	v60 =	vmul.f32 v54, v3;
	[tilespmem:s4+$0x138C0] =	vst v4  }
0x247: {  	v63 =	vadd.s32 $0x4, v10;
	v62 =	vmul.f32 v55, v3;
	[tilespmem:s4+$0x138D0] =	vst v5  }
0x248: {  	v7 =	vbroadcast v63, $0x0;
	v10 =	vmul.f32 v56, v3;
	[tilespmem:s4+$0x138E0] =	vst v60  }
0x249: {  	v12 =	vmul.f32 v57, v3;
	[tilespmem:s4+$0x138F0] =	vst v62  }
0x24a: {  	v13 =	vmul.f32 v59, v3;
	[tilespmem:s4+$0x13900] =	vst v10  }
0x24b: {  	v3 =	vmul.f32 v61, v3;
	[tilespmem:s4+$0x13910] =	vst v12  }
0x24c: {  	[tilespmem:s4+$0x13920] =	vst v13  }
0x24d: {  	s29 =	sshll.u32 s31, $0x7;
	[tilespmem:s4+$0x13930] =	vst v3  }
0x24e: {  	s4 =	sand.u32 $0x3FFFFE00, s29;
	v3 =	vld.idx.msk [tilespmem:v7+s23+$0x0], $0xffff  }
0x24f: {  	v4 =	vld [tilespmem:s4+$0x138C0]  }
0x250: {  	v5 =	vld [tilespmem:s4+$0x138D0]  }
0x251: {  	v14 =	vld [tilespmem:s4+$0x138E0]  }
0x252: {  	v15 =	vld [tilespmem:s4+$0x138F0]  }
0x253: {  	s30 =	sor.u32 $0xD, s28;
	v16 =	vld [tilespmem:s4+$0x13900]  }
0x254: {  	v18 =	vmov s30;
	v17 =	vld [tilespmem:s4+$0x13910];
	v4 =	vmul.f32 v4, v3  }
0x255: {  	v10 =	vshrl.u32 v18, $0x3;
	v19 =	vld [tilespmem:s4+$0x13920];
	v5 =	vmul.f32 v5, v3  }
0x256: {  	v21 =	vld [tilespmem:s4+$0x13930];
	v10 =	vshll.u32 v10, v1;
	v20 =	vmul.f32 v14, v3;
	[tilespmem:s4+$0x138C0] =	vst v4  }
0x257: {  	v23 =	vadd.s32 $0x5, v10;
	v22 =	vmul.f32 v15, v3;
	[tilespmem:s4+$0x138D0] =	vst v5  }
0x258: {  	v7 =	vbroadcast v23, $0x0;
	v24 =	vmul.f32 v16, v3;
	[tilespmem:s4+$0x138E0] =	vst v20  }
0x259: {  	v25 =	vmul.f32 v17, v3;
	[tilespmem:s4+$0x138F0] =	vst v22  }
0x25a: {  	v26 =	vmul.f32 v19, v3;
	[tilespmem:s4+$0x13900] =	vst v24  }
0x25b: {  	v3 =	vmul.f32 v21, v3;
	[tilespmem:s4+$0x13910] =	vst v25  }
0x25c: {  	[tilespmem:s4+$0x13920] =	vst v26  }
0x25d: {  	s31 =	sshll.u32 s30, $0x7;
	[tilespmem:s4+$0x13930] =	vst v3  }
0x25e: {  	s4 =	sand.u32 $0x3FFFFE80, s31;
	v3 =	vld.idx.msk [tilespmem:v7+s23+$0x0], $0xffff  }
0x25f: {  	v4 =	vld [tilespmem:s4+$0x138C0]  }
0x260: {  	v5 =	vld [tilespmem:s4+$0x138D0]  }
0x261: {  	v27 =	vld [tilespmem:s4+$0x138E0]  }
0x262: {  	v28 =	vld [tilespmem:s4+$0x138F0]  }
0x263: {  	s28 =	sor.u32 $0xE, s28;
	v29 =	vld [tilespmem:s4+$0x13900]  }
0x264: {  	v31 =	vmov s28;
	v30 =	vld [tilespmem:s4+$0x13910];
	v4 =	vmul.f32 v4, v3  }
0x265: {  	v10 =	vshrl.u32 v31, $0x3;
	v32 =	vld [tilespmem:s4+$0x13920];
	v5 =	vmul.f32 v5, v3  }
0x266: {  	v10 =	vshll.u32 v10, v1;
	v34 =	vld [tilespmem:s4+$0x13930];
	v33 =	vmul.f32 v27, v3;
	[tilespmem:s4+$0x138C0] =	vst v4  }
0x267: {  	v36 =	vadd.s32 $0x6, v10;
	v35 =	vmul.f32 v28, v3;
	[tilespmem:s4+$0x138D0] =	vst v5  }
0x268: {  	v7 =	vbroadcast v36, $0x0;
	v37 =	vmul.f32 v29, v3;
	[tilespmem:s4+$0x138E0] =	vst v33  }
0x269: {  	v38 =	vmul.f32 v30, v3;
	[tilespmem:s4+$0x138F0] =	vst v35  }
0x26a: {  	v39 =	vmul.f32 v32, v3;
	[tilespmem:s4+$0x13900] =	vst v37  }
0x26b: {  	v3 =	vmul.f32 v34, v3;
	[tilespmem:s4+$0x13910] =	vst v38  }
0x26c: {  	[tilespmem:s4+$0x13920] =	vst v39  }
0x26d: {  	s29 =	sshll.u32 s28, $0x7;
	[tilespmem:s4+$0x13930] =	vst v3  }
0x26e: {  	s4 =	sand.u32 $0x3FFFFF00, s29;
	v3 =	vld.idx.msk [tilespmem:v7+s23+$0x0], $0xffff  }
0x26f: {  	v4 =	vld [tilespmem:s4+$0x138C0]  }
0x270: {  	v5 =	vld [tilespmem:s4+$0x138D0]  }
0x271: {  	v40 =	vld [tilespmem:s4+$0x138E0]  }
0x272: {  	v41 =	vld [tilespmem:s4+$0x138F0]  }
0x273: {  	s30 =	sshllo.u32 s26, $0x4;
	v42 =	vld [tilespmem:s4+$0x13900]  }
0x274: {  	v44 =	vmov s30;
	v43 =	vld [tilespmem:s4+$0x13910];
	v4 =	vmul.f32 v4, v3  }
0x275: {  	v10 =	vshrl.u32 v44, $0x3;
	v45 =	vld [tilespmem:s4+$0x13920];
	v5 =	vmul.f32 v5, v3  }
0x276: {  	v10 =	vshll.u32 v10, v1;
	v47 =	vld [tilespmem:s4+$0x13930];
	v46 =	vmul.f32 v40, v3;
	[tilespmem:s4+$0x138C0] =	vst v4  }
0x277: {  	v49 =	vadd.s32 $0x7, v10;
	v48 =	vmul.f32 v41, v3;
	[tilespmem:s4+$0x138D0] =	vst v5  }
0x278: {  	v7 =	vbroadcast v49, $0x0;
	v50 =	vmul.f32 v42, v3;
	[tilespmem:s4+$0x138E0] =	vst v46  }
0x279: {  	v51 =	vmul.f32 v43, v3;
	[tilespmem:s4+$0x138F0] =	vst v48  }
0x27a: {  	v52 =	vmul.f32 v45, v3;
	[tilespmem:s4+$0x13900] =	vst v50  }
0x27b: {  	v3 =	vmul.f32 v47, v3;
	[tilespmem:s4+$0x13910] =	vst v51  }
0x27c: {  	[tilespmem:s4+$0x13920] =	vst v52  }
0x27d: {  	s31 =	sshll.u32 s30, $0x7;
	[tilespmem:s4+$0x13930] =	vst v3  }
0x27e: {  	s4 =	sand.u32 $0x3FFFFF80, s31;
	v3 =	vld.idx.msk [tilespmem:v7+s23+$0x0], $0xffff  }
0x27f: {  	v4 =	vld [tilespmem:s4+$0x138C0]  }
0x280: {  	v5 =	vld [tilespmem:s4+$0x138D0]  }
0x281: {  	v53 =	vld [tilespmem:s4+$0x138E0]  }
0x282: {  	v54 =	vld [tilespmem:s4+$0x138F0]  }
0x283: {  	v55 =	vld [tilespmem:s4+$0x13900]  }
0x284: {  	v56 =	vld [tilespmem:s4+$0x13910];
	v4 =	vmul.f32 v4, v3  }
0x285: {  	v57 =	vld [tilespmem:s4+$0x13920];
	v5 =	vmul.f32 v5, v3  }
0x286: {  	v59 =	vld [tilespmem:s4+$0x13930];
	v58 =	vmul.f32 v53, v3;
	[tilespmem:s4+$0x138C0] =	vst v4  }
0x287: {  	v60 =	vmul.f32 v54, v3;
	[tilespmem:s4+$0x138D0] =	vst v5  }
0x288: {  	p0 =	sne.s32 s26, $0xB;
	v61 =	vmul.f32 v55, v3;
	[tilespmem:s4+$0x138E0] =	vst v58  }
.Ltmp3:
0x289: {  	v62 =	vmul.f32 v56, v3;
	[tilespmem:s4+$0x138F0] =	vst v60;
	(pc) =	sbr.rel @p0 .LBB2_8-.Ltmp3, $4  }
0x28a: {  	v63 =	vmul.f32 v57, v3;
	[tilespmem:s4+$0x13900] =	vst v61  }
0x28b: {  	v3 =	vmul.f32 v59, v3;
	[tilespmem:s4+$0x13910] =	vst v62  }
0x28c: {  	[tilespmem:s4+$0x13920] =	vst v63  }
0x28d: {  	s26 =	sadd.s32 $0x1, s26;
	[tilespmem:s4+$0x13930] =	vst v3  }
0x28e: {  	[spmem:s6] =	stream.indirect.scatter.add.f32 [tilespmem:s19], [sflag:$0x2], $0x80, s22, s24, $0xb8;
	[tilespmem:$0x19B00] =	vst v63  }
0x28f: {  	_ =	swait.ge [sflag:s20], $0x6000  }
0x290: {  	s4 =	sshll.u32 s1, $0x6;
	s7 =	sadd.s32 $0x1, s7;
	[sflag:s20] =	ssyncset.done $0x0  }
0x291: {  	s26 =	sshrl.u32 s9, $0x3;
	p0 =	sne.s32 s7, s18;
	[sflag:s20] =	ssyncadd.s32 $0xFFFFA000  }
.Ltmp4:
0x292: {  	s4 =	sor.u32 $0x1C02, s4;
	[bflag:$0x0] =	sbarrier.arrive $0xFFFF;
	(pc) =	sbr.rel @p0 .LBB2_1-.Ltmp4, $4  }
0x293: {  	[hbm:s17], [sflag:s4] =	dma.local [spmem:s26], $0x2710  }
0x294: {  	_ =	swait.ge [sflag:s20], $0x2710  }
0x295: {  	[sflag:s20] =	ssyncset.done $0x0  }
0x296: {  	[sflag:s20] =	ssyncadd.s32 $0xFFFFD8F0  }
0x297: {  	_ =	sfence.sel $0x180000  }
0x298: {  	[bflag:$0x0] =	sbarrier.arrive $0xFFFF  }
0x299: {  	_ =	strace $0x90000047  }
0x29a: {  	[bflag:$0x2] =	sbarrier.arrive $0xFFFF  }
0x29b: {  	p0 =	sne.s32 s1, $0x0;
	s0 =	rddreg [dreg:$0x5]  }
0x29c: {  	s0 =	sadd.s32 @!p0 $0x100000, s0  }
0x29d: {  	[sflag:s0] =	ssyncadd.tile.s32 @!p0 $0x1;
	_ =	shalt  }
.Lfunc_end2:
_tile_overlayer_lowered:
.L_overlay_start_2:
0x29e: {  	(tag) =	ssettag $0x2  }
0x29f: {  	s0 =	rddreg [dreg:$0x0];
	s2 =	stileid.u32  }
0x2a0: {  	s1 =	rddreg [dreg:$0x1];
	p0 =	sne.s32 s2, $0x0  }
0x2a1: {  	s3 =	rddreg [dreg:$0x2];
	[bflag:$0x3] =	sbarrier.arrive $0xFFFF;
	s2 =	simm.s32 @!p0 $0x1C02  }
0x2a2: {  	[timem:s3], [sflag:s2] =	dma.local @!p0 [hbm:s0], s1  }
0x2a3: {  	s0 =	simm.s32 @!p0 $0x2  }
0x2a4: {  	_ =	swait.ge @!p0 [sflag:s0], s1  }
0x2a5: {  	s1 =	ssub.s32 @!p0 $0x0, s1;
	[sflag:s0] =	ssyncset.done @!p0 $0x0  }
0x2a6: {  	[sflag:s0] =	ssyncadd.s32 @!p0 s1  }
0x2a7: {  	[bflag:$0x3] =	sbarrier.arrive $0xFFFF  }
0x2a8: {  	_ =	shalt  }

</sc_bundles>
